<compile_context>
chip_gen: v7x
topology: tpu7x:2x2x1
jax: 0.10.2.dev20260603
libtpu: 0.0.44.dev20260713+nightly
codegen_flags: <defaults>
</compile_context>

<pallas_src>
import functools

import jax
import jax.numpy as jnp
from jax import lax
from jax.experimental import pallas as pl
from jax.experimental.pallas import tpu as pltpu
from jax.experimental.pallas import tpu_sc as plsc

VOCAB = 1000000
D = 16
P = 16
B = 1024
L = 20
NC = 2
NS = 16
LANES = 16

VTAIL = VOCAB % 128
VMAIN = VOCAB - VTAIL
VPAD = (VOCAB + 127) // 128 * 128
STAGE = 2 * 8 * VPAD

TOK_PER = (B * L) // NS
N_ELEMS = 8 * TOK_PER
N_VREGS = N_ELEMS // LANES
CHUNKS = L * (D // 8) * (B // 128)

SLAB_W = 4096
N_FULL_SLABS = VMAIN // SLAB_W
SLAB_REM = VMAIN - N_FULL_SLABS * SLAB_W

_SIN_C = (3.1415926409395194, -5.16771227680099, 2.550158280611899,
          -0.5992355764431792, 0.08207129109386657, -0.0072673205351405645,
          0.00039296507712438533)
_COS_C = (0.9999999999193584, -4.9348021895543805, 4.0587118821364,
          -1.3352607094469748, 0.23532212897209104, -0.025787854658556375,
          0.0019059119592104157, -8.916973064498901e-05)


def _horner(w, coeffs):
    r = jnp.full((LANES,), coeffs[-1], dtype=jnp.float32)
    for c in coeffs[-2::-1]:
        r = r * w + c
    return r


def _sincos(v):
    a = jnp.abs(v)
    e = jnp.exp(a * -2.0)
    u = jnp.sign(v) * ((1.0 - e) / (1.0 + e))
    w = u * u
    return _horner(w, _COS_C), u * _horner(w, _SIN_C)


def _make_sc_kernel():
    mesh = plsc.VectorSubcoreMesh(core_axis_name="c", subcore_axis_name="s",
                                  num_cores=NC, num_subcores=NS)

    @functools.partial(
        pl.kernel,
        out_type=(jax.ShapeDtypeStruct((STAGE,), jnp.float32),
                  jax.ShapeDtypeStruct((CHUNKS, 8, 128), jnp.float32),
                  jax.ShapeDtypeStruct((CHUNKS, 8, 128), jnp.float32)),
        mesh=mesh,
        scratch_types=[
            pltpu.VMEM((8, SLAB_W), jnp.float32),
            pltpu.VMEM((2 * 8 * VTAIL,), jnp.float32),
            pltpu.VMEM((128 * L,), jnp.int32),
            pltpu.VMEM((N_ELEMS,), jnp.int32),
            pltpu.VMEM((N_ELEMS,), jnp.float32),
            pltpu.VMEM((L // 2, 8, 128), jnp.float32),
            pltpu.VMEM((L // 2, 8, 128), jnp.float32),
            pltpu.SemaphoreType.DMA,
            pltpu.SemaphoreType.DMA,
        ],
        compiler_params=pltpu.CompilerParams(use_tc_tiling_on_sc=True,
                                             needs_layout_passes=False),
    )
    def sc_fn(tok_hbm, tab_hbm, tail_hbm, stage_hbm, re_hbm, im_hbm,
              slab_v, tail_v, tok_v, idxf_v, rows_v, re_v, im_v, sem, sem2):
        core = lax.axis_index("c")
        sid = lax.axis_index("s")
        row0 = core * 8
        srow = core * 8 * VPAD

        def slab_body(t, carry):
            ch = sid + t * NS

            @pl.when(ch < N_FULL_SLABS)
            def _():
                pltpu.sync_copy(
                    tab_hbm.at[pl.ds(row0, 8), pl.ds(ch * SLAB_W, SLAB_W)],
                    slab_v)
                cps = [
                    pltpu.async_copy(
                        slab_v.at[din],
                        stage_hbm.at[pl.ds(srow + din * VPAD + ch * SLAB_W,
                                           SLAB_W)],
                        sem)
                    for din in range(8)
                ]
                for cp in cps:
                    cp.wait()

            @pl.when(ch == N_FULL_SLABS)
            def _():
                pltpu.sync_copy(
                    tab_hbm.at[pl.ds(row0, 8),
                               pl.ds(N_FULL_SLABS * SLAB_W, SLAB_REM)],
                    slab_v.at[:, pl.ds(0, SLAB_REM)])
                cps = [
                    pltpu.async_copy(
                        slab_v.at[din, pl.ds(0, SLAB_REM)],
                        stage_hbm.at[pl.ds(
                            srow + din * VPAD + N_FULL_SLABS * SLAB_W,
                            SLAB_REM)],
                        sem)
                    for din in range(8)
                ]
                for cp in cps:
                    cp.wait()

            return carry

        lax.fori_loop(0, (N_FULL_SLABS + NS) // NS, slab_body, 0)

        @pl.when(sid == 0)
        def _():
            pltpu.sync_copy(tail_hbm, tail_v)
            cps = [
                pltpu.async_copy(
                    tail_v.at[pl.ds((core * 8 + din) * VTAIL, VTAIL)],
                    stage_hbm.at[pl.ds(srow + din * VPAD + VMAIN, VTAIL)],
                    sem)
                for din in range(8)
            ]
            for cp in cps:
                cp.wait()

        plsc.subcore_barrier()

        bblk = sid // 2
        lgrp = sid % 2

        pltpu.sync_copy(tok_hbm.at[pl.ds(bblk * 128 * L, 128 * L)], tok_v)

        iota20 = lax.iota(jnp.int32, LANES) * L

        def idx_body(g, carry):
            grp = g & 7
            din = (g >> 3) & 7
            l_off = g >> 6
            pos0 = grp * (LANES * L) + lgrp * (L // 2) + l_off
            tok16 = plsc.load_gather(tok_v, [iota20 + pos0])
            idxf_v[pl.ds(g * LANES, LANES)] = (
                tok16 + (srow + din * VPAD))
            return carry

        lax.fori_loop(0, N_VREGS, idx_body, 0)

        pltpu.async_copy(stage_hbm.at[idxf_v], rows_v, sem2).wait()

        def body(g, carry):
            c16, s16 = _sincos(rows_v[pl.ds(g * LANES, LANES)])
            l_off = g >> 6
            din = (g >> 3) & 7
            col = (g & 7) * LANES
            re_v[l_off, din, pl.ds(col, LANES)] = c16
            im_v[l_off, din, pl.ds(col, LANES)] = s16
            return carry

        lax.fori_loop(0, N_VREGS, body, 0)

        cps = []
        for l_off in range(L // 2):
            lq = lgrp * (L // 2) + l_off
            chunk = (lq * 2) * 8 + bblk
            cps.append(pltpu.async_copy(
                re_v.at[l_off], re_hbm.at[chunk + core * 8], sem2))
            cps.append(pltpu.async_copy(
                im_v.at[l_off], im_hbm.at[chunk + core * 8], sem2))
        for cp in cps:
            cp.wait()

    return sc_fn


def kernel(token_ids, embedding_table):
    tok = token_ids.reshape(B * L).astype(jnp.int32)
    tail = embedding_table[VMAIN:, :].T.reshape(D * VTAIL)
    _, re3, im3 = _make_sc_kernel()(tok, embedding_table.T, tail)

    def planes(x):
        return (x.reshape(L, 2, 8, 8, 128).transpose(2, 4, 0, 1, 3)
                .reshape(B, L, D))

    re = planes(re3)
    im = planes(im3)
    base = lax.complex(re, im).reshape(B, L, 1, D)
    return jnp.broadcast_to(base, (B, L, P, D))

# --- scband reference (transcript-rebuilt; emitter-appended) ---
"""Pipeline reference for scband-symbol-encoder-8169027797682 (READ-ONLY COPY).

The authoritative reference and input builder live on the scoring server;
editing this copy changes nothing except your own understanding.
"""

import jax, jax.numpy as jnp
import numpy as np

VOCAB_SIZE = 1000000
EMBED_DIM = 16
PATCH_SIZE = 16
BATCH = 1024
SEQ = 20


def setup_inputs(seed: int = 0) -> dict:
    key = jax.random.key(seed)
    k_idx, k_tab = jax.random.split(key)
    token_ids = jax.random.randint(k_idx, (BATCH, SEQ), 0, VOCAB_SIZE)
    # learned embedding table (nn.Embed default init ~ normal(stddev=1/sqrt(dim)))
    embedding_table = jax.random.normal(k_tab, (VOCAB_SIZE, EMBED_DIM), dtype=jnp.float32) * (1.0 / np.sqrt(EMBED_DIM))
    return {"token_ids": token_ids, "embedding_table": embedding_table}


def reference(token_ids, embedding_table):
    # Embedding lookup (gather on SparseCore)
    phase_emb = jnp.take(embedding_table, token_ids, axis=0)  # [B, L, D]
    phase = jnp.tanh(phase_emb) * jnp.pi
    amp = jnp.ones_like(phase)
    base_complex = jax.lax.complex(amp * jnp.cos(phase), amp * jnp.sin(phase))  # complex64 [B, L, D]
    complex_patches = jnp.tile(base_complex[..., None, :], (1, 1, PATCH_SIZE, 1))  # [B, L, P, D]
    return complex_patches

if __name__ == "__main__":
    import jax
    _d = setup_inputs()
    print(jax.jit(kernel)(*tuple(_d.values())))

</pallas_src>

<mosaic_0001>
#map = affine_map<(d0, d1) -> (0)>
#map1 = affine_map<(d0, d1) -> (0, 0)>
#map2 = affine_map<(d0, d1) -> (0, 0, 0)>
module attributes {stable_mosaic.version = 14 : i64} {
  func.func @sc_fn(%arg0: i32, %arg1: i32, %arg2: memref<20480xi32, #tpu.memory_space<hbm>>, %arg3: memref<16x1000000xf32, #tpu.memory_space<hbm>>, %arg4: memref<1024xf32, #tpu.memory_space<hbm>>, %arg5: memref<16001024xf32, #tpu.memory_space<hbm>>, %arg6: memref<320x8x128xf32, #tpu.memory_space<hbm>>, %arg7: memref<320x8x128xf32, #tpu.memory_space<hbm>>, %arg8: memref<8x4096xf32, #tpu.memory_space<vmem>>, %arg9: memref<1024xf32, #tpu.memory_space<vmem>>, %arg10: memref<2560xi32, #tpu.memory_space<vmem>>, %arg11: memref<10240xi32, #tpu.memory_space<vmem>>, %arg12: memref<10240xf32, #tpu.memory_space<vmem>>, %arg13: memref<10x8x128xf32, #tpu.memory_space<vmem>>, %arg14: memref<10x8x128xf32, #tpu.memory_space<vmem>>, %arg15: memref<!tpu.dma_semaphore, #tpu.memory_space<semaphore_mem>>, %arg16: memref<!tpu.dma_semaphore, #tpu.memory_space<semaphore_mem>>) attributes {dimension_semantics = [#tpu.dimension_semantics<core_parallel>, #tpu.dimension_semantics<subcore_parallel>], iteration_bounds = array<i64: 2, 16>, scalar_prefetch = 0 : i64, scratch_operands = 9 : i64, tpu.core_type = #tpu.core_type<sc_vector_subcore>, window_params = [{transform_indices = #map}, {transform_indices = #map1}, {transform_indices = #map}, {transform_indices = #map}, {transform_indices = #map2}, {transform_indices = #map2}]} {
    %mul3A = arith.constant 8 : i32
    %mul3A_0 = arith.muli %arg0, %mul3A : i32
    %mul3A_1 = arith.constant 8 : i32
    %mul3A_2 = arith.muli %arg0, %mul3A_1 : i32
    %mul3A_3 = arith.constant 1000064 : i32
    %mul3A_4 = arith.muli %mul3A_2, %mul3A_3 : i32
    %scan3A = arith.constant 0 : i32
    %scan3A_5 = arith.constant 0 : i32
    %scan3A_6 = arith.constant 16 : i32
    %scan3A_7 = arith.addi %scan3A_5, %scan3A_6 : i32
    %scan3A_8 = arith.constant 1 : i32
    scf.for %scan3A_893 = %scan3A_5 to %scan3A_7 step %scan3A_8  : i32 {
      %mul3A_894 = arith.constant 16 : i32
      %mul3A_895 = arith.muli %scan3A_893, %mul3A_894 : i32
      %add3A_896 = arith.addi %arg1, %mul3A_895 : i32
      %lt3A_897 = arith.constant 244 : i32
      %lt3A_898 = arith.cmpi slt, %add3A_896, %lt3A_897 : i32
      %convert_element_type3A_899 = arith.extui %lt3A_898 : i1 to i32
      %cond3A_900 = arith.constant 0 : i32
      %cond3A_901 = arith.cmpi ne, %convert_element_type3A_899, %cond3A_900 : i32
      scf.if %cond3A_901 {
        %mul3A_907 = arith.constant 4096 : i32
        %mul3A_908 = arith.muli %add3A_896, %mul3A_907 : i32
        "tpu.region"() ({
          %run_scoped3A = tpu.sem_alloc : memref<!tpu.dma_semaphore, #tpu.memory_space<semaphore_mem>>
          %dma_start3A_1093 = tpu.memref_slice %arg3[%mul3A_0, %mul3A_908] : memref<16x1000000xf32, #tpu.memory_space<hbm>> -> memref<8x4096xf32, #tpu.memory_space<hbm>>
          %dma_start3A_1094 = tpu.memref_slice %arg3[%mul3A_0, %mul3A_908] : memref<16x1000000xf32, #tpu.memory_space<hbm>> -> memref<8x4096xf32, #tpu.memory_space<hbm>>
          tpu.enqueue_dma source(%dma_start3A_1094 : memref<8x4096xf32, #tpu.memory_space<hbm>>) target(%arg8 : memref<8x4096xf32, #tpu.memory_space<vmem>>) target_semaphore(%run_scoped3A : memref<!tpu.dma_semaphore, #tpu.memory_space<semaphore_mem>>)
          %dma_wait3A_1095 = tpu.memref_slice %arg3[%mul3A_0, %mul3A_908] : memref<16x1000000xf32, #tpu.memory_space<hbm>> -> memref<8x4096xf32, #tpu.memory_space<hbm>>
          %dma_wait3A_1096 = tpu.memref_slice %arg3[%mul3A_0, %mul3A_908] : memref<16x1000000xf32, #tpu.memory_space<hbm>> -> memref<8x4096xf32, #tpu.memory_space<hbm>>
          tpu.wait_dma2 semaphore(%run_scoped3A : memref<!tpu.dma_semaphore, #tpu.memory_space<semaphore_mem>>) src(%dma_wait3A_1096 : memref<8x4096xf32, #tpu.memory_space<hbm>>) dst(%arg8 : memref<8x4096xf32, #tpu.memory_space<vmem>>)
          tpu.yield
        }) : () -> ()
        %add3A_909 = arith.constant 0 : i32
        %add3A_910 = arith.addi %mul3A_4, %add3A_909 : i32
        %mul3A_911 = arith.constant 4096 : i32
        %mul3A_912 = arith.muli %add3A_896, %mul3A_911 : i32
        %add3A_913 = arith.addi %add3A_910, %mul3A_912 : i32
        %dma_start3A_914 = arith.constant 0 : i32
        %dma_start3A_915 = arith.constant 0 : i32
        %dma_start3A_916 = tpu.memref_slice %arg8[%dma_start3A_914, %dma_start3A_915] : memref<8x4096xf32, #tpu.memory_space<vmem>> -> memref<1x4096xf32, #tpu.memory_space<vmem>>
        %dma_start3A_917 = tpu.memref_squeeze %dma_start3A_916 : memref<1x4096xf32, #tpu.memory_space<vmem>> -> memref<4096xf32, #tpu.memory_space<vmem>>
        %dma_start3A_918 = tpu.memref_slice %arg5[%add3A_913] : memref<16001024xf32, #tpu.memory_space<hbm>> -> memref<4096xf32, #tpu.memory_space<hbm>>
        %dma_start3A_919 = tpu.memref_slice %arg5[%add3A_913] : memref<16001024xf32, #tpu.memory_space<hbm>> -> memref<4096xf32, #tpu.memory_space<hbm>>
        %dma_start3A_920 = arith.constant 0 : i32
        %dma_start3A_921 = tpu.memref_slice %arg8[%dma_start3A_914, %dma_start3A_920] : memref<8x4096xf32, #tpu.memory_space<vmem>> -> memref<1x4096xf32, #tpu.memory_space<vmem>>
        %dma_start3A_922 = tpu.memref_squeeze %dma_start3A_921 : memref<1x4096xf32, #tpu.memory_space<vmem>> -> memref<4096xf32, #tpu.memory_space<vmem>>
        tpu.enqueue_dma source(%dma_start3A_922 : memref<4096xf32, #tpu.memory_space<vmem>>) target(%dma_start3A_919 : memref<4096xf32, #tpu.memory_space<hbm>>) target_semaphore(%arg15 : memref<!tpu.dma_semaphore, #tpu.memory_space<semaphore_mem>>)
        %add3A_923 = arith.constant 1000064 : i32
        %add3A_924 = arith.addi %mul3A_4, %add3A_923 : i32
        %mul3A_925 = arith.constant 4096 : i32
        %mul3A_926 = arith.muli %add3A_896, %mul3A_925 : i32
        %add3A_927 = arith.addi %add3A_924, %mul3A_926 : i32
        %dma_start3A_928 = arith.constant 1 : i32
        %dma_start3A_929 = arith.constant 0 : i32
        %dma_start3A_930 = tpu.memref_slice %arg8[%dma_start3A_928, %dma_start3A_929] : memref<8x4096xf32, #tpu.memory_space<vmem>> -> memref<1x4096xf32, #tpu.memory_space<vmem>>
        %dma_start3A_931 = tpu.memref_squeeze %dma_start3A_930 : memref<1x4096xf32, #tpu.memory_space<vmem>> -> memref<4096xf32, #tpu.memory_space<vmem>>
        %dma_start3A_932 = tpu.memref_slice %arg5[%add3A_927] : memref<16001024xf32, #tpu.memory_space<hbm>> -> memref<4096xf32, #tpu.memory_space<hbm>>
        %dma_start3A_933 = tpu.memref_slice %arg5[%add3A_927] : memref<16001024xf32, #tpu.memory_space<hbm>> -> memref<4096xf32, #tpu.memory_space<hbm>>
        %dma_start3A_934 = arith.constant 0 : i32
        %dma_start3A_935 = tpu.memref_slice %arg8[%dma_start3A_928, %dma_start3A_934] : memref<8x4096xf32, #tpu.memory_space<vmem>> -> memref<1x4096xf32, #tpu.memory_space<vmem>>
        %dma_start3A_936 = tpu.memref_squeeze %dma_start3A_935 : memref<1x4096xf32, #tpu.memory_space<vmem>> -> memref<4096xf32, #tpu.memory_space<vmem>>
        tpu.enqueue_dma source(%dma_start3A_936 : memref<4096xf32, #tpu.memory_space<vmem>>) target(%dma_start3A_933 : memref<4096xf32, #tpu.memory_space<hbm>>) target_semaphore(%arg15 : memref<!tpu.dma_semaphore, #tpu.memory_space<semaphore_mem>>)
        %add3A_937 = arith.constant 2000128 : i32
        %add3A_938 = arith.addi %mul3A_4, %add3A_937 : i32
        %mul3A_939 = arith.constant 4096 : i32
        %mul3A_940 = arith.muli %add3A_896, %mul3A_939 : i32
        %add3A_941 = arith.addi %add3A_938, %mul3A_940 : i32
        %dma_start3A_942 = arith.constant 2 : i32
        %dma_start3A_943 = arith.constant 0 : i32
        %dma_start3A_944 = tpu.memref_slice %arg8[%dma_start3A_942, %dma_start3A_943] : memref<8x4096xf32, #tpu.memory_space<vmem>> -> memref<1x4096xf32, #tpu.memory_space<vmem>>
        %dma_start3A_945 = tpu.memref_squeeze %dma_start3A_944 : memref<1x4096xf32, #tpu.memory_space<vmem>> -> memref<4096xf32, #tpu.memory_space<vmem>>
        %dma_start3A_946 = tpu.memref_slice %arg5[%add3A_941] : memref<16001024xf32, #tpu.memory_space<hbm>> -> memref<4096xf32, #tpu.memory_space<hbm>>
        %dma_start3A_947 = tpu.memref_slice %arg5[%add3A_941] : memref<16001024xf32, #tpu.memory_space<hbm>> -> memref<4096xf32, #tpu.memory_space<hbm>>
        %dma_start3A_948 = arith.constant 0 : i32
        %dma_start3A_949 = tpu.memref_slice %arg8[%dma_start3A_942, %dma_start3A_948] : memref<8x4096xf32, #tpu.memory_space<vmem>> -> memref<1x4096xf32, #tpu.memory_space<vmem>>
        %dma_start3A_950 = tpu.memref_squeeze %dma_start3A_949 : memref<1x4096xf32, #tpu.memory_space<vmem>> -> memref<4096xf32, #tpu.memory_space<vmem>>
        tpu.enqueue_dma source(%dma_start3A_950 : memref<4096xf32, #tpu.memory_space<vmem>>) target(%dma_start3A_947 : memref<4096xf32, #tpu.memory_space<hbm>>) target_semaphore(%arg15 : memref<!tpu.dma_semaphore, #tpu.memory_space<semaphore_mem>>)
        %add3A_951 = arith.constant 3000192 : i32
        %add3A_952 = arith.addi %mul3A_4, %add3A_951 : i32
        %mul3A_953 = arith.constant 4096 : i32
        %mul3A_954 = arith.muli %add3A_896, %mul3A_953 : i32
        %add3A_955 = arith.addi %add3A_952, %mul3A_954 : i32
        %dma_start3A_956 = arith.constant 3 : i32
        %dma_start3A_957 = arith.constant 0 : i32
        %dma_start3A_958 = tpu.memref_slice %arg8[%dma_start3A_956, %dma_start3A_957] : memref<8x4096xf32, #tpu.memory_space<vmem>> -> memref<1x4096xf32, #tpu.memory_space<vmem>>
        %dma_start3A_959 = tpu.memref_squeeze %dma_start3A_958 : memref<1x4096xf32, #tpu.memory_space<vmem>> -> memref<4096xf32, #tpu.memory_space<vmem>>
        %dma_start3A_960 = tpu.memref_slice %arg5[%add3A_955] : memref<16001024xf32, #tpu.memory_space<hbm>> -> memref<4096xf32, #tpu.memory_space<hbm>>
        %dma_start3A_961 = tpu.memref_slice %arg5[%add3A_955] : memref<16001024xf32, #tpu.memory_space<hbm>> -> memref<4096xf32, #tpu.memory_space<hbm>>
        %dma_start3A_962 = arith.constant 0 : i32
        %dma_start3A_963 = tpu.memref_slice %arg8[%dma_start3A_956, %dma_start3A_962] : memref<8x4096xf32, #tpu.memory_space<vmem>> -> memref<1x4096xf32, #tpu.memory_space<vmem>>
        %dma_start3A_964 = tpu.memref_squeeze %dma_start3A_963 : memref<1x4096xf32, #tpu.memory_space<vmem>> -> memref<4096xf32, #tpu.memory_space<vmem>>
        tpu.enqueue_dma source(%dma_start3A_964 : memref<4096xf32, #tpu.memory_space<vmem>>) target(%dma_start3A_961 : memref<4096xf32, #tpu.memory_space<hbm>>) target_semaphore(%arg15 : memref<!tpu.dma_semaphore, #tpu.memory_space<semaphore_mem>>)
        %add3A_965 = arith.constant 4000256 : i32
        %add3A_966 = arith.addi %mul3A_4, %add3A_965 : i32
        %mul3A_967 = arith.constant 4096 : i32
        %mul3A_968 = arith.muli %add3A_896, %mul3A_967 : i32
        %add3A_969 = arith.addi %add3A_966, %mul3A_968 : i32
        %dma_start3A_970 = arith.constant 4 : i32
        %dma_start3A_971 = arith.constant 0 : i32
        %dma_start3A_972 = tpu.memref_slice %arg8[%dma_start3A_970, %dma_start3A_971] : memref<8x4096xf32, #tpu.memory_space<vmem>> -> memref<1x4096xf32, #tpu.memory_space<vmem>>
        %dma_start3A_973 = tpu.memref_squeeze %dma_start3A_972 : memref<1x4096xf32, #tpu.memory_space<vmem>> -> memref<4096xf32, #tpu.memory_space<vmem>>
        %dma_start3A_974 = tpu.memref_slice %arg5[%add3A_969] : memref<16001024xf32, #tpu.memory_space<hbm>> -> memref<4096xf32, #tpu.memory_space<hbm>>
        %dma_start3A_975 = tpu.memref_slice %arg5[%add3A_969] : memref<16001024xf32, #tpu.memory_space<hbm>> -> memref<4096xf32, #tpu.memory_space<hbm>>
        %dma_start3A_976 = arith.constant 0 : i32
        %dma_start3A_977 = tpu.memref_slice %arg8[%dma_start3A_970, %dma_start3A_976] : memref<8x4096xf32, #tpu.memory_space<vmem>> -> memref<1x4096xf32, #tpu.memory_space<vmem>>
        %dma_start3A_978 = tpu.memref_squeeze %dma_start3A_977 : memref<1x4096xf32, #tpu.memory_space<vmem>> -> memref<4096xf32, #tpu.memory_space<vmem>>
        tpu.enqueue_dma source(%dma_start3A_978 : memref<4096xf32, #tpu.memory_space<vmem>>) target(%dma_start3A_975 : memref<4096xf32, #tpu.memory_space<hbm>>) target_semaphore(%arg15 : memref<!tpu.dma_semaphore, #tpu.memory_space<semaphore_mem>>)
        %add3A_979 = arith.constant 5000320 : i32
        %add3A_980 = arith.addi %mul3A_4, %add3A_979 : i32
        %mul3A_981 = arith.constant 4096 : i32
        %mul3A_982 = arith.muli %add3A_896, %mul3A_981 : i32
        %add3A_983 = arith.addi %add3A_980, %mul3A_982 : i32
        %dma_start3A_984 = arith.constant 5 : i32
        %dma_start3A_985 = arith.constant 0 : i32
        %dma_start3A_986 = tpu.memref_slice %arg8[%dma_start3A_984, %dma_start3A_985] : memref<8x4096xf32, #tpu.memory_space<vmem>> -> memref<1x4096xf32, #tpu.memory_space<vmem>>
        %dma_start3A_987 = tpu.memref_squeeze %dma_start3A_986 : memref<1x4096xf32, #tpu.memory_space<vmem>> -> memref<4096xf32, #tpu.memory_space<vmem>>
        %dma_start3A_988 = tpu.memref_slice %arg5[%add3A_983] : memref<16001024xf32, #tpu.memory_space<hbm>> -> memref<4096xf32, #tpu.memory_space<hbm>>
        %dma_start3A_989 = tpu.memref_slice %arg5[%add3A_983] : memref<16001024xf32, #tpu.memory_space<hbm>> -> memref<4096xf32, #tpu.memory_space<hbm>>
        %dma_start3A_990 = arith.constant 0 : i32
        %dma_start3A_991 = tpu.memref_slice %arg8[%dma_start3A_984, %dma_start3A_990] : memref<8x4096xf32, #tpu.memory_space<vmem>> -> memref<1x4096xf32, #tpu.memory_space<vmem>>
        %dma_start3A_992 = tpu.memref_squeeze %dma_start3A_991 : memref<1x4096xf32, #tpu.memory_space<vmem>> -> memref<4096xf32, #tpu.memory_space<vmem>>
        tpu.enqueue_dma source(%dma_start3A_992 : memref<4096xf32, #tpu.memory_space<vmem>>) target(%dma_start3A_989 : memref<4096xf32, #tpu.memory_space<hbm>>) target_semaphore(%arg15 : memref<!tpu.dma_semaphore, #tpu.memory_space<semaphore_mem>>)
        %add3A_993 = arith.constant 6000384 : i32
        %add3A_994 = arith.addi %mul3A_4, %add3A_993 : i32
        %mul3A_995 = arith.constant 4096 : i32
        %mul3A_996 = arith.muli %add3A_896, %mul3A_995 : i32
        %add3A_997 = arith.addi %add3A_994, %mul3A_996 : i32
        %dma_start3A_998 = arith.constant 6 : i32
        %dma_start3A_999 = arith.constant 0 : i32
        %dma_start3A_1000 = tpu.memref_slice %arg8[%dma_start3A_998, %dma_start3A_999] : memref<8x4096xf32, #tpu.memory_space<vmem>> -> memref<1x4096xf32, #tpu.memory_space<vmem>>
        %dma_start3A_1001 = tpu.memref_squeeze %dma_start3A_1000 : memref<1x4096xf32, #tpu.memory_space<vmem>> -> memref<4096xf32, #tpu.memory_space<vmem>>
        %dma_start3A_1002 = tpu.memref_slice %arg5[%add3A_997] : memref<16001024xf32, #tpu.memory_space<hbm>> -> memref<4096xf32, #tpu.memory_space<hbm>>
        %dma_start3A_1003 = tpu.memref_slice %arg5[%add3A_997] : memref<16001024xf32, #tpu.memory_space<hbm>> -> memref<4096xf32, #tpu.memory_space<hbm>>
        %dma_start3A_1004 = arith.constant 0 : i32
        %dma_start3A_1005 = tpu.memref_slice %arg8[%dma_start3A_998, %dma_start3A_1004] : memref<8x4096xf32, #tpu.memory_space<vmem>> -> memref<1x4096xf32, #tpu.memory_space<vmem>>
        %dma_start3A_1006 = tpu.memref_squeeze %dma_start3A_1005 : memref<1x4096xf32, #tpu.memory_space<vmem>> -> memref<4096xf32, #tpu.memory_space<vmem>>
        tpu.enqueue_dma source(%dma_start3A_1006 : memref<4096xf32, #tpu.memory_space<vmem>>) target(%dma_start3A_1003 : memref<4096xf32, #tpu.memory_space<hbm>>) target_semaphore(%arg15 : memref<!tpu.dma_semaphore, #tpu.memory_space<semaphore_mem>>)
        %add3A_1007 = arith.constant 7000448 : i32
        %add3A_1008 = arith.addi %mul3A_4, %add3A_1007 : i32
        %mul3A_1009 = arith.constant 4096 : i32
        %mul3A_1010 = arith.muli %add3A_896, %mul3A_1009 : i32
        %add3A_1011 = arith.addi %add3A_1008, %mul3A_1010 : i32
        %dma_start3A_1012 = arith.constant 7 : i32
        %dma_start3A_1013 = arith.constant 0 : i32
        %dma_start3A_1014 = tpu.memref_slice %arg8[%dma_start3A_1012, %dma_start3A_1013] : memref<8x4096xf32, #tpu.memory_space<vmem>> -> memref<1x4096xf32, #tpu.memory_space<vmem>>
        %dma_start3A_1015 = tpu.memref_squeeze %dma_start3A_1014 : memref<1x4096xf32, #tpu.memory_space<vmem>> -> memref<4096xf32, #tpu.memory_space<vmem>>
        %dma_start3A_1016 = tpu.memref_slice %arg5[%add3A_1011] : memref<16001024xf32, #tpu.memory_space<hbm>> -> memref<4096xf32, #tpu.memory_space<hbm>>
        %dma_start3A_1017 = tpu.memref_slice %arg5[%add3A_1011] : memref<16001024xf32, #tpu.memory_space<hbm>> -> memref<4096xf32, #tpu.memory_space<hbm>>
        %dma_start3A_1018 = arith.constant 0 : i32
        %dma_start3A_1019 = tpu.memref_slice %arg8[%dma_start3A_1012, %dma_start3A_1018] : memref<8x4096xf32, #tpu.memory_space<vmem>> -> memref<1x4096xf32, #tpu.memory_space<vmem>>
        %dma_start3A_1020 = tpu.memref_squeeze %dma_start3A_1019 : memref<1x4096xf32, #tpu.memory_space<vmem>> -> memref<4096xf32, #tpu.memory_space<vmem>>
        tpu.enqueue_dma source(%dma_start3A_1020 : memref<4096xf32, #tpu.memory_space<vmem>>) target(%dma_start3A_1017 : memref<4096xf32, #tpu.memory_space<hbm>>) target_semaphore(%arg15 : memref<!tpu.dma_semaphore, #tpu.memory_space<semaphore_mem>>)
        %dma_wait3A_1021 = arith.constant 0 : i32
        %dma_wait3A_1022 = arith.constant 0 : i32
        %dma_wait3A_1023 = tpu.memref_slice %arg8[%dma_wait3A_1021, %dma_wait3A_1022] : memref<8x4096xf32, #tpu.memory_space<vmem>> -> memref<1x4096xf32, #tpu.memory_space<vmem>>
        %dma_wait3A_1024 = tpu.memref_squeeze %dma_wait3A_1023 : memref<1x4096xf32, #tpu.memory_space<vmem>> -> memref<4096xf32, #tpu.memory_space<vmem>>
        %dma_wait3A_1025 = tpu.memref_slice %arg5[%add3A_913] : memref<16001024xf32, #tpu.memory_space<hbm>> -> memref<4096xf32, #tpu.memory_space<hbm>>
        %dma_wait3A_1026 = tpu.memref_slice %arg5[%add3A_913] : memref<16001024xf32, #tpu.memory_space<hbm>> -> memref<4096xf32, #tpu.memory_space<hbm>>
        %dma_wait3A_1027 = arith.constant 0 : i32
        %dma_wait3A_1028 = tpu.memref_slice %arg8[%dma_wait3A_1021, %dma_wait3A_1027] : memref<8x4096xf32, #tpu.memory_space<vmem>> -> memref<1x4096xf32, #tpu.memory_space<vmem>>
        %dma_wait3A_1029 = tpu.memref_squeeze %dma_wait3A_1028 : memref<1x4096xf32, #tpu.memory_space<vmem>> -> memref<4096xf32, #tpu.memory_space<vmem>>
        tpu.wait_dma2 semaphore(%arg15 : memref<!tpu.dma_semaphore, #tpu.memory_space<semaphore_mem>>) src(%dma_wait3A_1029 : memref<4096xf32, #tpu.memory_space<vmem>>) dst(%dma_wait3A_1026 : memref<4096xf32, #tpu.memory_space<hbm>>)
        %dma_wait3A_1030 = arith.constant 1 : i32
        %dma_wait3A_1031 = arith.constant 0 : i32
        %dma_wait3A_1032 = tpu.memref_slice %arg8[%dma_wait3A_1030, %dma_wait3A_1031] : memref<8x4096xf32, #tpu.memory_space<vmem>> -> memref<1x4096xf32, #tpu.memory_space<vmem>>
        %dma_wait3A_1033 = tpu.memref_squeeze %dma_wait3A_1032 : memref<1x4096xf32, #tpu.memory_space<vmem>> -> memref<4096xf32, #tpu.memory_space<vmem>>
        %dma_wait3A_1034 = tpu.memref_slice %arg5[%add3A_927] : memref<16001024xf32, #tpu.memory_space<hbm>> -> memref<4096xf32, #tpu.memory_space<hbm>>
        %dma_wait3A_1035 = tpu.memref_slice %arg5[%add3A_927] : memref<16001024xf32, #tpu.memory_space<hbm>> -> memref<4096xf32, #tpu.memory_space<hbm>>
        %dma_wait3A_1036 = arith.constant 0 : i32
        %dma_wait3A_1037 = tpu.memref_slice %arg8[%dma_wait3A_1030, %dma_wait3A_1036] : memref<8x4096xf32, #tpu.memory_space<vmem>> -> memref<1x4096xf32, #tpu.memory_space<vmem>>
        %dma_wait3A_1038 = tpu.memref_squeeze %dma_wait3A_1037 : memref<1x4096xf32, #tpu.memory_space<vmem>> -> memref<4096xf32, #tpu.memory_space<vmem>>
        tpu.wait_dma2 semaphore(%arg15 : memref<!tpu.dma_semaphore, #tpu.memory_space<semaphore_mem>>) src(%dma_wait3A_1038 : memref<4096xf32, #tpu.memory_space<vmem>>) dst(%dma_wait3A_1035 : memref<4096xf32, #tpu.memory_space<hbm>>)
        %dma_wait3A_1039 = arith.constant 2 : i32
        %dma_wait3A_1040 = arith.constant 0 : i32
        %dma_wait3A_1041 = tpu.memref_slice %arg8[%dma_wait3A_1039, %dma_wait3A_1040] : memref<8x4096xf32, #tpu.memory_space<vmem>> -> memref<1x4096xf32, #tpu.memory_space<vmem>>
        %dma_wait3A_1042 = tpu.memref_squeeze %dma_wait3A_1041 : memref<1x4096xf32, #tpu.memory_space<vmem>> -> memref<4096xf32, #tpu.memory_space<vmem>>
        %dma_wait3A_1043 = tpu.memref_slice %arg5[%add3A_941] : memref<16001024xf32, #tpu.memory_space<hbm>> -> memref<4096xf32, #tpu.memory_space<hbm>>
        %dma_wait3A_1044 = tpu.memref_slice %arg5[%add3A_941] : memref<16001024xf32, #tpu.memory_space<hbm>> -> memref<4096xf32, #tpu.memory_space<hbm>>
        %dma_wait3A_1045 = arith.constant 0 : i32
        %dma_wait3A_1046 = tpu.memref_slice %arg8[%dma_wait3A_1039, %dma_wait3A_1045] : memref<8x4096xf32, #tpu.memory_space<vmem>> -> memref<1x4096xf32, #tpu.memory_space<vmem>>
        %dma_wait3A_1047 = tpu.memref_squeeze %dma_wait3A_1046 : memref<1x4096xf32, #tpu.memory_space<vmem>> -> memref<4096xf32, #tpu.memory_space<vmem>>
        tpu.wait_dma2 semaphore(%arg15 : memref<!tpu.dma_semaphore, #tpu.memory_space<semaphore_mem>>) src(%dma_wait3A_1047 : memref<4096xf32, #tpu.memory_space<vmem>>) dst(%dma_wait3A_1044 : memref<4096xf32, #tpu.memory_space<hbm>>)
        %dma_wait3A_1048 = arith.constant 3 : i32
        %dma_wait3A_1049 = arith.constant 0 : i32
        %dma_wait3A_1050 = tpu.memref_slice %arg8[%dma_wait3A_1048, %dma_wait3A_1049] : memref<8x4096xf32, #tpu.memory_space<vmem>> -> memref<1x4096xf32, #tpu.memory_space<vmem>>
        %dma_wait3A_1051 = tpu.memref_squeeze %dma_wait3A_1050 : memref<1x4096xf32, #tpu.memory_space<vmem>> -> memref<4096xf32, #tpu.memory_space<vmem>>
        %dma_wait3A_1052 = tpu.memref_slice %arg5[%add3A_955] : memref<16001024xf32, #tpu.memory_space<hbm>> -> memref<4096xf32, #tpu.memory_space<hbm>>
        %dma_wait3A_1053 = tpu.memref_slice %arg5[%add3A_955] : memref<16001024xf32, #tpu.memory_space<hbm>> -> memref<4096xf32, #tpu.memory_space<hbm>>
        %dma_wait3A_1054 = arith.constant 0 : i32
        %dma_wait3A_1055 = tpu.memref_slice %arg8[%dma_wait3A_1048, %dma_wait3A_1054] : memref<8x4096xf32, #tpu.memory_space<vmem>> -> memref<1x4096xf32, #tpu.memory_space<vmem>>
        %dma_wait3A_1056 = tpu.memref_squeeze %dma_wait3A_1055 : memref<1x4096xf32, #tpu.memory_space<vmem>> -> memref<4096xf32, #tpu.memory_space<vmem>>
        tpu.wait_dma2 semaphore(%arg15 : memref<!tpu.dma_semaphore, #tpu.memory_space<semaphore_mem>>) src(%dma_wait3A_1056 : memref<4096xf32, #tpu.memory_space<vmem>>) dst(%dma_wait3A_1053 : memref<4096xf32, #tpu.memory_space<hbm>>)
        %dma_wait3A_1057 = arith.constant 4 : i32
        %dma_wait3A_1058 = arith.constant 0 : i32
        %dma_wait3A_1059 = tpu.memref_slice %arg8[%dma_wait3A_1057, %dma_wait3A_1058] : memref<8x4096xf32, #tpu.memory_space<vmem>> -> memref<1x4096xf32, #tpu.memory_space<vmem>>
        %dma_wait3A_1060 = tpu.memref_squeeze %dma_wait3A_1059 : memref<1x4096xf32, #tpu.memory_space<vmem>> -> memref<4096xf32, #tpu.memory_space<vmem>>
        %dma_wait3A_1061 = tpu.memref_slice %arg5[%add3A_969] : memref<16001024xf32, #tpu.memory_space<hbm>> -> memref<4096xf32, #tpu.memory_space<hbm>>
        %dma_wait3A_1062 = tpu.memref_slice %arg5[%add3A_969] : memref<16001024xf32, #tpu.memory_space<hbm>> -> memref<4096xf32, #tpu.memory_space<hbm>>
        %dma_wait3A_1063 = arith.constant 0 : i32
        %dma_wait3A_1064 = tpu.memref_slice %arg8[%dma_wait3A_1057, %dma_wait3A_1063] : memref<8x4096xf32, #tpu.memory_space<vmem>> -> memref<1x4096xf32, #tpu.memory_space<vmem>>
        %dma_wait3A_1065 = tpu.memref_squeeze %dma_wait3A_1064 : memref<1x4096xf32, #tpu.memory_space<vmem>> -> memref<4096xf32, #tpu.memory_space<vmem>>
        tpu.wait_dma2 semaphore(%arg15 : memref<!tpu.dma_semaphore, #tpu.memory_space<semaphore_mem>>) src(%dma_wait3A_1065 : memref<4096xf32, #tpu.memory_space<vmem>>) dst(%dma_wait3A_1062 : memref<4096xf32, #tpu.memory_space<hbm>>)
        %dma_wait3A_1066 = arith.constant 5 : i32
        %dma_wait3A_1067 = arith.constant 0 : i32
        %dma_wait3A_1068 = tpu.memref_slice %arg8[%dma_wait3A_1066, %dma_wait3A_1067] : memref<8x4096xf32, #tpu.memory_space<vmem>> -> memref<1x4096xf32, #tpu.memory_space<vmem>>
        %dma_wait3A_1069 = tpu.memref_squeeze %dma_wait3A_1068 : memref<1x4096xf32, #tpu.memory_space<vmem>> -> memref<4096xf32, #tpu.memory_space<vmem>>
        %dma_wait3A_1070 = tpu.memref_slice %arg5[%add3A_983] : memref<16001024xf32, #tpu.memory_space<hbm>> -> memref<4096xf32, #tpu.memory_space<hbm>>
        %dma_wait3A_1071 = tpu.memref_slice %arg5[%add3A_983] : memref<16001024xf32, #tpu.memory_space<hbm>> -> memref<4096xf32, #tpu.memory_space<hbm>>
        %dma_wait3A_1072 = arith.constant 0 : i32
        %dma_wait3A_1073 = tpu.memref_slice %arg8[%dma_wait3A_1066, %dma_wait3A_1072] : memref<8x4096xf32, #tpu.memory_space<vmem>> -> memref<1x4096xf32, #tpu.memory_space<vmem>>
        %dma_wait3A_1074 = tpu.memref_squeeze %dma_wait3A_1073 : memref<1x4096xf32, #tpu.memory_space<vmem>> -> memref<4096xf32, #tpu.memory_space<vmem>>
        tpu.wait_dma2 semaphore(%arg15 : memref<!tpu.dma_semaphore, #tpu.memory_space<semaphore_mem>>) src(%dma_wait3A_1074 : memref<4096xf32, #tpu.memory_space<vmem>>) dst(%dma_wait3A_1071 : memref<4096xf32, #tpu.memory_space<hbm>>)
        %dma_wait3A_1075 = arith.constant 6 : i32
        %dma_wait3A_1076 = arith.constant 0 : i32
        %dma_wait3A_1077 = tpu.memref_slice %arg8[%dma_wait3A_1075, %dma_wait3A_1076] : memref<8x4096xf32, #tpu.memory_space<vmem>> -> memref<1x4096xf32, #tpu.memory_space<vmem>>
        %dma_wait3A_1078 = tpu.memref_squeeze %dma_wait3A_1077 : memref<1x4096xf32, #tpu.memory_space<vmem>> -> memref<4096xf32, #tpu.memory_space<vmem>>
        %dma_wait3A_1079 = tpu.memref_slice %arg5[%add3A_997] : memref<16001024xf32, #tpu.memory_space<hbm>> -> memref<4096xf32, #tpu.memory_space<hbm>>
        %dma_wait3A_1080 = tpu.memref_slice %arg5[%add3A_997] : memref<16001024xf32, #tpu.memory_space<hbm>> -> memref<4096xf32, #tpu.memory_space<hbm>>
        %dma_wait3A_1081 = arith.constant 0 : i32
        %dma_wait3A_1082 = tpu.memref_slice %arg8[%dma_wait3A_1075, %dma_wait3A_1081] : memref<8x4096xf32, #tpu.memory_space<vmem>> -> memref<1x4096xf32, #tpu.memory_space<vmem>>
        %dma_wait3A_1083 = tpu.memref_squeeze %dma_wait3A_1082 : memref<1x4096xf32, #tpu.memory_space<vmem>> -> memref<4096xf32, #tpu.memory_space<vmem>>
        tpu.wait_dma2 semaphore(%arg15 : memref<!tpu.dma_semaphore, #tpu.memory_space<semaphore_mem>>) src(%dma_wait3A_1083 : memref<4096xf32, #tpu.memory_space<vmem>>) dst(%dma_wait3A_1080 : memref<4096xf32, #tpu.memory_space<hbm>>)
        %dma_wait3A_1084 = arith.constant 7 : i32
        %dma_wait3A_1085 = arith.constant 0 : i32
        %dma_wait3A_1086 = tpu.memref_slice %arg8[%dma_wait3A_1084, %dma_wait3A_1085] : memref<8x4096xf32, #tpu.memory_space<vmem>> -> memref<1x4096xf32, #tpu.memory_space<vmem>>
        %dma_wait3A_1087 = tpu.memref_squeeze %dma_wait3A_1086 : memref<1x4096xf32, #tpu.memory_space<vmem>> -> memref<4096xf32, #tpu.memory_space<vmem>>
        %dma_wait3A_1088 = tpu.memref_slice %arg5[%add3A_1011] : memref<16001024xf32, #tpu.memory_space<hbm>> -> memref<4096xf32, #tpu.memory_space<hbm>>
        %dma_wait3A_1089 = tpu.memref_slice %arg5[%add3A_1011] : memref<16001024xf32, #tpu.memory_space<hbm>> -> memref<4096xf32, #tpu.memory_space<hbm>>
        %dma_wait3A_1090 = arith.constant 0 : i32
        %dma_wait3A_1091 = tpu.memref_slice %arg8[%dma_wait3A_1084, %dma_wait3A_1090] : memref<8x4096xf32, #tpu.memory_space<vmem>> -> memref<1x4096xf32, #tpu.memory_space<vmem>>
        %dma_wait3A_1092 = tpu.memref_squeeze %dma_wait3A_1091 : memref<1x4096xf32, #tpu.memory_space<vmem>> -> memref<4096xf32, #tpu.memory_space<vmem>>
        tpu.wait_dma2 semaphore(%arg15 : memref<!tpu.dma_semaphore, #tpu.memory_space<semaphore_mem>>) src(%dma_wait3A_1092 : memref<4096xf32, #tpu.memory_space<vmem>>) dst(%dma_wait3A_1089 : memref<4096xf32, #tpu.memory_space<hbm>>)
      } else {
      }
      %eq3A_902 = arith.constant 244 : i32
      %eq3A_903 = arith.cmpi eq, %add3A_896, %eq3A_902 : i32
      %convert_element_type3A_904 = arith.extui %eq3A_903 : i1 to i32
      %cond3A_905 = arith.constant 0 : i32
      %cond3A_906 = arith.cmpi ne, %convert_element_type3A_904, %cond3A_905 : i32
      scf.if %cond3A_906 {
        "tpu.region"() ({
          %run_scoped3A = tpu.sem_alloc : memref<!tpu.dma_semaphore, #tpu.memory_space<semaphore_mem>>
          %dma_start3A_1083 = arith.constant 0 : i32
          %dma_start3A_1084 = arith.constant 0 : i32
          %dma_start3A_1085 = tpu.memref_slice %arg8[%dma_start3A_1083, %dma_start3A_1084] : memref<8x4096xf32, #tpu.memory_space<vmem>> -> memref<8x512xf32, #tpu.memory_space<vmem>>
          %dma_start3A_1086 = arith.constant 999424 : i32
          %dma_start3A_1087 = tpu.memref_slice %arg3[%mul3A_0, %dma_start3A_1086] : memref<16x1000000xf32, #tpu.memory_space<hbm>> -> memref<8x512xf32, #tpu.memory_space<hbm>>
          %dma_start3A_1088 = arith.constant 0 : i32
          %dma_start3A_1089 = arith.constant 0 : i32
          %dma_start3A_1090 = tpu.memref_slice %arg8[%dma_start3A_1088, %dma_start3A_1089] : memref<8x4096xf32, #tpu.memory_space<vmem>> -> memref<8x512xf32, #tpu.memory_space<vmem>>
          %dma_start3A_1091 = arith.constant 999424 : i32
          %dma_start3A_1092 = tpu.memref_slice %arg3[%mul3A_0, %dma_start3A_1091] : memref<16x1000000xf32, #tpu.memory_space<hbm>> -> memref<8x512xf32, #tpu.memory_space<hbm>>
          tpu.enqueue_dma source(%dma_start3A_1092 : memref<8x512xf32, #tpu.memory_space<hbm>>) target(%dma_start3A_1090 : memref<8x512xf32, #tpu.memory_space<vmem>>) target_semaphore(%run_scoped3A : memref<!tpu.dma_semaphore, #tpu.memory_space<semaphore_mem>>)
          %dma_wait3A_1093 = arith.constant 0 : i32
          %dma_wait3A_1094 = arith.constant 0 : i32
          %dma_wait3A_1095 = tpu.memref_slice %arg8[%dma_wait3A_1093, %dma_wait3A_1094] : memref<8x4096xf32, #tpu.memory_space<vmem>> -> memref<8x512xf32, #tpu.memory_space<vmem>>
          %dma_wait3A_1096 = arith.constant 999424 : i32
          %dma_wait3A_1097 = tpu.memref_slice %arg3[%mul3A_0, %dma_wait3A_1096] : memref<16x1000000xf32, #tpu.memory_space<hbm>> -> memref<8x512xf32, #tpu.memory_space<hbm>>
          %dma_wait3A_1098 = arith.constant 0 : i32
          %dma_wait3A_1099 = arith.constant 0 : i32
          %dma_wait3A_1100 = tpu.memref_slice %arg8[%dma_wait3A_1098, %dma_wait3A_1099] : memref<8x4096xf32, #tpu.memory_space<vmem>> -> memref<8x512xf32, #tpu.memory_space<vmem>>
          %dma_wait3A_1101 = arith.constant 999424 : i32
          %dma_wait3A_1102 = tpu.memref_slice %arg3[%mul3A_0, %dma_wait3A_1101] : memref<16x1000000xf32, #tpu.memory_space<hbm>> -> memref<8x512xf32, #tpu.memory_space<hbm>>
          tpu.wait_dma2 semaphore(%run_scoped3A : memref<!tpu.dma_semaphore, #tpu.memory_space<semaphore_mem>>) src(%dma_wait3A_1102 : memref<8x512xf32, #tpu.memory_space<hbm>>) dst(%dma_wait3A_1100 : memref<8x512xf32, #tpu.memory_space<vmem>>)
          tpu.yield
        }) : () -> ()
        %add3A_907 = arith.constant 0 : i32
        %add3A_908 = arith.addi %mul3A_4, %add3A_907 : i32
        %add3A_909 = arith.constant 999424 : i32
        %add3A_910 = arith.addi %add3A_908, %add3A_909 : i32
        %dma_start3A_911 = arith.constant 0 : i32
        %dma_start3A_912 = arith.constant 0 : i32
        %dma_start3A_913 = tpu.memref_slice %arg8[%dma_start3A_911, %dma_start3A_912] : memref<8x4096xf32, #tpu.memory_space<vmem>> -> memref<1x512xf32, #tpu.memory_space<vmem>>
        %dma_start3A_914 = tpu.memref_squeeze %dma_start3A_913 : memref<1x512xf32, #tpu.memory_space<vmem>> -> memref<512xf32, #tpu.memory_space<vmem>>
        %dma_start3A_915 = tpu.memref_slice %arg5[%add3A_910] : memref<16001024xf32, #tpu.memory_space<hbm>> -> memref<512xf32, #tpu.memory_space<hbm>>
        %dma_start3A_916 = tpu.memref_slice %arg5[%add3A_910] : memref<16001024xf32, #tpu.memory_space<hbm>> -> memref<512xf32, #tpu.memory_space<hbm>>
        %dma_start3A_917 = arith.constant 0 : i32
        %dma_start3A_918 = tpu.memref_slice %arg8[%dma_start3A_911, %dma_start3A_917] : memref<8x4096xf32, #tpu.memory_space<vmem>> -> memref<1x512xf32, #tpu.memory_space<vmem>>
        %dma_start3A_919 = tpu.memref_squeeze %dma_start3A_918 : memref<1x512xf32, #tpu.memory_space<vmem>> -> memref<512xf32, #tpu.memory_space<vmem>>
        tpu.enqueue_dma source(%dma_start3A_919 : memref<512xf32, #tpu.memory_space<vmem>>) target(%dma_start3A_916 : memref<512xf32, #tpu.memory_space<hbm>>) target_semaphore(%arg15 : memref<!tpu.dma_semaphore, #tpu.memory_space<semaphore_mem>>)
        %add3A_920 = arith.constant 1000064 : i32
        %add3A_921 = arith.addi %mul3A_4, %add3A_920 : i32
        %add3A_922 = arith.constant 999424 : i32
        %add3A_923 = arith.addi %add3A_921, %add3A_922 : i32
        %dma_start3A_924 = arith.constant 1 : i32
        %dma_start3A_925 = arith.constant 0 : i32
        %dma_start3A_926 = tpu.memref_slice %arg8[%dma_start3A_924, %dma_start3A_925] : memref<8x4096xf32, #tpu.memory_space<vmem>> -> memref<1x512xf32, #tpu.memory_space<vmem>>
        %dma_start3A_927 = tpu.memref_squeeze %dma_start3A_926 : memref<1x512xf32, #tpu.memory_space<vmem>> -> memref<512xf32, #tpu.memory_space<vmem>>
        %dma_start3A_928 = tpu.memref_slice %arg5[%add3A_923] : memref<16001024xf32, #tpu.memory_space<hbm>> -> memref<512xf32, #tpu.memory_space<hbm>>
        %dma_start3A_929 = tpu.memref_slice %arg5[%add3A_923] : memref<16001024xf32, #tpu.memory_space<hbm>> -> memref<512xf32, #tpu.memory_space<hbm>>
        %dma_start3A_930 = arith.constant 0 : i32
        %dma_start3A_931 = tpu.memref_slice %arg8[%dma_start3A_924, %dma_start3A_930] : memref<8x4096xf32, #tpu.memory_space<vmem>> -> memref<1x512xf32, #tpu.memory_space<vmem>>
        %dma_start3A_932 = tpu.memref_squeeze %dma_start3A_931 : memref<1x512xf32, #tpu.memory_space<vmem>> -> memref<512xf32, #tpu.memory_space<vmem>>
        tpu.enqueue_dma source(%dma_start3A_932 : memref<512xf32, #tpu.memory_space<vmem>>) target(%dma_start3A_929 : memref<512xf32, #tpu.memory_space<hbm>>) target_semaphore(%arg15 : memref<!tpu.dma_semaphore, #tpu.memory_space<semaphore_mem>>)
        %add3A_933 = arith.constant 2000128 : i32
        %add3A_934 = arith.addi %mul3A_4, %add3A_933 : i32
        %add3A_935 = arith.constant 999424 : i32
        %add3A_936 = arith.addi %add3A_934, %add3A_935 : i32
        %dma_start3A_937 = arith.constant 2 : i32
        %dma_start3A_938 = arith.constant 0 : i32
        %dma_start3A_939 = tpu.memref_slice %arg8[%dma_start3A_937, %dma_start3A_938] : memref<8x4096xf32, #tpu.memory_space<vmem>> -> memref<1x512xf32, #tpu.memory_space<vmem>>
        %dma_start3A_940 = tpu.memref_squeeze %dma_start3A_939 : memref<1x512xf32, #tpu.memory_space<vmem>> -> memref<512xf32, #tpu.memory_space<vmem>>
        %dma_start3A_941 = tpu.memref_slice %arg5[%add3A_936] : memref<16001024xf32, #tpu.memory_space<hbm>> -> memref<512xf32, #tpu.memory_space<hbm>>
        %dma_start3A_942 = tpu.memref_slice %arg5[%add3A_936] : memref<16001024xf32, #tpu.memory_space<hbm>> -> memref<512xf32, #tpu.memory_space<hbm>>
        %dma_start3A_943 = arith.constant 0 : i32
        %dma_start3A_944 = tpu.memref_slice %arg8[%dma_start3A_937, %dma_start3A_943] : memref<8x4096xf32, #tpu.memory_space<vmem>> -> memref<1x512xf32, #tpu.memory_space<vmem>>
        %dma_start3A_945 = tpu.memref_squeeze %dma_start3A_944 : memref<1x512xf32, #tpu.memory_space<vmem>> -> memref<512xf32, #tpu.memory_space<vmem>>
        tpu.enqueue_dma source(%dma_start3A_945 : memref<512xf32, #tpu.memory_space<vmem>>) target(%dma_start3A_942 : memref<512xf32, #tpu.memory_space<hbm>>) target_semaphore(%arg15 : memref<!tpu.dma_semaphore, #tpu.memory_space<semaphore_mem>>)
        %add3A_946 = arith.constant 3000192 : i32
        %add3A_947 = arith.addi %mul3A_4, %add3A_946 : i32
        %add3A_948 = arith.constant 999424 : i32
        %add3A_949 = arith.addi %add3A_947, %add3A_948 : i32
        %dma_start3A_950 = arith.constant 3 : i32
        %dma_start3A_951 = arith.constant 0 : i32
        %dma_start3A_952 = tpu.memref_slice %arg8[%dma_start3A_950, %dma_start3A_951] : memref<8x4096xf32, #tpu.memory_space<vmem>> -> memref<1x512xf32, #tpu.memory_space<vmem>>
        %dma_start3A_953 = tpu.memref_squeeze %dma_start3A_952 : memref<1x512xf32, #tpu.memory_space<vmem>> -> memref<512xf32, #tpu.memory_space<vmem>>
        %dma_start3A_954 = tpu.memref_slice %arg5[%add3A_949] : memref<16001024xf32, #tpu.memory_space<hbm>> -> memref<512xf32, #tpu.memory_space<hbm>>
        %dma_start3A_955 = tpu.memref_slice %arg5[%add3A_949] : memref<16001024xf32, #tpu.memory_space<hbm>> -> memref<512xf32, #tpu.memory_space<hbm>>
        %dma_start3A_956 = arith.constant 0 : i32
        %dma_start3A_957 = tpu.memref_slice %arg8[%dma_start3A_950, %dma_start3A_956] : memref<8x4096xf32, #tpu.memory_space<vmem>> -> memref<1x512xf32, #tpu.memory_space<vmem>>
        %dma_start3A_958 = tpu.memref_squeeze %dma_start3A_957 : memref<1x512xf32, #tpu.memory_space<vmem>> -> memref<512xf32, #tpu.memory_space<vmem>>
        tpu.enqueue_dma source(%dma_start3A_958 : memref<512xf32, #tpu.memory_space<vmem>>) target(%dma_start3A_955 : memref<512xf32, #tpu.memory_space<hbm>>) target_semaphore(%arg15 : memref<!tpu.dma_semaphore, #tpu.memory_space<semaphore_mem>>)
        %add3A_959 = arith.constant 4000256 : i32
        %add3A_960 = arith.addi %mul3A_4, %add3A_959 : i32
        %add3A_961 = arith.constant 999424 : i32
        %add3A_962 = arith.addi %add3A_960, %add3A_961 : i32
        %dma_start3A_963 = arith.constant 4 : i32
        %dma_start3A_964 = arith.constant 0 : i32
        %dma_start3A_965 = tpu.memref_slice %arg8[%dma_start3A_963, %dma_start3A_964] : memref<8x4096xf32, #tpu.memory_space<vmem>> -> memref<1x512xf32, #tpu.memory_space<vmem>>
        %dma_start3A_966 = tpu.memref_squeeze %dma_start3A_965 : memref<1x512xf32, #tpu.memory_space<vmem>> -> memref<512xf32, #tpu.memory_space<vmem>>
        %dma_start3A_967 = tpu.memref_slice %arg5[%add3A_962] : memref<16001024xf32, #tpu.memory_space<hbm>> -> memref<512xf32, #tpu.memory_space<hbm>>
        %dma_start3A_968 = tpu.memref_slice %arg5[%add3A_962] : memref<16001024xf32, #tpu.memory_space<hbm>> -> memref<512xf32, #tpu.memory_space<hbm>>
        %dma_start3A_969 = arith.constant 0 : i32
        %dma_start3A_970 = tpu.memref_slice %arg8[%dma_start3A_963, %dma_start3A_969] : memref<8x4096xf32, #tpu.memory_space<vmem>> -> memref<1x512xf32, #tpu.memory_space<vmem>>
        %dma_start3A_971 = tpu.memref_squeeze %dma_start3A_970 : memref<1x512xf32, #tpu.memory_space<vmem>> -> memref<512xf32, #tpu.memory_space<vmem>>
        tpu.enqueue_dma source(%dma_start3A_971 : memref<512xf32, #tpu.memory_space<vmem>>) target(%dma_start3A_968 : memref<512xf32, #tpu.memory_space<hbm>>) target_semaphore(%arg15 : memref<!tpu.dma_semaphore, #tpu.memory_space<semaphore_mem>>)
        %add3A_972 = arith.constant 5000320 : i32
        %add3A_973 = arith.addi %mul3A_4, %add3A_972 : i32
        %add3A_974 = arith.constant 999424 : i32
        %add3A_975 = arith.addi %add3A_973, %add3A_974 : i32
        %dma_start3A_976 = arith.constant 5 : i32
        %dma_start3A_977 = arith.constant 0 : i32
        %dma_start3A_978 = tpu.memref_slice %arg8[%dma_start3A_976, %dma_start3A_977] : memref<8x4096xf32, #tpu.memory_space<vmem>> -> memref<1x512xf32, #tpu.memory_space<vmem>>
        %dma_start3A_979 = tpu.memref_squeeze %dma_start3A_978 : memref<1x512xf32, #tpu.memory_space<vmem>> -> memref<512xf32, #tpu.memory_space<vmem>>
        %dma_start3A_980 = tpu.memref_slice %arg5[%add3A_975] : memref<16001024xf32, #tpu.memory_space<hbm>> -> memref<512xf32, #tpu.memory_space<hbm>>
        %dma_start3A_981 = tpu.memref_slice %arg5[%add3A_975] : memref<16001024xf32, #tpu.memory_space<hbm>> -> memref<512xf32, #tpu.memory_space<hbm>>
        %dma_start3A_982 = arith.constant 0 : i32
        %dma_start3A_983 = tpu.memref_slice %arg8[%dma_start3A_976, %dma_start3A_982] : memref<8x4096xf32, #tpu.memory_space<vmem>> -> memref<1x512xf32, #tpu.memory_space<vmem>>
        %dma_start3A_984 = tpu.memref_squeeze %dma_start3A_983 : memref<1x512xf32, #tpu.memory_space<vmem>> -> memref<512xf32, #tpu.memory_space<vmem>>
        tpu.enqueue_dma source(%dma_start3A_984 : memref<512xf32, #tpu.memory_space<vmem>>) target(%dma_start3A_981 : memref<512xf32, #tpu.memory_space<hbm>>) target_semaphore(%arg15 : memref<!tpu.dma_semaphore, #tpu.memory_space<semaphore_mem>>)
        %add3A_985 = arith.constant 6000384 : i32
        %add3A_986 = arith.addi %mul3A_4, %add3A_985 : i32
        %add3A_987 = arith.constant 999424 : i32
        %add3A_988 = arith.addi %add3A_986, %add3A_987 : i32
        %dma_start3A_989 = arith.constant 6 : i32
        %dma_start3A_990 = arith.constant 0 : i32
        %dma_start3A_991 = tpu.memref_slice %arg8[%dma_start3A_989, %dma_start3A_990] : memref<8x4096xf32, #tpu.memory_space<vmem>> -> memref<1x512xf32, #tpu.memory_space<vmem>>
        %dma_start3A_992 = tpu.memref_squeeze %dma_start3A_991 : memref<1x512xf32, #tpu.memory_space<vmem>> -> memref<512xf32, #tpu.memory_space<vmem>>
        %dma_start3A_993 = tpu.memref_slice %arg5[%add3A_988] : memref<16001024xf32, #tpu.memory_space<hbm>> -> memref<512xf32, #tpu.memory_space<hbm>>
        %dma_start3A_994 = tpu.memref_slice %arg5[%add3A_988] : memref<16001024xf32, #tpu.memory_space<hbm>> -> memref<512xf32, #tpu.memory_space<hbm>>
        %dma_start3A_995 = arith.constant 0 : i32
        %dma_start3A_996 = tpu.memref_slice %arg8[%dma_start3A_989, %dma_start3A_995] : memref<8x4096xf32, #tpu.memory_space<vmem>> -> memref<1x512xf32, #tpu.memory_space<vmem>>
        %dma_start3A_997 = tpu.memref_squeeze %dma_start3A_996 : memref<1x512xf32, #tpu.memory_space<vmem>> -> memref<512xf32, #tpu.memory_space<vmem>>
        tpu.enqueue_dma source(%dma_start3A_997 : memref<512xf32, #tpu.memory_space<vmem>>) target(%dma_start3A_994 : memref<512xf32, #tpu.memory_space<hbm>>) target_semaphore(%arg15 : memref<!tpu.dma_semaphore, #tpu.memory_space<semaphore_mem>>)
        %add3A_998 = arith.constant 7000448 : i32
        %add3A_999 = arith.addi %mul3A_4, %add3A_998 : i32
        %add3A_1000 = arith.constant 999424 : i32
        %add3A_1001 = arith.addi %add3A_999, %add3A_1000 : i32
        %dma_start3A_1002 = arith.constant 7 : i32
        %dma_start3A_1003 = arith.constant 0 : i32
        %dma_start3A_1004 = tpu.memref_slice %arg8[%dma_start3A_1002, %dma_start3A_1003] : memref<8x4096xf32, #tpu.memory_space<vmem>> -> memref<1x512xf32, #tpu.memory_space<vmem>>
        %dma_start3A_1005 = tpu.memref_squeeze %dma_start3A_1004 : memref<1x512xf32, #tpu.memory_space<vmem>> -> memref<512xf32, #tpu.memory_space<vmem>>
        %dma_start3A_1006 = tpu.memref_slice %arg5[%add3A_1001] : memref<16001024xf32, #tpu.memory_space<hbm>> -> memref<512xf32, #tpu.memory_space<hbm>>
        %dma_start3A_1007 = tpu.memref_slice %arg5[%add3A_1001] : memref<16001024xf32, #tpu.memory_space<hbm>> -> memref<512xf32, #tpu.memory_space<hbm>>
        %dma_start3A_1008 = arith.constant 0 : i32
        %dma_start3A_1009 = tpu.memref_slice %arg8[%dma_start3A_1002, %dma_start3A_1008] : memref<8x4096xf32, #tpu.memory_space<vmem>> -> memref<1x512xf32, #tpu.memory_space<vmem>>
        %dma_start3A_1010 = tpu.memref_squeeze %dma_start3A_1009 : memref<1x512xf32, #tpu.memory_space<vmem>> -> memref<512xf32, #tpu.memory_space<vmem>>
        tpu.enqueue_dma source(%dma_start3A_1010 : memref<512xf32, #tpu.memory_space<vmem>>) target(%dma_start3A_1007 : memref<512xf32, #tpu.memory_space<hbm>>) target_semaphore(%arg15 : memref<!tpu.dma_semaphore, #tpu.memory_space<semaphore_mem>>)
        %dma_wait3A_1011 = arith.constant 0 : i32
        %dma_wait3A_1012 = arith.constant 0 : i32
        %dma_wait3A_1013 = tpu.memref_slice %arg8[%dma_wait3A_1011, %dma_wait3A_1012] : memref<8x4096xf32, #tpu.memory_space<vmem>> -> memref<1x512xf32, #tpu.memory_space<vmem>>
        %dma_wait3A_1014 = tpu.memref_squeeze %dma_wait3A_1013 : memref<1x512xf32, #tpu.memory_space<vmem>> -> memref<512xf32, #tpu.memory_space<vmem>>
        %dma_wait3A_1015 = tpu.memref_slice %arg5[%add3A_910] : memref<16001024xf32, #tpu.memory_space<hbm>> -> memref<512xf32, #tpu.memory_space<hbm>>
        %dma_wait3A_1016 = tpu.memref_slice %arg5[%add3A_910] : memref<16001024xf32, #tpu.memory_space<hbm>> -> memref<512xf32, #tpu.memory_space<hbm>>
        %dma_wait3A_1017 = arith.constant 0 : i32
        %dma_wait3A_1018 = tpu.memref_slice %arg8[%dma_wait3A_1011, %dma_wait3A_1017] : memref<8x4096xf32, #tpu.memory_space<vmem>> -> memref<1x512xf32, #tpu.memory_space<vmem>>
        %dma_wait3A_1019 = tpu.memref_squeeze %dma_wait3A_1018 : memref<1x512xf32, #tpu.memory_space<vmem>> -> memref<512xf32, #tpu.memory_space<vmem>>
        tpu.wait_dma2 semaphore(%arg15 : memref<!tpu.dma_semaphore, #tpu.memory_space<semaphore_mem>>) src(%dma_wait3A_1019 : memref<512xf32, #tpu.memory_space<vmem>>) dst(%dma_wait3A_1016 : memref<512xf32, #tpu.memory_space<hbm>>)
        %dma_wait3A_1020 = arith.constant 1 : i32
        %dma_wait3A_1021 = arith.constant 0 : i32
        %dma_wait3A_1022 = tpu.memref_slice %arg8[%dma_wait3A_1020, %dma_wait3A_1021] : memref<8x4096xf32, #tpu.memory_space<vmem>> -> memref<1x512xf32, #tpu.memory_space<vmem>>
        %dma_wait3A_1023 = tpu.memref_squeeze %dma_wait3A_1022 : memref<1x512xf32, #tpu.memory_space<vmem>> -> memref<512xf32, #tpu.memory_space<vmem>>
        %dma_wait3A_1024 = tpu.memref_slice %arg5[%add3A_923] : memref<16001024xf32, #tpu.memory_space<hbm>> -> memref<512xf32, #tpu.memory_space<hbm>>
        %dma_wait3A_1025 = tpu.memref_slice %arg5[%add3A_923] : memref<16001024xf32, #tpu.memory_space<hbm>> -> memref<512xf32, #tpu.memory_space<hbm>>
        %dma_wait3A_1026 = arith.constant 0 : i32
        %dma_wait3A_1027 = tpu.memref_slice %arg8[%dma_wait3A_1020, %dma_wait3A_1026] : memref<8x4096xf32, #tpu.memory_space<vmem>> -> memref<1x512xf32, #tpu.memory_space<vmem>>
        %dma_wait3A_1028 = tpu.memref_squeeze %dma_wait3A_1027 : memref<1x512xf32, #tpu.memory_space<vmem>> -> memref<512xf32, #tpu.memory_space<vmem>>
        tpu.wait_dma2 semaphore(%arg15 : memref<!tpu.dma_semaphore, #tpu.memory_space<semaphore_mem>>) src(%dma_wait3A_1028 : memref<512xf32, #tpu.memory_space<vmem>>) dst(%dma_wait3A_1025 : memref<512xf32, #tpu.memory_space<hbm>>)
        %dma_wait3A_1029 = arith.constant 2 : i32
        %dma_wait3A_1030 = arith.constant 0 : i32
        %dma_wait3A_1031 = tpu.memref_slice %arg8[%dma_wait3A_1029, %dma_wait3A_1030] : memref<8x4096xf32, #tpu.memory_space<vmem>> -> memref<1x512xf32, #tpu.memory_space<vmem>>
        %dma_wait3A_1032 = tpu.memref_squeeze %dma_wait3A_1031 : memref<1x512xf32, #tpu.memory_space<vmem>> -> memref<512xf32, #tpu.memory_space<vmem>>
        %dma_wait3A_1033 = tpu.memref_slice %arg5[%add3A_936] : memref<16001024xf32, #tpu.memory_space<hbm>> -> memref<512xf32, #tpu.memory_space<hbm>>
        %dma_wait3A_1034 = tpu.memref_slice %arg5[%add3A_936] : memref<16001024xf32, #tpu.memory_space<hbm>> -> memref<512xf32, #tpu.memory_space<hbm>>
        %dma_wait3A_1035 = arith.constant 0 : i32
        %dma_wait3A_1036 = tpu.memref_slice %arg8[%dma_wait3A_1029, %dma_wait3A_1035] : memref<8x4096xf32, #tpu.memory_space<vmem>> -> memref<1x512xf32, #tpu.memory_space<vmem>>
        %dma_wait3A_1037 = tpu.memref_squeeze %dma_wait3A_1036 : memref<1x512xf32, #tpu.memory_space<vmem>> -> memref<512xf32, #tpu.memory_space<vmem>>
        tpu.wait_dma2 semaphore(%arg15 : memref<!tpu.dma_semaphore, #tpu.memory_space<semaphore_mem>>) src(%dma_wait3A_1037 : memref<512xf32, #tpu.memory_space<vmem>>) dst(%dma_wait3A_1034 : memref<512xf32, #tpu.memory_space<hbm>>)
        %dma_wait3A_1038 = arith.constant 3 : i32
        %dma_wait3A_1039 = arith.constant 0 : i32
        %dma_wait3A_1040 = tpu.memref_slice %arg8[%dma_wait3A_1038, %dma_wait3A_1039] : memref<8x4096xf32, #tpu.memory_space<vmem>> -> memref<1x512xf32, #tpu.memory_space<vmem>>
        %dma_wait3A_1041 = tpu.memref_squeeze %dma_wait3A_1040 : memref<1x512xf32, #tpu.memory_space<vmem>> -> memref<512xf32, #tpu.memory_space<vmem>>
        %dma_wait3A_1042 = tpu.memref_slice %arg5[%add3A_949] : memref<16001024xf32, #tpu.memory_space<hbm>> -> memref<512xf32, #tpu.memory_space<hbm>>
        %dma_wait3A_1043 = tpu.memref_slice %arg5[%add3A_949] : memref<16001024xf32, #tpu.memory_space<hbm>> -> memref<512xf32, #tpu.memory_space<hbm>>
        %dma_wait3A_1044 = arith.constant 0 : i32
        %dma_wait3A_1045 = tpu.memref_slice %arg8[%dma_wait3A_1038, %dma_wait3A_1044] : memref<8x4096xf32, #tpu.memory_space<vmem>> -> memref<1x512xf32, #tpu.memory_space<vmem>>
        %dma_wait3A_1046 = tpu.memref_squeeze %dma_wait3A_1045 : memref<1x512xf32, #tpu.memory_space<vmem>> -> memref<512xf32, #tpu.memory_space<vmem>>
        tpu.wait_dma2 semaphore(%arg15 : memref<!tpu.dma_semaphore, #tpu.memory_space<semaphore_mem>>) src(%dma_wait3A_1046 : memref<512xf32, #tpu.memory_space<vmem>>) dst(%dma_wait3A_1043 : memref<512xf32, #tpu.memory_space<hbm>>)
        %dma_wait3A_1047 = arith.constant 4 : i32
        %dma_wait3A_1048 = arith.constant 0 : i32
        %dma_wait3A_1049 = tpu.memref_slice %arg8[%dma_wait3A_1047, %dma_wait3A_1048] : memref<8x4096xf32, #tpu.memory_space<vmem>> -> memref<1x512xf32, #tpu.memory_space<vmem>>
        %dma_wait3A_1050 = tpu.memref_squeeze %dma_wait3A_1049 : memref<1x512xf32, #tpu.memory_space<vmem>> -> memref<512xf32, #tpu.memory_space<vmem>>
        %dma_wait3A_1051 = tpu.memref_slice %arg5[%add3A_962] : memref<16001024xf32, #tpu.memory_space<hbm>> -> memref<512xf32, #tpu.memory_space<hbm>>
        %dma_wait3A_1052 = tpu.memref_slice %arg5[%add3A_962] : memref<16001024xf32, #tpu.memory_space<hbm>> -> memref<512xf32, #tpu.memory_space<hbm>>
        %dma_wait3A_1053 = arith.constant 0 : i32
        %dma_wait3A_1054 = tpu.memref_slice %arg8[%dma_wait3A_1047, %dma_wait3A_1053] : memref<8x4096xf32, #tpu.memory_space<vmem>> -> memref<1x512xf32, #tpu.memory_space<vmem>>
        %dma_wait3A_1055 = tpu.memref_squeeze %dma_wait3A_1054 : memref<1x512xf32, #tpu.memory_space<vmem>> -> memref<512xf32, #tpu.memory_space<vmem>>
        tpu.wait_dma2 semaphore(%arg15 : memref<!tpu.dma_semaphore, #tpu.memory_space<semaphore_mem>>) src(%dma_wait3A_1055 : memref<512xf32, #tpu.memory_space<vmem>>) dst(%dma_wait3A_1052 : memref<512xf32, #tpu.memory_space<hbm>>)
        %dma_wait3A_1056 = arith.constant 5 : i32
        %dma_wait3A_1057 = arith.constant 0 : i32
        %dma_wait3A_1058 = tpu.memref_slice %arg8[%dma_wait3A_1056, %dma_wait3A_1057] : memref<8x4096xf32, #tpu.memory_space<vmem>> -> memref<1x512xf32, #tpu.memory_space<vmem>>
        %dma_wait3A_1059 = tpu.memref_squeeze %dma_wait3A_1058 : memref<1x512xf32, #tpu.memory_space<vmem>> -> memref<512xf32, #tpu.memory_space<vmem>>
        %dma_wait3A_1060 = tpu.memref_slice %arg5[%add3A_975] : memref<16001024xf32, #tpu.memory_space<hbm>> -> memref<512xf32, #tpu.memory_space<hbm>>
        %dma_wait3A_1061 = tpu.memref_slice %arg5[%add3A_975] : memref<16001024xf32, #tpu.memory_space<hbm>> -> memref<512xf32, #tpu.memory_space<hbm>>
        %dma_wait3A_1062 = arith.constant 0 : i32
        %dma_wait3A_1063 = tpu.memref_slice %arg8[%dma_wait3A_1056, %dma_wait3A_1062] : memref<8x4096xf32, #tpu.memory_space<vmem>> -> memref<1x512xf32, #tpu.memory_space<vmem>>
        %dma_wait3A_1064 = tpu.memref_squeeze %dma_wait3A_1063 : memref<1x512xf32, #tpu.memory_space<vmem>> -> memref<512xf32, #tpu.memory_space<vmem>>
        tpu.wait_dma2 semaphore(%arg15 : memref<!tpu.dma_semaphore, #tpu.memory_space<semaphore_mem>>) src(%dma_wait3A_1064 : memref<512xf32, #tpu.memory_space<vmem>>) dst(%dma_wait3A_1061 : memref<512xf32, #tpu.memory_space<hbm>>)
        %dma_wait3A_1065 = arith.constant 6 : i32
        %dma_wait3A_1066 = arith.constant 0 : i32
        %dma_wait3A_1067 = tpu.memref_slice %arg8[%dma_wait3A_1065, %dma_wait3A_1066] : memref<8x4096xf32, #tpu.memory_space<vmem>> -> memref<1x512xf32, #tpu.memory_space<vmem>>
        %dma_wait3A_1068 = tpu.memref_squeeze %dma_wait3A_1067 : memref<1x512xf32, #tpu.memory_space<vmem>> -> memref<512xf32, #tpu.memory_space<vmem>>
        %dma_wait3A_1069 = tpu.memref_slice %arg5[%add3A_988] : memref<16001024xf32, #tpu.memory_space<hbm>> -> memref<512xf32, #tpu.memory_space<hbm>>
        %dma_wait3A_1070 = tpu.memref_slice %arg5[%add3A_988] : memref<16001024xf32, #tpu.memory_space<hbm>> -> memref<512xf32, #tpu.memory_space<hbm>>
        %dma_wait3A_1071 = arith.constant 0 : i32
        %dma_wait3A_1072 = tpu.memref_slice %arg8[%dma_wait3A_1065, %dma_wait3A_1071] : memref<8x4096xf32, #tpu.memory_space<vmem>> -> memref<1x512xf32, #tpu.memory_space<vmem>>
        %dma_wait3A_1073 = tpu.memref_squeeze %dma_wait3A_1072 : memref<1x512xf32, #tpu.memory_space<vmem>> -> memref<512xf32, #tpu.memory_space<vmem>>
        tpu.wait_dma2 semaphore(%arg15 : memref<!tpu.dma_semaphore, #tpu.memory_space<semaphore_mem>>) src(%dma_wait3A_1073 : memref<512xf32, #tpu.memory_space<vmem>>) dst(%dma_wait3A_1070 : memref<512xf32, #tpu.memory_space<hbm>>)
        %dma_wait3A_1074 = arith.constant 7 : i32
        %dma_wait3A_1075 = arith.constant 0 : i32
        %dma_wait3A_1076 = tpu.memref_slice %arg8[%dma_wait3A_1074, %dma_wait3A_1075] : memref<8x4096xf32, #tpu.memory_space<vmem>> -> memref<1x512xf32, #tpu.memory_space<vmem>>
        %dma_wait3A_1077 = tpu.memref_squeeze %dma_wait3A_1076 : memref<1x512xf32, #tpu.memory_space<vmem>> -> memref<512xf32, #tpu.memory_space<vmem>>
        %dma_wait3A_1078 = tpu.memref_slice %arg5[%add3A_1001] : memref<16001024xf32, #tpu.memory_space<hbm>> -> memref<512xf32, #tpu.memory_space<hbm>>
        %dma_wait3A_1079 = tpu.memref_slice %arg5[%add3A_1001] : memref<16001024xf32, #tpu.memory_space<hbm>> -> memref<512xf32, #tpu.memory_space<hbm>>
        %dma_wait3A_1080 = arith.constant 0 : i32
        %dma_wait3A_1081 = tpu.memref_slice %arg8[%dma_wait3A_1074, %dma_wait3A_1080] : memref<8x4096xf32, #tpu.memory_space<vmem>> -> memref<1x512xf32, #tpu.memory_space<vmem>>
        %dma_wait3A_1082 = tpu.memref_squeeze %dma_wait3A_1081 : memref<1x512xf32, #tpu.memory_space<vmem>> -> memref<512xf32, #tpu.memory_space<vmem>>
        tpu.wait_dma2 semaphore(%arg15 : memref<!tpu.dma_semaphore, #tpu.memory_space<semaphore_mem>>) src(%dma_wait3A_1082 : memref<512xf32, #tpu.memory_space<vmem>>) dst(%dma_wait3A_1079 : memref<512xf32, #tpu.memory_space<hbm>>)
      } else {
      }
    }
    %scan3A_9 = arith.constant 16 : i32
    %eq3A = arith.constant 0 : i32
    %eq3A_10 = arith.cmpi eq, %arg1, %eq3A : i32
    %convert_element_type3A = arith.extui %eq3A_10 : i1 to i32
    %cond3A = arith.constant 0 : i32
    %cond3A_11 = arith.cmpi ne, %convert_element_type3A, %cond3A : i32
    scf.if %cond3A_11 {
      "tpu.region"() ({
        %run_scoped3A = tpu.sem_alloc : memref<!tpu.dma_semaphore, #tpu.memory_space<semaphore_mem>>
        tpu.enqueue_dma source(%arg4 : memref<1024xf32, #tpu.memory_space<hbm>>) target(%arg9 : memref<1024xf32, #tpu.memory_space<vmem>>) target_semaphore(%run_scoped3A : memref<!tpu.dma_semaphore, #tpu.memory_space<semaphore_mem>>)
        tpu.wait_dma2 semaphore(%run_scoped3A : memref<!tpu.dma_semaphore, #tpu.memory_space<semaphore_mem>>) src(%arg4 : memref<1024xf32, #tpu.memory_space<hbm>>) dst(%arg9 : memref<1024xf32, #tpu.memory_space<vmem>>)
        tpu.yield
      }) : () -> ()
      %mul3A_893 = arith.constant 8 : i32
      %mul3A_894 = arith.muli %arg0, %mul3A_893 : i32
      %add3A_895 = arith.constant 0 : i32
      %add3A_896 = arith.addi %mul3A_894, %add3A_895 : i32
      %mul3A_897 = arith.constant 64 : i32
      %mul3A_898 = arith.muli %add3A_896, %mul3A_897 : i32
      %add3A_899 = arith.constant 0 : i32
      %add3A_900 = arith.addi %mul3A_4, %add3A_899 : i32
      %add3A_901 = arith.constant 999936 : i32
      %add3A_902 = arith.addi %add3A_900, %add3A_901 : i32
      %dma_start3A_903 = tpu.memref_slice %arg9[%mul3A_898] : memref<1024xf32, #tpu.memory_space<vmem>> -> memref<64xf32, #tpu.memory_space<vmem>>
      %dma_start3A_904 = tpu.memref_slice %arg5[%add3A_902] : memref<16001024xf32, #tpu.memory_space<hbm>> -> memref<64xf32, #tpu.memory_space<hbm>>
      %dma_start3A_905 = tpu.memref_slice %arg5[%add3A_902] : memref<16001024xf32, #tpu.memory_space<hbm>> -> memref<64xf32, #tpu.memory_space<hbm>>
      %dma_start3A_906 = tpu.memref_slice %arg9[%mul3A_898] : memref<1024xf32, #tpu.memory_space<vmem>> -> memref<64xf32, #tpu.memory_space<vmem>>
      tpu.enqueue_dma source(%dma_start3A_906 : memref<64xf32, #tpu.memory_space<vmem>>) target(%dma_start3A_905 : memref<64xf32, #tpu.memory_space<hbm>>) target_semaphore(%arg15 : memref<!tpu.dma_semaphore, #tpu.memory_space<semaphore_mem>>)
      %mul3A_907 = arith.constant 8 : i32
      %mul3A_908 = arith.muli %arg0, %mul3A_907 : i32
      %add3A_909 = arith.constant 1 : i32
      %add3A_910 = arith.addi %mul3A_908, %add3A_909 : i32
      %mul3A_911 = arith.constant 64 : i32
      %mul3A_912 = arith.muli %add3A_910, %mul3A_911 : i32
      %add3A_913 = arith.constant 1000064 : i32
      %add3A_914 = arith.addi %mul3A_4, %add3A_913 : i32
      %add3A_915 = arith.constant 999936 : i32
      %add3A_916 = arith.addi %add3A_914, %add3A_915 : i32
      %dma_start3A_917 = tpu.memref_slice %arg9[%mul3A_912] : memref<1024xf32, #tpu.memory_space<vmem>> -> memref<64xf32, #tpu.memory_space<vmem>>
      %dma_start3A_918 = tpu.memref_slice %arg5[%add3A_916] : memref<16001024xf32, #tpu.memory_space<hbm>> -> memref<64xf32, #tpu.memory_space<hbm>>
      %dma_start3A_919 = tpu.memref_slice %arg5[%add3A_916] : memref<16001024xf32, #tpu.memory_space<hbm>> -> memref<64xf32, #tpu.memory_space<hbm>>
      %dma_start3A_920 = tpu.memref_slice %arg9[%mul3A_912] : memref<1024xf32, #tpu.memory_space<vmem>> -> memref<64xf32, #tpu.memory_space<vmem>>
      tpu.enqueue_dma source(%dma_start3A_920 : memref<64xf32, #tpu.memory_space<vmem>>) target(%dma_start3A_919 : memref<64xf32, #tpu.memory_space<hbm>>) target_semaphore(%arg15 : memref<!tpu.dma_semaphore, #tpu.memory_space<semaphore_mem>>)
      %mul3A_921 = arith.constant 8 : i32
      %mul3A_922 = arith.muli %arg0, %mul3A_921 : i32
      %add3A_923 = arith.constant 2 : i32
      %add3A_924 = arith.addi %mul3A_922, %add3A_923 : i32
      %mul3A_925 = arith.constant 64 : i32
      %mul3A_926 = arith.muli %add3A_924, %mul3A_925 : i32
      %add3A_927 = arith.constant 2000128 : i32
      %add3A_928 = arith.addi %mul3A_4, %add3A_927 : i32
      %add3A_929 = arith.constant 999936 : i32
      %add3A_930 = arith.addi %add3A_928, %add3A_929 : i32
      %dma_start3A_931 = tpu.memref_slice %arg9[%mul3A_926] : memref<1024xf32, #tpu.memory_space<vmem>> -> memref<64xf32, #tpu.memory_space<vmem>>
      %dma_start3A_932 = tpu.memref_slice %arg5[%add3A_930] : memref<16001024xf32, #tpu.memory_space<hbm>> -> memref<64xf32, #tpu.memory_space<hbm>>
      %dma_start3A_933 = tpu.memref_slice %arg5[%add3A_930] : memref<16001024xf32, #tpu.memory_space<hbm>> -> memref<64xf32, #tpu.memory_space<hbm>>
      %dma_start3A_934 = tpu.memref_slice %arg9[%mul3A_926] : memref<1024xf32, #tpu.memory_space<vmem>> -> memref<64xf32, #tpu.memory_space<vmem>>
      tpu.enqueue_dma source(%dma_start3A_934 : memref<64xf32, #tpu.memory_space<vmem>>) target(%dma_start3A_933 : memref<64xf32, #tpu.memory_space<hbm>>) target_semaphore(%arg15 : memref<!tpu.dma_semaphore, #tpu.memory_space<semaphore_mem>>)
      %mul3A_935 = arith.constant 8 : i32
      %mul3A_936 = arith.muli %arg0, %mul3A_935 : i32
      %add3A_937 = arith.constant 3 : i32
      %add3A_938 = arith.addi %mul3A_936, %add3A_937 : i32
      %mul3A_939 = arith.constant 64 : i32
      %mul3A_940 = arith.muli %add3A_938, %mul3A_939 : i32
      %add3A_941 = arith.constant 3000192 : i32
      %add3A_942 = arith.addi %mul3A_4, %add3A_941 : i32
      %add3A_943 = arith.constant 999936 : i32
      %add3A_944 = arith.addi %add3A_942, %add3A_943 : i32
      %dma_start3A_945 = tpu.memref_slice %arg9[%mul3A_940] : memref<1024xf32, #tpu.memory_space<vmem>> -> memref<64xf32, #tpu.memory_space<vmem>>
      %dma_start3A_946 = tpu.memref_slice %arg5[%add3A_944] : memref<16001024xf32, #tpu.memory_space<hbm>> -> memref<64xf32, #tpu.memory_space<hbm>>
      %dma_start3A_947 = tpu.memref_slice %arg5[%add3A_944] : memref<16001024xf32, #tpu.memory_space<hbm>> -> memref<64xf32, #tpu.memory_space<hbm>>
      %dma_start3A_948 = tpu.memref_slice %arg9[%mul3A_940] : memref<1024xf32, #tpu.memory_space<vmem>> -> memref<64xf32, #tpu.memory_space<vmem>>
      tpu.enqueue_dma source(%dma_start3A_948 : memref<64xf32, #tpu.memory_space<vmem>>) target(%dma_start3A_947 : memref<64xf32, #tpu.memory_space<hbm>>) target_semaphore(%arg15 : memref<!tpu.dma_semaphore, #tpu.memory_space<semaphore_mem>>)
      %mul3A_949 = arith.constant 8 : i32
      %mul3A_950 = arith.muli %arg0, %mul3A_949 : i32
      %add3A_951 = arith.constant 4 : i32
      %add3A_952 = arith.addi %mul3A_950, %add3A_951 : i32
      %mul3A_953 = arith.constant 64 : i32
      %mul3A_954 = arith.muli %add3A_952, %mul3A_953 : i32
      %add3A_955 = arith.constant 4000256 : i32
      %add3A_956 = arith.addi %mul3A_4, %add3A_955 : i32
      %add3A_957 = arith.constant 999936 : i32
      %add3A_958 = arith.addi %add3A_956, %add3A_957 : i32
      %dma_start3A_959 = tpu.memref_slice %arg9[%mul3A_954] : memref<1024xf32, #tpu.memory_space<vmem>> -> memref<64xf32, #tpu.memory_space<vmem>>
      %dma_start3A_960 = tpu.memref_slice %arg5[%add3A_958] : memref<16001024xf32, #tpu.memory_space<hbm>> -> memref<64xf32, #tpu.memory_space<hbm>>
      %dma_start3A_961 = tpu.memref_slice %arg5[%add3A_958] : memref<16001024xf32, #tpu.memory_space<hbm>> -> memref<64xf32, #tpu.memory_space<hbm>>
      %dma_start3A_962 = tpu.memref_slice %arg9[%mul3A_954] : memref<1024xf32, #tpu.memory_space<vmem>> -> memref<64xf32, #tpu.memory_space<vmem>>
      tpu.enqueue_dma source(%dma_start3A_962 : memref<64xf32, #tpu.memory_space<vmem>>) target(%dma_start3A_961 : memref<64xf32, #tpu.memory_space<hbm>>) target_semaphore(%arg15 : memref<!tpu.dma_semaphore, #tpu.memory_space<semaphore_mem>>)
      %mul3A_963 = arith.constant 8 : i32
      %mul3A_964 = arith.muli %arg0, %mul3A_963 : i32
      %add3A_965 = arith.constant 5 : i32
      %add3A_966 = arith.addi %mul3A_964, %add3A_965 : i32
      %mul3A_967 = arith.constant 64 : i32
      %mul3A_968 = arith.muli %add3A_966, %mul3A_967 : i32
      %add3A_969 = arith.constant 5000320 : i32
      %add3A_970 = arith.addi %mul3A_4, %add3A_969 : i32
      %add3A_971 = arith.constant 999936 : i32
      %add3A_972 = arith.addi %add3A_970, %add3A_971 : i32
      %dma_start3A_973 = tpu.memref_slice %arg9[%mul3A_968] : memref<1024xf32, #tpu.memory_space<vmem>> -> memref<64xf32, #tpu.memory_space<vmem>>
      %dma_start3A_974 = tpu.memref_slice %arg5[%add3A_972] : memref<16001024xf32, #tpu.memory_space<hbm>> -> memref<64xf32, #tpu.memory_space<hbm>>
      %dma_start3A_975 = tpu.memref_slice %arg5[%add3A_972] : memref<16001024xf32, #tpu.memory_space<hbm>> -> memref<64xf32, #tpu.memory_space<hbm>>
      %dma_start3A_976 = tpu.memref_slice %arg9[%mul3A_968] : memref<1024xf32, #tpu.memory_space<vmem>> -> memref<64xf32, #tpu.memory_space<vmem>>
      tpu.enqueue_dma source(%dma_start3A_976 : memref<64xf32, #tpu.memory_space<vmem>>) target(%dma_start3A_975 : memref<64xf32, #tpu.memory_space<hbm>>) target_semaphore(%arg15 : memref<!tpu.dma_semaphore, #tpu.memory_space<semaphore_mem>>)
      %mul3A_977 = arith.constant 8 : i32
      %mul3A_978 = arith.muli %arg0, %mul3A_977 : i32
      %add3A_979 = arith.constant 6 : i32
      %add3A_980 = arith.addi %mul3A_978, %add3A_979 : i32
      %mul3A_981 = arith.constant 64 : i32
      %mul3A_982 = arith.muli %add3A_980, %mul3A_981 : i32
      %add3A_983 = arith.constant 6000384 : i32
      %add3A_984 = arith.addi %mul3A_4, %add3A_983 : i32
      %add3A_985 = arith.constant 999936 : i32
      %add3A_986 = arith.addi %add3A_984, %add3A_985 : i32
      %dma_start3A_987 = tpu.memref_slice %arg9[%mul3A_982] : memref<1024xf32, #tpu.memory_space<vmem>> -> memref<64xf32, #tpu.memory_space<vmem>>
      %dma_start3A_988 = tpu.memref_slice %arg5[%add3A_986] : memref<16001024xf32, #tpu.memory_space<hbm>> -> memref<64xf32, #tpu.memory_space<hbm>>
      %dma_start3A_989 = tpu.memref_slice %arg5[%add3A_986] : memref<16001024xf32, #tpu.memory_space<hbm>> -> memref<64xf32, #tpu.memory_space<hbm>>
      %dma_start3A_990 = tpu.memref_slice %arg9[%mul3A_982] : memref<1024xf32, #tpu.memory_space<vmem>> -> memref<64xf32, #tpu.memory_space<vmem>>
      tpu.enqueue_dma source(%dma_start3A_990 : memref<64xf32, #tpu.memory_space<vmem>>) target(%dma_start3A_989 : memref<64xf32, #tpu.memory_space<hbm>>) target_semaphore(%arg15 : memref<!tpu.dma_semaphore, #tpu.memory_space<semaphore_mem>>)
      %mul3A_991 = arith.constant 8 : i32
      %mul3A_992 = arith.muli %arg0, %mul3A_991 : i32
      %add3A_993 = arith.constant 7 : i32
      %add3A_994 = arith.addi %mul3A_992, %add3A_993 : i32
      %mul3A_995 = arith.constant 64 : i32
      %mul3A_996 = arith.muli %add3A_994, %mul3A_995 : i32
      %add3A_997 = arith.constant 7000448 : i32
      %add3A_998 = arith.addi %mul3A_4, %add3A_997 : i32
      %add3A_999 = arith.constant 999936 : i32
      %add3A_1000 = arith.addi %add3A_998, %add3A_999 : i32
      %dma_start3A_1001 = tpu.memref_slice %arg9[%mul3A_996] : memref<1024xf32, #tpu.memory_space<vmem>> -> memref<64xf32, #tpu.memory_space<vmem>>
      %dma_start3A_1002 = tpu.memref_slice %arg5[%add3A_1000] : memref<16001024xf32, #tpu.memory_space<hbm>> -> memref<64xf32, #tpu.memory_space<hbm>>
      %dma_start3A_1003 = tpu.memref_slice %arg5[%add3A_1000] : memref<16001024xf32, #tpu.memory_space<hbm>> -> memref<64xf32, #tpu.memory_space<hbm>>
      %dma_start3A_1004 = tpu.memref_slice %arg9[%mul3A_996] : memref<1024xf32, #tpu.memory_space<vmem>> -> memref<64xf32, #tpu.memory_space<vmem>>
      tpu.enqueue_dma source(%dma_start3A_1004 : memref<64xf32, #tpu.memory_space<vmem>>) target(%dma_start3A_1003 : memref<64xf32, #tpu.memory_space<hbm>>) target_semaphore(%arg15 : memref<!tpu.dma_semaphore, #tpu.memory_space<semaphore_mem>>)
      %dma_wait3A_1005 = tpu.memref_slice %arg9[%mul3A_898] : memref<1024xf32, #tpu.memory_space<vmem>> -> memref<64xf32, #tpu.memory_space<vmem>>
      %dma_wait3A_1006 = tpu.memref_slice %arg5[%add3A_902] : memref<16001024xf32, #tpu.memory_space<hbm>> -> memref<64xf32, #tpu.memory_space<hbm>>
      %dma_wait3A_1007 = tpu.memref_slice %arg5[%add3A_902] : memref<16001024xf32, #tpu.memory_space<hbm>> -> memref<64xf32, #tpu.memory_space<hbm>>
      %dma_wait3A_1008 = tpu.memref_slice %arg9[%mul3A_898] : memref<1024xf32, #tpu.memory_space<vmem>> -> memref<64xf32, #tpu.memory_space<vmem>>
      tpu.wait_dma2 semaphore(%arg15 : memref<!tpu.dma_semaphore, #tpu.memory_space<semaphore_mem>>) src(%dma_wait3A_1008 : memref<64xf32, #tpu.memory_space<vmem>>) dst(%dma_wait3A_1007 : memref<64xf32, #tpu.memory_space<hbm>>)
      %dma_wait3A_1009 = tpu.memref_slice %arg9[%mul3A_912] : memref<1024xf32, #tpu.memory_space<vmem>> -> memref<64xf32, #tpu.memory_space<vmem>>
      %dma_wait3A_1010 = tpu.memref_slice %arg5[%add3A_916] : memref<16001024xf32, #tpu.memory_space<hbm>> -> memref<64xf32, #tpu.memory_space<hbm>>
      %dma_wait3A_1011 = tpu.memref_slice %arg5[%add3A_916] : memref<16001024xf32, #tpu.memory_space<hbm>> -> memref<64xf32, #tpu.memory_space<hbm>>
      %dma_wait3A_1012 = tpu.memref_slice %arg9[%mul3A_912] : memref<1024xf32, #tpu.memory_space<vmem>> -> memref<64xf32, #tpu.memory_space<vmem>>
      tpu.wait_dma2 semaphore(%arg15 : memref<!tpu.dma_semaphore, #tpu.memory_space<semaphore_mem>>) src(%dma_wait3A_1012 : memref<64xf32, #tpu.memory_space<vmem>>) dst(%dma_wait3A_1011 : memref<64xf32, #tpu.memory_space<hbm>>)
      %dma_wait3A_1013 = tpu.memref_slice %arg9[%mul3A_926] : memref<1024xf32, #tpu.memory_space<vmem>> -> memref<64xf32, #tpu.memory_space<vmem>>
      %dma_wait3A_1014 = tpu.memref_slice %arg5[%add3A_930] : memref<16001024xf32, #tpu.memory_space<hbm>> -> memref<64xf32, #tpu.memory_space<hbm>>
      %dma_wait3A_1015 = tpu.memref_slice %arg5[%add3A_930] : memref<16001024xf32, #tpu.memory_space<hbm>> -> memref<64xf32, #tpu.memory_space<hbm>>
      %dma_wait3A_1016 = tpu.memref_slice %arg9[%mul3A_926] : memref<1024xf32, #tpu.memory_space<vmem>> -> memref<64xf32, #tpu.memory_space<vmem>>
      tpu.wait_dma2 semaphore(%arg15 : memref<!tpu.dma_semaphore, #tpu.memory_space<semaphore_mem>>) src(%dma_wait3A_1016 : memref<64xf32, #tpu.memory_space<vmem>>) dst(%dma_wait3A_1015 : memref<64xf32, #tpu.memory_space<hbm>>)
      %dma_wait3A_1017 = tpu.memref_slice %arg9[%mul3A_940] : memref<1024xf32, #tpu.memory_space<vmem>> -> memref<64xf32, #tpu.memory_space<vmem>>
      %dma_wait3A_1018 = tpu.memref_slice %arg5[%add3A_944] : memref<16001024xf32, #tpu.memory_space<hbm>> -> memref<64xf32, #tpu.memory_space<hbm>>
      %dma_wait3A_1019 = tpu.memref_slice %arg5[%add3A_944] : memref<16001024xf32, #tpu.memory_space<hbm>> -> memref<64xf32, #tpu.memory_space<hbm>>
      %dma_wait3A_1020 = tpu.memref_slice %arg9[%mul3A_940] : memref<1024xf32, #tpu.memory_space<vmem>> -> memref<64xf32, #tpu.memory_space<vmem>>
      tpu.wait_dma2 semaphore(%arg15 : memref<!tpu.dma_semaphore, #tpu.memory_space<semaphore_mem>>) src(%dma_wait3A_1020 : memref<64xf32, #tpu.memory_space<vmem>>) dst(%dma_wait3A_1019 : memref<64xf32, #tpu.memory_space<hbm>>)
      %dma_wait3A_1021 = tpu.memref_slice %arg9[%mul3A_954] : memref<1024xf32, #tpu.memory_space<vmem>> -> memref<64xf32, #tpu.memory_space<vmem>>
      %dma_wait3A_1022 = tpu.memref_slice %arg5[%add3A_958] : memref<16001024xf32, #tpu.memory_space<hbm>> -> memref<64xf32, #tpu.memory_space<hbm>>
      %dma_wait3A_1023 = tpu.memref_slice %arg5[%add3A_958] : memref<16001024xf32, #tpu.memory_space<hbm>> -> memref<64xf32, #tpu.memory_space<hbm>>
      %dma_wait3A_1024 = tpu.memref_slice %arg9[%mul3A_954] : memref<1024xf32, #tpu.memory_space<vmem>> -> memref<64xf32, #tpu.memory_space<vmem>>
      tpu.wait_dma2 semaphore(%arg15 : memref<!tpu.dma_semaphore, #tpu.memory_space<semaphore_mem>>) src(%dma_wait3A_1024 : memref<64xf32, #tpu.memory_space<vmem>>) dst(%dma_wait3A_1023 : memref<64xf32, #tpu.memory_space<hbm>>)
      %dma_wait3A_1025 = tpu.memref_slice %arg9[%mul3A_968] : memref<1024xf32, #tpu.memory_space<vmem>> -> memref<64xf32, #tpu.memory_space<vmem>>
      %dma_wait3A_1026 = tpu.memref_slice %arg5[%add3A_972] : memref<16001024xf32, #tpu.memory_space<hbm>> -> memref<64xf32, #tpu.memory_space<hbm>>
      %dma_wait3A_1027 = tpu.memref_slice %arg5[%add3A_972] : memref<16001024xf32, #tpu.memory_space<hbm>> -> memref<64xf32, #tpu.memory_space<hbm>>
      %dma_wait3A_1028 = tpu.memref_slice %arg9[%mul3A_968] : memref<1024xf32, #tpu.memory_space<vmem>> -> memref<64xf32, #tpu.memory_space<vmem>>
      tpu.wait_dma2 semaphore(%arg15 : memref<!tpu.dma_semaphore, #tpu.memory_space<semaphore_mem>>) src(%dma_wait3A_1028 : memref<64xf32, #tpu.memory_space<vmem>>) dst(%dma_wait3A_1027 : memref<64xf32, #tpu.memory_space<hbm>>)
      %dma_wait3A_1029 = tpu.memref_slice %arg9[%mul3A_982] : memref<1024xf32, #tpu.memory_space<vmem>> -> memref<64xf32, #tpu.memory_space<vmem>>
      %dma_wait3A_1030 = tpu.memref_slice %arg5[%add3A_986] : memref<16001024xf32, #tpu.memory_space<hbm>> -> memref<64xf32, #tpu.memory_space<hbm>>
      %dma_wait3A_1031 = tpu.memref_slice %arg5[%add3A_986] : memref<16001024xf32, #tpu.memory_space<hbm>> -> memref<64xf32, #tpu.memory_space<hbm>>
      %dma_wait3A_1032 = tpu.memref_slice %arg9[%mul3A_982] : memref<1024xf32, #tpu.memory_space<vmem>> -> memref<64xf32, #tpu.memory_space<vmem>>
      tpu.wait_dma2 semaphore(%arg15 : memref<!tpu.dma_semaphore, #tpu.memory_space<semaphore_mem>>) src(%dma_wait3A_1032 : memref<64xf32, #tpu.memory_space<vmem>>) dst(%dma_wait3A_1031 : memref<64xf32, #tpu.memory_space<hbm>>)
      %dma_wait3A_1033 = tpu.memref_slice %arg9[%mul3A_996] : memref<1024xf32, #tpu.memory_space<vmem>> -> memref<64xf32, #tpu.memory_space<vmem>>
      %dma_wait3A_1034 = tpu.memref_slice %arg5[%add3A_1000] : memref<16001024xf32, #tpu.memory_space<hbm>> -> memref<64xf32, #tpu.memory_space<hbm>>
      %dma_wait3A_1035 = tpu.memref_slice %arg5[%add3A_1000] : memref<16001024xf32, #tpu.memory_space<hbm>> -> memref<64xf32, #tpu.memory_space<hbm>>
      %dma_wait3A_1036 = tpu.memref_slice %arg9[%mul3A_996] : memref<1024xf32, #tpu.memory_space<vmem>> -> memref<64xf32, #tpu.memory_space<vmem>>
      tpu.wait_dma2 semaphore(%arg15 : memref<!tpu.dma_semaphore, #tpu.memory_space<semaphore_mem>>) src(%dma_wait3A_1036 : memref<64xf32, #tpu.memory_space<vmem>>) dst(%dma_wait3A_1035 : memref<64xf32, #tpu.memory_space<hbm>>)
    } else {
    }
    %barrier3A = arith.constant 0 : index
    tpu.barrier barrier_id(%barrier3A)
    %jit3A = arith.constant 2 : i32
    %div3A = arith.divsi %arg1, %jit3A : i32
    %sign3A = arith.constant 0 : i32
    %sign3A_12 = arith.cmpi sgt, %arg1, %sign3A : i32
    %sign3A_13 = arith.extui %sign3A_12 : i1 to i32
    %sign3A_14 = arith.constant 0 : i32
    %sign3A_15 = arith.cmpi slt, %arg1, %sign3A_14 : i32
    %sign3A_16 = arith.extui %sign3A_15 : i1 to i32
    %sign3A_17 = arith.subi %sign3A_13, %sign3A_16 : i32
    %sign3A_18 = arith.constant 0 : i32
    %sign3A_19 = arith.cmpi sgt, %jit3A, %sign3A_18 : i32
    %sign3A_20 = arith.extui %sign3A_19 : i1 to i32
    %sign3A_21 = arith.constant 0 : i32
    %sign3A_22 = arith.cmpi slt, %jit3A, %sign3A_21 : i32
    %sign3A_23 = arith.extui %sign3A_22 : i1 to i32
    %sign3A_24 = arith.subi %sign3A_20, %sign3A_23 : i32
    %ne3A = arith.cmpi ne, %sign3A_17, %sign3A_24 : i32
    %rem3A = arith.remsi %arg1, %jit3A : i32
    %ne3A_25 = arith.constant 0 : i32
    %ne3A_26 = arith.cmpi ne, %rem3A, %ne3A_25 : i32
    %and3A = arith.andi %ne3A, %ne3A_26 : i1
    %sub3A = arith.constant 1 : i32
    %sub3A_27 = arith.subi %div3A, %sub3A : i32
    %select_n3A = arith.select %and3A, %sub3A_27, %div3A : i32
    %jit3A_28 = arith.constant 2 : i32
    %eq3A_29 = arith.constant 0 : i32
    %eq3A_30 = arith.cmpi eq, %jit3A_28, %eq3A_29 : i32
    %jit3A_31 = arith.constant 1 : i32
    %select_n3A_32 = arith.select %eq3A_30, %jit3A_31, %jit3A_28 : i32
    %rem3A_33 = arith.remsi %arg1, %select_n3A_32 : i32
    %ne3A_34 = arith.constant 0 : i32
    %ne3A_35 = arith.cmpi ne, %rem3A_33, %ne3A_34 : i32
    %lt3A = arith.constant 0 : i32
    %lt3A_36 = arith.cmpi slt, %rem3A_33, %lt3A : i32
    %lt3A_37 = arith.constant 0 : i32
    %lt3A_38 = arith.cmpi slt, %select_n3A_32, %lt3A_37 : i32
    %ne3A_39 = arith.xori %lt3A_36, %lt3A_38 : i1
    %and3A_40 = arith.andi %ne3A_39, %ne3A_35 : i1
    %add3A = arith.addi %rem3A_33, %select_n3A_32 : i32
    %select_n3A_41 = arith.select %and3A_40, %add3A, %rem3A_33 : i32
    %mul3A_42 = arith.constant 128 : i32
    %mul3A_43 = arith.muli %select_n3A, %mul3A_42 : i32
    %mul3A_44 = arith.constant 20 : i32
    %mul3A_45 = arith.muli %mul3A_43, %mul3A_44 : i32
    "tpu.region"() ({
      %run_scoped3A = tpu.sem_alloc : memref<!tpu.dma_semaphore, #tpu.memory_space<semaphore_mem>>
      %dma_start3A_893 = tpu.memref_slice %arg2[%mul3A_45] : memref<20480xi32, #tpu.memory_space<hbm>> -> memref<2560xi32, #tpu.memory_space<hbm>>
      %dma_start3A_894 = tpu.memref_slice %arg2[%mul3A_45] : memref<20480xi32, #tpu.memory_space<hbm>> -> memref<2560xi32, #tpu.memory_space<hbm>>
      tpu.enqueue_dma source(%dma_start3A_894 : memref<2560xi32, #tpu.memory_space<hbm>>) target(%arg10 : memref<2560xi32, #tpu.memory_space<vmem>>) target_semaphore(%run_scoped3A : memref<!tpu.dma_semaphore, #tpu.memory_space<semaphore_mem>>)
      %dma_wait3A_895 = tpu.memref_slice %arg2[%mul3A_45] : memref<20480xi32, #tpu.memory_space<hbm>> -> memref<2560xi32, #tpu.memory_space<hbm>>
      %dma_wait3A_896 = tpu.memref_slice %arg2[%mul3A_45] : memref<20480xi32, #tpu.memory_space<hbm>> -> memref<2560xi32, #tpu.memory_space<hbm>>
      tpu.wait_dma2 semaphore(%run_scoped3A : memref<!tpu.dma_semaphore, #tpu.memory_space<semaphore_mem>>) src(%dma_wait3A_896 : memref<2560xi32, #tpu.memory_space<hbm>>) dst(%arg10 : memref<2560xi32, #tpu.memory_space<vmem>>)
      tpu.yield
    }) : () -> ()
    %iota3A = tpu.iota {dimensions = array<i32: 0>} : vector<16xi32>
    %mul3A_46 = arith.constant 20 : i32
    %mul3A_47 = vector.broadcast %mul3A_46 : i32 to vector<16xi32>
    %mul3A_48 = arith.muli %iota3A, %mul3A_47 : vector<16xi32>
    %scan3A_49 = arith.constant 0 : i32
    %scan3A_50 = arith.constant 0 : i32
    %scan3A_51 = arith.constant 640 : i32
    %scan3A_52 = arith.addi %scan3A_50, %scan3A_51 : i32
    %scan3A_53 = arith.constant 1 : i32
    scf.for %scan3A_893 = %scan3A_50 to %scan3A_52 step %scan3A_53  : i32 {
      %and3A_894 = arith.constant 7 : i32
      %and3A_895 = arith.andi %scan3A_893, %and3A_894 : i32
      %shift_right_arithmetic3A = arith.constant 3 : i32
      %shift_right_arithmetic3A_896 = arith.shrsi %scan3A_893, %shift_right_arithmetic3A : i32
      %and3A_897 = arith.constant 7 : i32
      %and3A_898 = arith.andi %shift_right_arithmetic3A_896, %and3A_897 : i32
      %shift_right_arithmetic3A_899 = arith.constant 6 : i32
      %shift_right_arithmetic3A_900 = arith.shrsi %scan3A_893, %shift_right_arithmetic3A_899 : i32
      %mul3A_901 = arith.constant 320 : i32
      %mul3A_902 = arith.muli %and3A_895, %mul3A_901 : i32
      %mul3A_903 = arith.constant 10 : i32
      %mul3A_904 = arith.muli %select_n3A_41, %mul3A_903 : i32
      %add3A_905 = arith.addi %mul3A_902, %mul3A_904 : i32
      %add3A_906 = arith.addi %add3A_905, %shift_right_arithmetic3A_900 : i32
      %add3A_907 = vector.broadcast %add3A_906 : i32 to vector<16xi32>
      %add3A_908 = arith.addi %mul3A_48, %add3A_907 : vector<16xi32>
      %gather3A = tpu.vector_load_idx %arg10[%add3A_908] : memref<2560xi32, #tpu.memory_space<vmem>>[vector<16xi32>], vector<16xi32>,
      %mul3A_909 = arith.constant 1000064 : i32
      %mul3A_910 = arith.muli %and3A_898, %mul3A_909 : i32
      %add3A_911 = arith.addi %mul3A_4, %mul3A_910 : i32
      %add3A_912 = vector.broadcast %add3A_911 : i32 to vector<16xi32>
      %add3A_913 = arith.addi %gather3A, %add3A_912 : vector<16xi32>
      %mul3A_914 = arith.constant 16 : i32
      %mul3A_915 = arith.muli %scan3A_893, %mul3A_914 : i32
      %swap3A = arith.index_cast %mul3A_915 : i32 to index
      %swap3A_916 = tpu.vector_load %arg11[%swap3A] {strides = array<i32>} : memref<10240xi32, #tpu.memory_space<vmem>>, vector<16xi32>,
      tpu.vector_store %arg11[%swap3A], %add3A_913 {strides = array<i32>} : memref<10240xi32, #tpu.memory_space<vmem>>, vector<16xi32>,
    }
    %scan3A_54 = arith.constant 640 : i32
    %dma_start3A = arith.constant 0 : i32
    %dma_start3A_55 = tpu.memref_slice %arg5[%dma_start3A] : memref<16001024xf32, #tpu.memory_space<hbm>> -> memref<16001024xf32, #tpu.memory_space<hbm>>
    tpu.enqueue_indirect_dma source(%dma_start3A_55 : memref<16001024xf32, #tpu.memory_space<hbm>>) target(%arg12 : memref<10240xf32, #tpu.memory_space<vmem>>) offsets(%arg11 : memref<10240xi32, #tpu.memory_space<vmem>>) semaphore(%arg16 : memref<!tpu.dma_semaphore, #tpu.memory_space<semaphore_mem>>)
    %dma_wait3A = arith.constant 0 : i32
    %dma_wait3A_56 = tpu.memref_slice %arg5[%dma_wait3A] : memref<16001024xf32, #tpu.memory_space<hbm>> -> memref<16001024xf32, #tpu.memory_space<hbm>>
    tpu.wait_indirect_dma semaphore(%arg16 : memref<!tpu.dma_semaphore, #tpu.memory_space<semaphore_mem>>) src(%dma_wait3A_56 : memref<16001024xf32, #tpu.memory_space<hbm>>) dst(%arg12 : memref<10240xf32, #tpu.memory_space<vmem>>)
    %scan3A_57 = arith.constant 0 : i32
    %scan3A_58 = arith.constant 0 : i32
    %scan3A_59 = arith.constant 640 : i32
    %scan3A_60 = arith.addi %scan3A_58, %scan3A_59 : i32
    %scan3A_61 = arith.constant 1 : i32
    scf.for %scan3A_893 = %scan3A_58 to %scan3A_60 step %scan3A_61  : i32 {
      %mul3A_894 = arith.constant 16 : i32
      %mul3A_895 = arith.muli %scan3A_893, %mul3A_894 : i32
      %get3A = arith.index_cast %mul3A_895 : i32 to index
      %get3A_896 = tpu.vector_load %arg12[%get3A] {strides = array<i32>} : memref<10240xf32, #tpu.memory_space<vmem>>, vector<16xf32>,
      %abs3A = math.absf %get3A_896 : vector<16xf32>
      %mul3A_897 = arith.constant -2.000000e+00 : f32
      %mul3A_898 = vector.broadcast %mul3A_897 : f32 to vector<16xf32>
      %mul3A_899 = arith.mulf %abs3A, %mul3A_898 : vector<16xf32>
      %exp3A = math.exp %mul3A_899 : vector<16xf32>
      %sign3A_900 = tpu.bitcast %get3A_896 : vector<16xf32> -> vector<16xi32>
      %sign3A_901 = arith.constant -2147483648 : i32
      %sign3A_902 = vector.broadcast %sign3A_901 : i32 to vector<16xi32>
      %sign3A_903 = arith.andi %sign3A_900, %sign3A_902 : vector<16xi32>
      %sign3A_904 = arith.constant 1065353216 : i32
      %sign3A_905 = vector.broadcast %sign3A_904 : i32 to vector<16xi32>
      %sign3A_906 = arith.ori %sign3A_905, %sign3A_903 : vector<16xi32>
      %sign3A_907 = tpu.bitcast %sign3A_906 : vector<16xi32> -> vector<16xf32>
      %sign3A_908 = math.absf %get3A_896 : vector<16xf32>
      %sign3A_909 = arith.constant 0.000000e+00 : f32
      %sign3A_910 = vector.broadcast %sign3A_909 : f32 to vector<16xf32>
      %sign3A_911 = arith.cmpf ogt, %sign3A_908, %sign3A_910 : vector<16xf32>
      %sign3A_912 = arith.select %sign3A_911, %sign3A_907, %get3A_896 : vector<16xi1>, vector<16xf32>
      %sub3A_913 = arith.constant 1.000000e+00 : f32
      %sub3A_914 = vector.broadcast %sub3A_913 : f32 to vector<16xf32>
      %sub3A_915 = arith.subf %sub3A_914, %exp3A : vector<16xf32>
      %add3A_916 = arith.constant 1.000000e+00 : f32
      %add3A_917 = vector.broadcast %add3A_916 : f32 to vector<16xf32>
      %add3A_918 = arith.addf %add3A_917, %exp3A : vector<16xf32>
      %div3A_919 = arith.divf %sub3A_915, %add3A_918 : vector<16xf32>
      %mul3A_920 = arith.mulf %sign3A_912, %div3A_919 : vector<16xf32>
      %mul3A_921 = arith.mulf %mul3A_920, %mul3A_920 : vector<16xf32>
      %broadcast_in_dim3A = arith.constant -8.91697272E-5 : f32
      %broadcast_in_dim3A_922 = vector.broadcast %broadcast_in_dim3A : f32 to vector<16xf32>
      %mul3A_923 = arith.mulf %broadcast_in_dim3A_922, %mul3A_921 : vector<16xf32>
      %add3A_924 = arith.constant 0.00190591195 : f32
      %add3A_925 = vector.broadcast %add3A_924 : f32 to vector<16xf32>
      %add3A_926 = arith.addf %mul3A_923, %add3A_925 : vector<16xf32>
      %mul3A_927 = arith.mulf %add3A_926, %mul3A_921 : vector<16xf32>
      %add3A_928 = arith.constant -0.0257878546 : f32
      %add3A_929 = vector.broadcast %add3A_928 : f32 to vector<16xf32>
      %add3A_930 = arith.addf %mul3A_927, %add3A_929 : vector<16xf32>
      %mul3A_931 = arith.mulf %add3A_930, %mul3A_921 : vector<16xf32>
      %add3A_932 = arith.constant 0.235322133 : f32
      %add3A_933 = vector.broadcast %add3A_932 : f32 to vector<16xf32>
      %add3A_934 = arith.addf %mul3A_931, %add3A_933 : vector<16xf32>
      %mul3A_935 = arith.mulf %add3A_934, %mul3A_921 : vector<16xf32>
      %add3A_936 = arith.constant -1.33526075 : f32
      %add3A_937 = vector.broadcast %add3A_936 : f32 to vector<16xf32>
      %add3A_938 = arith.addf %mul3A_935, %add3A_937 : vector<16xf32>
      %mul3A_939 = arith.mulf %add3A_938, %mul3A_921 : vector<16xf32>
      %add3A_940 = arith.constant 4.05871201 : f32
      %add3A_941 = vector.broadcast %add3A_940 : f32 to vector<16xf32>
      %add3A_942 = arith.addf %mul3A_939, %add3A_941 : vector<16xf32>
      %mul3A_943 = arith.mulf %add3A_942, %mul3A_921 : vector<16xf32>
      %add3A_944 = arith.constant -4.93480206 : f32
      %add3A_945 = vector.broadcast %add3A_944 : f32 to vector<16xf32>
      %add3A_946 = arith.addf %mul3A_943, %add3A_945 : vector<16xf32>
      %mul3A_947 = arith.mulf %add3A_946, %mul3A_921 : vector<16xf32>
      %add3A_948 = arith.constant 1.000000e+00 : f32
      %add3A_949 = vector.broadcast %add3A_948 : f32 to vector<16xf32>
      %add3A_950 = arith.addf %mul3A_947, %add3A_949 : vector<16xf32>
      %broadcast_in_dim3A_951 = arith.constant 3.9296507E-4 : f32
      %broadcast_in_dim3A_952 = vector.broadcast %broadcast_in_dim3A_951 : f32 to vector<16xf32>
      %mul3A_953 = arith.mulf %broadcast_in_dim3A_952, %mul3A_921 : vector<16xf32>
      %add3A_954 = arith.constant -0.00726732052 : f32
      %add3A_955 = vector.broadcast %add3A_954 : f32 to vector<16xf32>
      %add3A_956 = arith.addf %mul3A_953, %add3A_955 : vector<16xf32>
      %mul3A_957 = arith.mulf %add3A_956, %mul3A_921 : vector<16xf32>
      %add3A_958 = arith.constant 0.0820712894 : f32
      %add3A_959 = vector.broadcast %add3A_958 : f32 to vector<16xf32>
      %add3A_960 = arith.addf %mul3A_957, %add3A_959 : vector<16xf32>
      %mul3A_961 = arith.mulf %add3A_960, %mul3A_921 : vector<16xf32>
      %add3A_962 = arith.constant -0.599235594 : f32
      %add3A_963 = vector.broadcast %add3A_962 : f32 to vector<16xf32>
      %add3A_964 = arith.addf %mul3A_961, %add3A_963 : vector<16xf32>
      %mul3A_965 = arith.mulf %add3A_964, %mul3A_921 : vector<16xf32>
      %add3A_966 = arith.constant 2.55015826 : f32
      %add3A_967 = vector.broadcast %add3A_966 : f32 to vector<16xf32>
      %add3A_968 = arith.addf %mul3A_965, %add3A_967 : vector<16xf32>
      %mul3A_969 = arith.mulf %add3A_968, %mul3A_921 : vector<16xf32>
      %add3A_970 = arith.constant -5.16771221 : f32
      %add3A_971 = vector.broadcast %add3A_970 : f32 to vector<16xf32>
      %add3A_972 = arith.addf %mul3A_969, %add3A_971 : vector<16xf32>
      %mul3A_973 = arith.mulf %add3A_972, %mul3A_921 : vector<16xf32>
      %add3A_974 = arith.constant 3.14159274 : f32
      %add3A_975 = vector.broadcast %add3A_974 : f32 to vector<16xf32>
      %add3A_976 = arith.addf %mul3A_973, %add3A_975 : vector<16xf32>
      %mul3A_977 = arith.mulf %mul3A_920, %add3A_976 : vector<16xf32>
      %shift_right_arithmetic3A = arith.constant 6 : i32
      %shift_right_arithmetic3A_978 = arith.shrsi %scan3A_893, %shift_right_arithmetic3A : i32
      %shift_right_arithmetic3A_979 = arith.constant 3 : i32
      %shift_right_arithmetic3A_980 = arith.shrsi %scan3A_893, %shift_right_arithmetic3A_979 : i32
      %and3A_981 = arith.constant 7 : i32
      %and3A_982 = arith.andi %shift_right_arithmetic3A_980, %and3A_981 : i32
      %and3A_983 = arith.constant 7 : i32
      %and3A_984 = arith.andi %scan3A_893, %and3A_983 : i32
      %mul3A_985 = arith.constant 16 : i32
      %mul3A_986 = arith.muli %and3A_984, %mul3A_985 : i32
      %swap3A = arith.index_cast %shift_right_arithmetic3A_978 : i32 to index
      %swap3A_987 = arith.index_cast %and3A_982 : i32 to index
      %swap3A_988 = arith.index_cast %mul3A_986 : i32 to index
      %swap3A_989 = tpu.vector_load %arg13[%swap3A, %swap3A_987, %swap3A_988] {strides = array<i32>} : memref<10x8x128xf32, #tpu.memory_space<vmem>>, vector<16xf32>,
      tpu.vector_store %arg13[%swap3A, %swap3A_987, %swap3A_988], %add3A_950 {strides = array<i32>} : memref<10x8x128xf32, #tpu.memory_space<vmem>>, vector<16xf32>,
      %swap3A_990 = arith.index_cast %shift_right_arithmetic3A_978 : i32 to index
      %swap3A_991 = arith.index_cast %and3A_982 : i32 to index
      %swap3A_992 = arith.index_cast %mul3A_986 : i32 to index
      %swap3A_993 = tpu.vector_load %arg14[%swap3A_990, %swap3A_991, %swap3A_992] {strides = array<i32>} : memref<10x8x128xf32, #tpu.memory_space<vmem>>, vector<16xf32>,
      tpu.vector_store %arg14[%swap3A_990, %swap3A_991, %swap3A_992], %mul3A_977 {strides = array<i32>} : memref<10x8x128xf32, #tpu.memory_space<vmem>>, vector<16xf32>,
    }
    %scan3A_62 = arith.constant 640 : i32
    %mul3A_63 = arith.constant 10 : i32
    %mul3A_64 = arith.muli %select_n3A_41, %mul3A_63 : i32
    %add3A_65 = arith.constant 0 : i32
    %add3A_66 = arith.addi %mul3A_64, %add3A_65 : i32
    %mul3A_67 = arith.constant 2 : i32
    %mul3A_68 = arith.muli %add3A_66, %mul3A_67 : i32
    %mul3A_69 = arith.constant 8 : i32
    %mul3A_70 = arith.muli %mul3A_68, %mul3A_69 : i32
    %add3A_71 = arith.addi %mul3A_70, %select_n3A : i32
    %mul3A_72 = arith.constant 8 : i32
    %mul3A_73 = arith.muli %arg0, %mul3A_72 : i32
    %add3A_74 = arith.addi %add3A_71, %mul3A_73 : i32
    %dma_start3A_75 = arith.constant 0 : i32
    %dma_start3A_76 = arith.constant 0 : i32
    %dma_start3A_77 = arith.constant 0 : i32
    %dma_start3A_78 = tpu.memref_slice %arg13[%dma_start3A_75, %dma_start3A_76, %dma_start3A_77] : memref<10x8x128xf32, #tpu.memory_space<vmem>> -> memref<1x8x128xf32, #tpu.memory_space<vmem>>
    %dma_start3A_79 = tpu.memref_squeeze %dma_start3A_78 : memref<1x8x128xf32, #tpu.memory_space<vmem>> -> memref<8x128xf32, #tpu.memory_space<vmem>>
    %dma_start3A_80 = arith.constant 0 : i32
    %dma_start3A_81 = arith.constant 0 : i32
    %dma_start3A_82 = tpu.memref_slice %arg6[%add3A_74, %dma_start3A_80, %dma_start3A_81] : memref<320x8x128xf32, #tpu.memory_space<hbm>> -> memref<1x8x128xf32, #tpu.memory_space<hbm>>
    %dma_start3A_83 = tpu.memref_squeeze %dma_start3A_82 : memref<1x8x128xf32, #tpu.memory_space<hbm>> -> memref<8x128xf32, #tpu.memory_space<hbm>>
    %dma_start3A_84 = arith.constant 0 : i32
    %dma_start3A_85 = arith.constant 0 : i32
    %dma_start3A_86 = tpu.memref_slice %arg6[%add3A_74, %dma_start3A_84, %dma_start3A_85] : memref<320x8x128xf32, #tpu.memory_space<hbm>> -> memref<1x8x128xf32, #tpu.memory_space<hbm>>
    %dma_start3A_87 = tpu.memref_squeeze %dma_start3A_86 : memref<1x8x128xf32, #tpu.memory_space<hbm>> -> memref<8x128xf32, #tpu.memory_space<hbm>>
    %dma_start3A_88 = arith.constant 0 : i32
    %dma_start3A_89 = arith.constant 0 : i32
    %dma_start3A_90 = tpu.memref_slice %arg13[%dma_start3A_75, %dma_start3A_88, %dma_start3A_89] : memref<10x8x128xf32, #tpu.memory_space<vmem>> -> memref<1x8x128xf32, #tpu.memory_space<vmem>>
    %dma_start3A_91 = tpu.memref_squeeze %dma_start3A_90 : memref<1x8x128xf32, #tpu.memory_space<vmem>> -> memref<8x128xf32, #tpu.memory_space<vmem>>
    tpu.enqueue_dma source(%dma_start3A_91 : memref<8x128xf32, #tpu.memory_space<vmem>>) target(%dma_start3A_87 : memref<8x128xf32, #tpu.memory_space<hbm>>) target_semaphore(%arg16 : memref<!tpu.dma_semaphore, #tpu.memory_space<semaphore_mem>>)
    %mul3A_92 = arith.constant 8 : i32
    %mul3A_93 = arith.muli %arg0, %mul3A_92 : i32
    %add3A_94 = arith.addi %add3A_71, %mul3A_93 : i32
    %dma_start3A_95 = arith.constant 0 : i32
    %dma_start3A_96 = arith.constant 0 : i32
    %dma_start3A_97 = arith.constant 0 : i32
    %dma_start3A_98 = tpu.memref_slice %arg14[%dma_start3A_95, %dma_start3A_96, %dma_start3A_97] : memref<10x8x128xf32, #tpu.memory_space<vmem>> -> memref<1x8x128xf32, #tpu.memory_space<vmem>>
    %dma_start3A_99 = tpu.memref_squeeze %dma_start3A_98 : memref<1x8x128xf32, #tpu.memory_space<vmem>> -> memref<8x128xf32, #tpu.memory_space<vmem>>
    %dma_start3A_100 = arith.constant 0 : i32
    %dma_start3A_101 = arith.constant 0 : i32
    %dma_start3A_102 = tpu.memref_slice %arg7[%add3A_94, %dma_start3A_100, %dma_start3A_101] : memref<320x8x128xf32, #tpu.memory_space<hbm>> -> memref<1x8x128xf32, #tpu.memory_space<hbm>>
    %dma_start3A_103 = tpu.memref_squeeze %dma_start3A_102 : memref<1x8x128xf32, #tpu.memory_space<hbm>> -> memref<8x128xf32, #tpu.memory_space<hbm>>
    %dma_start3A_104 = arith.constant 0 : i32
    %dma_start3A_105 = arith.constant 0 : i32
    %dma_start3A_106 = tpu.memref_slice %arg7[%add3A_94, %dma_start3A_104, %dma_start3A_105] : memref<320x8x128xf32, #tpu.memory_space<hbm>> -> memref<1x8x128xf32, #tpu.memory_space<hbm>>
    %dma_start3A_107 = tpu.memref_squeeze %dma_start3A_106 : memref<1x8x128xf32, #tpu.memory_space<hbm>> -> memref<8x128xf32, #tpu.memory_space<hbm>>
    %dma_start3A_108 = arith.constant 0 : i32
    %dma_start3A_109 = arith.constant 0 : i32
    %dma_start3A_110 = tpu.memref_slice %arg14[%dma_start3A_95, %dma_start3A_108, %dma_start3A_109] : memref<10x8x128xf32, #tpu.memory_space<vmem>> -> memref<1x8x128xf32, #tpu.memory_space<vmem>>
    %dma_start3A_111 = tpu.memref_squeeze %dma_start3A_110 : memref<1x8x128xf32, #tpu.memory_space<vmem>> -> memref<8x128xf32, #tpu.memory_space<vmem>>
    tpu.enqueue_dma source(%dma_start3A_111 : memref<8x128xf32, #tpu.memory_space<vmem>>) target(%dma_start3A_107 : memref<8x128xf32, #tpu.memory_space<hbm>>) target_semaphore(%arg16 : memref<!tpu.dma_semaphore, #tpu.memory_space<semaphore_mem>>)
    %mul3A_112 = arith.constant 10 : i32
    %mul3A_113 = arith.muli %select_n3A_41, %mul3A_112 : i32
    %add3A_114 = arith.constant 1 : i32
    %add3A_115 = arith.addi %mul3A_113, %add3A_114 : i32
    %mul3A_116 = arith.constant 2 : i32
    %mul3A_117 = arith.muli %add3A_115, %mul3A_116 : i32
    %mul3A_118 = arith.constant 8 : i32
    %mul3A_119 = arith.muli %mul3A_117, %mul3A_118 : i32
    %add3A_120 = arith.addi %mul3A_119, %select_n3A : i32
    %mul3A_121 = arith.constant 8 : i32
    %mul3A_122 = arith.muli %arg0, %mul3A_121 : i32
    %add3A_123 = arith.addi %add3A_120, %mul3A_122 : i32
    %dma_start3A_124 = arith.constant 1 : i32
    %dma_start3A_125 = arith.constant 0 : i32
    %dma_start3A_126 = arith.constant 0 : i32
    %dma_start3A_127 = tpu.memref_slice %arg13[%dma_start3A_124, %dma_start3A_125, %dma_start3A_126] : memref<10x8x128xf32, #tpu.memory_space<vmem>> -> memref<1x8x128xf32, #tpu.memory_space<vmem>>
    %dma_start3A_128 = tpu.memref_squeeze %dma_start3A_127 : memref<1x8x128xf32, #tpu.memory_space<vmem>> -> memref<8x128xf32, #tpu.memory_space<vmem>>
    %dma_start3A_129 = arith.constant 0 : i32
    %dma_start3A_130 = arith.constant 0 : i32
    %dma_start3A_131 = tpu.memref_slice %arg6[%add3A_123, %dma_start3A_129, %dma_start3A_130] : memref<320x8x128xf32, #tpu.memory_space<hbm>> -> memref<1x8x128xf32, #tpu.memory_space<hbm>>
    %dma_start3A_132 = tpu.memref_squeeze %dma_start3A_131 : memref<1x8x128xf32, #tpu.memory_space<hbm>> -> memref<8x128xf32, #tpu.memory_space<hbm>>
    %dma_start3A_133 = arith.constant 0 : i32
    %dma_start3A_134 = arith.constant 0 : i32
    %dma_start3A_135 = tpu.memref_slice %arg6[%add3A_123, %dma_start3A_133, %dma_start3A_134] : memref<320x8x128xf32, #tpu.memory_space<hbm>> -> memref<1x8x128xf32, #tpu.memory_space<hbm>>
    %dma_start3A_136 = tpu.memref_squeeze %dma_start3A_135 : memref<1x8x128xf32, #tpu.memory_space<hbm>> -> memref<8x128xf32, #tpu.memory_space<hbm>>
    %dma_start3A_137 = arith.constant 0 : i32
    %dma_start3A_138 = arith.constant 0 : i32
    %dma_start3A_139 = tpu.memref_slice %arg13[%dma_start3A_124, %dma_start3A_137, %dma_start3A_138] : memref<10x8x128xf32, #tpu.memory_space<vmem>> -> memref<1x8x128xf32, #tpu.memory_space<vmem>>
    %dma_start3A_140 = tpu.memref_squeeze %dma_start3A_139 : memref<1x8x128xf32, #tpu.memory_space<vmem>> -> memref<8x128xf32, #tpu.memory_space<vmem>>
    tpu.enqueue_dma source(%dma_start3A_140 : memref<8x128xf32, #tpu.memory_space<vmem>>) target(%dma_start3A_136 : memref<8x128xf32, #tpu.memory_space<hbm>>) target_semaphore(%arg16 : memref<!tpu.dma_semaphore, #tpu.memory_space<semaphore_mem>>)
    %mul3A_141 = arith.constant 8 : i32
    %mul3A_142 = arith.muli %arg0, %mul3A_141 : i32
    %add3A_143 = arith.addi %add3A_120, %mul3A_142 : i32
    %dma_start3A_144 = arith.constant 1 : i32
    %dma_start3A_145 = arith.constant 0 : i32
    %dma_start3A_146 = arith.constant 0 : i32
    %dma_start3A_147 = tpu.memref_slice %arg14[%dma_start3A_144, %dma_start3A_145, %dma_start3A_146] : memref<10x8x128xf32, #tpu.memory_space<vmem>> -> memref<1x8x128xf32, #tpu.memory_space<vmem>>
    %dma_start3A_148 = tpu.memref_squeeze %dma_start3A_147 : memref<1x8x128xf32, #tpu.memory_space<vmem>> -> memref<8x128xf32, #tpu.memory_space<vmem>>
    %dma_start3A_149 = arith.constant 0 : i32
    %dma_start3A_150 = arith.constant 0 : i32
    %dma_start3A_151 = tpu.memref_slice %arg7[%add3A_143, %dma_start3A_149, %dma_start3A_150] : memref<320x8x128xf32, #tpu.memory_space<hbm>> -> memref<1x8x128xf32, #tpu.memory_space<hbm>>
    %dma_start3A_152 = tpu.memref_squeeze %dma_start3A_151 : memref<1x8x128xf32, #tpu.memory_space<hbm>> -> memref<8x128xf32, #tpu.memory_space<hbm>>
    %dma_start3A_153 = arith.constant 0 : i32
    %dma_start3A_154 = arith.constant 0 : i32
    %dma_start3A_155 = tpu.memref_slice %arg7[%add3A_143, %dma_start3A_153, %dma_start3A_154] : memref<320x8x128xf32, #tpu.memory_space<hbm>> -> memref<1x8x128xf32, #tpu.memory_space<hbm>>
    %dma_start3A_156 = tpu.memref_squeeze %dma_start3A_155 : memref<1x8x128xf32, #tpu.memory_space<hbm>> -> memref<8x128xf32, #tpu.memory_space<hbm>>
    %dma_start3A_157 = arith.constant 0 : i32
    %dma_start3A_158 = arith.constant 0 : i32
    %dma_start3A_159 = tpu.memref_slice %arg14[%dma_start3A_144, %dma_start3A_157, %dma_start3A_158] : memref<10x8x128xf32, #tpu.memory_space<vmem>> -> memref<1x8x128xf32, #tpu.memory_space<vmem>>
    %dma_start3A_160 = tpu.memref_squeeze %dma_start3A_159 : memref<1x8x128xf32, #tpu.memory_space<vmem>> -> memref<8x128xf32, #tpu.memory_space<vmem>>
    tpu.enqueue_dma source(%dma_start3A_160 : memref<8x128xf32, #tpu.memory_space<vmem>>) target(%dma_start3A_156 : memref<8x128xf32, #tpu.memory_space<hbm>>) target_semaphore(%arg16 : memref<!tpu.dma_semaphore, #tpu.memory_space<semaphore_mem>>)
    %mul3A_161 = arith.constant 10 : i32
    %mul3A_162 = arith.muli %select_n3A_41, %mul3A_161 : i32
    %add3A_163 = arith.constant 2 : i32
    %add3A_164 = arith.addi %mul3A_162, %add3A_163 : i32
    %mul3A_165 = arith.constant 2 : i32
    %mul3A_166 = arith.muli %add3A_164, %mul3A_165 : i32
    %mul3A_167 = arith.constant 8 : i32
    %mul3A_168 = arith.muli %mul3A_166, %mul3A_167 : i32
    %add3A_169 = arith.addi %mul3A_168, %select_n3A : i32
    %mul3A_170 = arith.constant 8 : i32
    %mul3A_171 = arith.muli %arg0, %mul3A_170 : i32
    %add3A_172 = arith.addi %add3A_169, %mul3A_171 : i32
    %dma_start3A_173 = arith.constant 2 : i32
    %dma_start3A_174 = arith.constant 0 : i32
    %dma_start3A_175 = arith.constant 0 : i32
    %dma_start3A_176 = tpu.memref_slice %arg13[%dma_start3A_173, %dma_start3A_174, %dma_start3A_175] : memref<10x8x128xf32, #tpu.memory_space<vmem>> -> memref<1x8x128xf32, #tpu.memory_space<vmem>>
    %dma_start3A_177 = tpu.memref_squeeze %dma_start3A_176 : memref<1x8x128xf32, #tpu.memory_space<vmem>> -> memref<8x128xf32, #tpu.memory_space<vmem>>
    %dma_start3A_178 = arith.constant 0 : i32
    %dma_start3A_179 = arith.constant 0 : i32
    %dma_start3A_180 = tpu.memref_slice %arg6[%add3A_172, %dma_start3A_178, %dma_start3A_179] : memref<320x8x128xf32, #tpu.memory_space<hbm>> -> memref<1x8x128xf32, #tpu.memory_space<hbm>>
    %dma_start3A_181 = tpu.memref_squeeze %dma_start3A_180 : memref<1x8x128xf32, #tpu.memory_space<hbm>> -> memref<8x128xf32, #tpu.memory_space<hbm>>
    %dma_start3A_182 = arith.constant 0 : i32
    %dma_start3A_183 = arith.constant 0 : i32
    %dma_start3A_184 = tpu.memref_slice %arg6[%add3A_172, %dma_start3A_182, %dma_start3A_183] : memref<320x8x128xf32, #tpu.memory_space<hbm>> -> memref<1x8x128xf32, #tpu.memory_space<hbm>>
    %dma_start3A_185 = tpu.memref_squeeze %dma_start3A_184 : memref<1x8x128xf32, #tpu.memory_space<hbm>> -> memref<8x128xf32, #tpu.memory_space<hbm>>
    %dma_start3A_186 = arith.constant 0 : i32
    %dma_start3A_187 = arith.constant 0 : i32
    %dma_start3A_188 = tpu.memref_slice %arg13[%dma_start3A_173, %dma_start3A_186, %dma_start3A_187] : memref<10x8x128xf32, #tpu.memory_space<vmem>> -> memref<1x8x128xf32, #tpu.memory_space<vmem>>
    %dma_start3A_189 = tpu.memref_squeeze %dma_start3A_188 : memref<1x8x128xf32, #tpu.memory_space<vmem>> -> memref<8x128xf32, #tpu.memory_space<vmem>>
    tpu.enqueue_dma source(%dma_start3A_189 : memref<8x128xf32, #tpu.memory_space<vmem>>) target(%dma_start3A_185 : memref<8x128xf32, #tpu.memory_space<hbm>>) target_semaphore(%arg16 : memref<!tpu.dma_semaphore, #tpu.memory_space<semaphore_mem>>)
    %mul3A_190 = arith.constant 8 : i32
    %mul3A_191 = arith.muli %arg0, %mul3A_190 : i32
    %add3A_192 = arith.addi %add3A_169, %mul3A_191 : i32
    %dma_start3A_193 = arith.constant 2 : i32
    %dma_start3A_194 = arith.constant 0 : i32
    %dma_start3A_195 = arith.constant 0 : i32
    %dma_start3A_196 = tpu.memref_slice %arg14[%dma_start3A_193, %dma_start3A_194, %dma_start3A_195] : memref<10x8x128xf32, #tpu.memory_space<vmem>> -> memref<1x8x128xf32, #tpu.memory_space<vmem>>
    %dma_start3A_197 = tpu.memref_squeeze %dma_start3A_196 : memref<1x8x128xf32, #tpu.memory_space<vmem>> -> memref<8x128xf32, #tpu.memory_space<vmem>>
    %dma_start3A_198 = arith.constant 0 : i32
    %dma_start3A_199 = arith.constant 0 : i32
    %dma_start3A_200 = tpu.memref_slice %arg7[%add3A_192, %dma_start3A_198, %dma_start3A_199] : memref<320x8x128xf32, #tpu.memory_space<hbm>> -> memref<1x8x128xf32, #tpu.memory_space<hbm>>
    %dma_start3A_201 = tpu.memref_squeeze %dma_start3A_200 : memref<1x8x128xf32, #tpu.memory_space<hbm>> -> memref<8x128xf32, #tpu.memory_space<hbm>>
    %dma_start3A_202 = arith.constant 0 : i32
    %dma_start3A_203 = arith.constant 0 : i32
    %dma_start3A_204 = tpu.memref_slice %arg7[%add3A_192, %dma_start3A_202, %dma_start3A_203] : memref<320x8x128xf32, #tpu.memory_space<hbm>> -> memref<1x8x128xf32, #tpu.memory_space<hbm>>
    %dma_start3A_205 = tpu.memref_squeeze %dma_start3A_204 : memref<1x8x128xf32, #tpu.memory_space<hbm>> -> memref<8x128xf32, #tpu.memory_space<hbm>>
    %dma_start3A_206 = arith.constant 0 : i32
    %dma_start3A_207 = arith.constant 0 : i32
    %dma_start3A_208 = tpu.memref_slice %arg14[%dma_start3A_193, %dma_start3A_206, %dma_start3A_207] : memref<10x8x128xf32, #tpu.memory_space<vmem>> -> memref<1x8x128xf32, #tpu.memory_space<vmem>>
    %dma_start3A_209 = tpu.memref_squeeze %dma_start3A_208 : memref<1x8x128xf32, #tpu.memory_space<vmem>> -> memref<8x128xf32, #tpu.memory_space<vmem>>
    tpu.enqueue_dma source(%dma_start3A_209 : memref<8x128xf32, #tpu.memory_space<vmem>>) target(%dma_start3A_205 : memref<8x128xf32, #tpu.memory_space<hbm>>) target_semaphore(%arg16 : memref<!tpu.dma_semaphore, #tpu.memory_space<semaphore_mem>>)
    %mul3A_210 = arith.constant 10 : i32
    %mul3A_211 = arith.muli %select_n3A_41, %mul3A_210 : i32
    %add3A_212 = arith.constant 3 : i32
    %add3A_213 = arith.addi %mul3A_211, %add3A_212 : i32
    %mul3A_214 = arith.constant 2 : i32
    %mul3A_215 = arith.muli %add3A_213, %mul3A_214 : i32
    %mul3A_216 = arith.constant 8 : i32
    %mul3A_217 = arith.muli %mul3A_215, %mul3A_216 : i32
    %add3A_218 = arith.addi %mul3A_217, %select_n3A : i32
    %mul3A_219 = arith.constant 8 : i32
    %mul3A_220 = arith.muli %arg0, %mul3A_219 : i32
    %add3A_221 = arith.addi %add3A_218, %mul3A_220 : i32
    %dma_start3A_222 = arith.constant 3 : i32
    %dma_start3A_223 = arith.constant 0 : i32
    %dma_start3A_224 = arith.constant 0 : i32
    %dma_start3A_225 = tpu.memref_slice %arg13[%dma_start3A_222, %dma_start3A_223, %dma_start3A_224] : memref<10x8x128xf32, #tpu.memory_space<vmem>> -> memref<1x8x128xf32, #tpu.memory_space<vmem>>
    %dma_start3A_226 = tpu.memref_squeeze %dma_start3A_225 : memref<1x8x128xf32, #tpu.memory_space<vmem>> -> memref<8x128xf32, #tpu.memory_space<vmem>>
    %dma_start3A_227 = arith.constant 0 : i32
    %dma_start3A_228 = arith.constant 0 : i32
    %dma_start3A_229 = tpu.memref_slice %arg6[%add3A_221, %dma_start3A_227, %dma_start3A_228] : memref<320x8x128xf32, #tpu.memory_space<hbm>> -> memref<1x8x128xf32, #tpu.memory_space<hbm>>
    %dma_start3A_230 = tpu.memref_squeeze %dma_start3A_229 : memref<1x8x128xf32, #tpu.memory_space<hbm>> -> memref<8x128xf32, #tpu.memory_space<hbm>>
    %dma_start3A_231 = arith.constant 0 : i32
    %dma_start3A_232 = arith.constant 0 : i32
    %dma_start3A_233 = tpu.memref_slice %arg6[%add3A_221, %dma_start3A_231, %dma_start3A_232] : memref<320x8x128xf32, #tpu.memory_space<hbm>> -> memref<1x8x128xf32, #tpu.memory_space<hbm>>
    %dma_start3A_234 = tpu.memref_squeeze %dma_start3A_233 : memref<1x8x128xf32, #tpu.memory_space<hbm>> -> memref<8x128xf32, #tpu.memory_space<hbm>>
    %dma_start3A_235 = arith.constant 0 : i32
    %dma_start3A_236 = arith.constant 0 : i32
    %dma_start3A_237 = tpu.memref_slice %arg13[%dma_start3A_222, %dma_start3A_235, %dma_start3A_236] : memref<10x8x128xf32, #tpu.memory_space<vmem>> -> memref<1x8x128xf32, #tpu.memory_space<vmem>>
    %dma_start3A_238 = tpu.memref_squeeze %dma_start3A_237 : memref<1x8x128xf32, #tpu.memory_space<vmem>> -> memref<8x128xf32, #tpu.memory_space<vmem>>
    tpu.enqueue_dma source(%dma_start3A_238 : memref<8x128xf32, #tpu.memory_space<vmem>>) target(%dma_start3A_234 : memref<8x128xf32, #tpu.memory_space<hbm>>) target_semaphore(%arg16 : memref<!tpu.dma_semaphore, #tpu.memory_space<semaphore_mem>>)
    %mul3A_239 = arith.constant 8 : i32
    %mul3A_240 = arith.muli %arg0, %mul3A_239 : i32
    %add3A_241 = arith.addi %add3A_218, %mul3A_240 : i32
    %dma_start3A_242 = arith.constant 3 : i32
    %dma_start3A_243 = arith.constant 0 : i32
    %dma_start3A_244 = arith.constant 0 : i32
    %dma_start3A_245 = tpu.memref_slice %arg14[%dma_start3A_242, %dma_start3A_243, %dma_start3A_244] : memref<10x8x128xf32, #tpu.memory_space<vmem>> -> memref<1x8x128xf32, #tpu.memory_space<vmem>>
    %dma_start3A_246 = tpu.memref_squeeze %dma_start3A_245 : memref<1x8x128xf32, #tpu.memory_space<vmem>> -> memref<8x128xf32, #tpu.memory_space<vmem>>
    %dma_start3A_247 = arith.constant 0 : i32
    %dma_start3A_248 = arith.constant 0 : i32
    %dma_start3A_249 = tpu.memref_slice %arg7[%add3A_241, %dma_start3A_247, %dma_start3A_248] : memref<320x8x128xf32, #tpu.memory_space<hbm>> -> memref<1x8x128xf32, #tpu.memory_space<hbm>>
    %dma_start3A_250 = tpu.memref_squeeze %dma_start3A_249 : memref<1x8x128xf32, #tpu.memory_space<hbm>> -> memref<8x128xf32, #tpu.memory_space<hbm>>
    %dma_start3A_251 = arith.constant 0 : i32
    %dma_start3A_252 = arith.constant 0 : i32
    %dma_start3A_253 = tpu.memref_slice %arg7[%add3A_241, %dma_start3A_251, %dma_start3A_252] : memref<320x8x128xf32, #tpu.memory_space<hbm>> -> memref<1x8x128xf32, #tpu.memory_space<hbm>>
    %dma_start3A_254 = tpu.memref_squeeze %dma_start3A_253 : memref<1x8x128xf32, #tpu.memory_space<hbm>> -> memref<8x128xf32, #tpu.memory_space<hbm>>
    %dma_start3A_255 = arith.constant 0 : i32
    %dma_start3A_256 = arith.constant 0 : i32
    %dma_start3A_257 = tpu.memref_slice %arg14[%dma_start3A_242, %dma_start3A_255, %dma_start3A_256] : memref<10x8x128xf32, #tpu.memory_space<vmem>> -> memref<1x8x128xf32, #tpu.memory_space<vmem>>
    %dma_start3A_258 = tpu.memref_squeeze %dma_start3A_257 : memref<1x8x128xf32, #tpu.memory_space<vmem>> -> memref<8x128xf32, #tpu.memory_space<vmem>>
    tpu.enqueue_dma source(%dma_start3A_258 : memref<8x128xf32, #tpu.memory_space<vmem>>) target(%dma_start3A_254 : memref<8x128xf32, #tpu.memory_space<hbm>>) target_semaphore(%arg16 : memref<!tpu.dma_semaphore, #tpu.memory_space<semaphore_mem>>)
    %mul3A_259 = arith.constant 10 : i32
    %mul3A_260 = arith.muli %select_n3A_41, %mul3A_259 : i32
    %add3A_261 = arith.constant 4 : i32
    %add3A_262 = arith.addi %mul3A_260, %add3A_261 : i32
    %mul3A_263 = arith.constant 2 : i32
    %mul3A_264 = arith.muli %add3A_262, %mul3A_263 : i32
    %mul3A_265 = arith.constant 8 : i32
    %mul3A_266 = arith.muli %mul3A_264, %mul3A_265 : i32
    %add3A_267 = arith.addi %mul3A_266, %select_n3A : i32
    %mul3A_268 = arith.constant 8 : i32
    %mul3A_269 = arith.muli %arg0, %mul3A_268 : i32
    %add3A_270 = arith.addi %add3A_267, %mul3A_269 : i32
    %dma_start3A_271 = arith.constant 4 : i32
    %dma_start3A_272 = arith.constant 0 : i32
    %dma_start3A_273 = arith.constant 0 : i32
    %dma_start3A_274 = tpu.memref_slice %arg13[%dma_start3A_271, %dma_start3A_272, %dma_start3A_273] : memref<10x8x128xf32, #tpu.memory_space<vmem>> -> memref<1x8x128xf32, #tpu.memory_space<vmem>>
    %dma_start3A_275 = tpu.memref_squeeze %dma_start3A_274 : memref<1x8x128xf32, #tpu.memory_space<vmem>> -> memref<8x128xf32, #tpu.memory_space<vmem>>
    %dma_start3A_276 = arith.constant 0 : i32
    %dma_start3A_277 = arith.constant 0 : i32
    %dma_start3A_278 = tpu.memref_slice %arg6[%add3A_270, %dma_start3A_276, %dma_start3A_277] : memref<320x8x128xf32, #tpu.memory_space<hbm>> -> memref<1x8x128xf32, #tpu.memory_space<hbm>>
    %dma_start3A_279 = tpu.memref_squeeze %dma_start3A_278 : memref<1x8x128xf32, #tpu.memory_space<hbm>> -> memref<8x128xf32, #tpu.memory_space<hbm>>
    %dma_start3A_280 = arith.constant 0 : i32
    %dma_start3A_281 = arith.constant 0 : i32
    %dma_start3A_282 = tpu.memref_slice %arg6[%add3A_270, %dma_start3A_280, %dma_start3A_281] : memref<320x8x128xf32, #tpu.memory_space<hbm>> -> memref<1x8x128xf32, #tpu.memory_space<hbm>>
    %dma_start3A_283 = tpu.memref_squeeze %dma_start3A_282 : memref<1x8x128xf32, #tpu.memory_space<hbm>> -> memref<8x128xf32, #tpu.memory_space<hbm>>
    %dma_start3A_284 = arith.constant 0 : i32
    %dma_start3A_285 = arith.constant 0 : i32
    %dma_start3A_286 = tpu.memref_slice %arg13[%dma_start3A_271, %dma_start3A_284, %dma_start3A_285] : memref<10x8x128xf32, #tpu.memory_space<vmem>> -> memref<1x8x128xf32, #tpu.memory_space<vmem>>
    %dma_start3A_287 = tpu.memref_squeeze %dma_start3A_286 : memref<1x8x128xf32, #tpu.memory_space<vmem>> -> memref<8x128xf32, #tpu.memory_space<vmem>>
    tpu.enqueue_dma source(%dma_start3A_287 : memref<8x128xf32, #tpu.memory_space<vmem>>) target(%dma_start3A_283 : memref<8x128xf32, #tpu.memory_space<hbm>>) target_semaphore(%arg16 : memref<!tpu.dma_semaphore, #tpu.memory_space<semaphore_mem>>)
    %mul3A_288 = arith.constant 8 : i32
    %mul3A_289 = arith.muli %arg0, %mul3A_288 : i32
    %add3A_290 = arith.addi %add3A_267, %mul3A_289 : i32
    %dma_start3A_291 = arith.constant 4 : i32
    %dma_start3A_292 = arith.constant 0 : i32
    %dma_start3A_293 = arith.constant 0 : i32
    %dma_start3A_294 = tpu.memref_slice %arg14[%dma_start3A_291, %dma_start3A_292, %dma_start3A_293] : memref<10x8x128xf32, #tpu.memory_space<vmem>> -> memref<1x8x128xf32, #tpu.memory_space<vmem>>
    %dma_start3A_295 = tpu.memref_squeeze %dma_start3A_294 : memref<1x8x128xf32, #tpu.memory_space<vmem>> -> memref<8x128xf32, #tpu.memory_space<vmem>>
    %dma_start3A_296 = arith.constant 0 : i32
    %dma_start3A_297 = arith.constant 0 : i32
    %dma_start3A_298 = tpu.memref_slice %arg7[%add3A_290, %dma_start3A_296, %dma_start3A_297] : memref<320x8x128xf32, #tpu.memory_space<hbm>> -> memref<1x8x128xf32, #tpu.memory_space<hbm>>
    %dma_start3A_299 = tpu.memref_squeeze %dma_start3A_298 : memref<1x8x128xf32, #tpu.memory_space<hbm>> -> memref<8x128xf32, #tpu.memory_space<hbm>>
    %dma_start3A_300 = arith.constant 0 : i32
    %dma_start3A_301 = arith.constant 0 : i32
    %dma_start3A_302 = tpu.memref_slice %arg7[%add3A_290, %dma_start3A_300, %dma_start3A_301] : memref<320x8x128xf32, #tpu.memory_space<hbm>> -> memref<1x8x128xf32, #tpu.memory_space<hbm>>
    %dma_start3A_303 = tpu.memref_squeeze %dma_start3A_302 : memref<1x8x128xf32, #tpu.memory_space<hbm>> -> memref<8x128xf32, #tpu.memory_space<hbm>>
    %dma_start3A_304 = arith.constant 0 : i32
    %dma_start3A_305 = arith.constant 0 : i32
    %dma_start3A_306 = tpu.memref_slice %arg14[%dma_start3A_291, %dma_start3A_304, %dma_start3A_305] : memref<10x8x128xf32, #tpu.memory_space<vmem>> -> memref<1x8x128xf32, #tpu.memory_space<vmem>>
    %dma_start3A_307 = tpu.memref_squeeze %dma_start3A_306 : memref<1x8x128xf32, #tpu.memory_space<vmem>> -> memref<8x128xf32, #tpu.memory_space<vmem>>
    tpu.enqueue_dma source(%dma_start3A_307 : memref<8x128xf32, #tpu.memory_space<vmem>>) target(%dma_start3A_303 : memref<8x128xf32, #tpu.memory_space<hbm>>) target_semaphore(%arg16 : memref<!tpu.dma_semaphore, #tpu.memory_space<semaphore_mem>>)
    %mul3A_308 = arith.constant 10 : i32
    %mul3A_309 = arith.muli %select_n3A_41, %mul3A_308 : i32
    %add3A_310 = arith.constant 5 : i32
    %add3A_311 = arith.addi %mul3A_309, %add3A_310 : i32
    %mul3A_312 = arith.constant 2 : i32
    %mul3A_313 = arith.muli %add3A_311, %mul3A_312 : i32
    %mul3A_314 = arith.constant 8 : i32
    %mul3A_315 = arith.muli %mul3A_313, %mul3A_314 : i32
    %add3A_316 = arith.addi %mul3A_315, %select_n3A : i32
    %mul3A_317 = arith.constant 8 : i32
    %mul3A_318 = arith.muli %arg0, %mul3A_317 : i32
    %add3A_319 = arith.addi %add3A_316, %mul3A_318 : i32
    %dma_start3A_320 = arith.constant 5 : i32
    %dma_start3A_321 = arith.constant 0 : i32
    %dma_start3A_322 = arith.constant 0 : i32
    %dma_start3A_323 = tpu.memref_slice %arg13[%dma_start3A_320, %dma_start3A_321, %dma_start3A_322] : memref<10x8x128xf32, #tpu.memory_space<vmem>> -> memref<1x8x128xf32, #tpu.memory_space<vmem>>
    %dma_start3A_324 = tpu.memref_squeeze %dma_start3A_323 : memref<1x8x128xf32, #tpu.memory_space<vmem>> -> memref<8x128xf32, #tpu.memory_space<vmem>>
    %dma_start3A_325 = arith.constant 0 : i32
    %dma_start3A_326 = arith.constant 0 : i32
    %dma_start3A_327 = tpu.memref_slice %arg6[%add3A_319, %dma_start3A_325, %dma_start3A_326] : memref<320x8x128xf32, #tpu.memory_space<hbm>> -> memref<1x8x128xf32, #tpu.memory_space<hbm>>
    %dma_start3A_328 = tpu.memref_squeeze %dma_start3A_327 : memref<1x8x128xf32, #tpu.memory_space<hbm>> -> memref<8x128xf32, #tpu.memory_space<hbm>>
    %dma_start3A_329 = arith.constant 0 : i32
    %dma_start3A_330 = arith.constant 0 : i32
    %dma_start3A_331 = tpu.memref_slice %arg6[%add3A_319, %dma_start3A_329, %dma_start3A_330] : memref<320x8x128xf32, #tpu.memory_space<hbm>> -> memref<1x8x128xf32, #tpu.memory_space<hbm>>
    %dma_start3A_332 = tpu.memref_squeeze %dma_start3A_331 : memref<1x8x128xf32, #tpu.memory_space<hbm>> -> memref<8x128xf32, #tpu.memory_space<hbm>>
    %dma_start3A_333 = arith.constant 0 : i32
    %dma_start3A_334 = arith.constant 0 : i32
    %dma_start3A_335 = tpu.memref_slice %arg13[%dma_start3A_320, %dma_start3A_333, %dma_start3A_334] : memref<10x8x128xf32, #tpu.memory_space<vmem>> -> memref<1x8x128xf32, #tpu.memory_space<vmem>>
    %dma_start3A_336 = tpu.memref_squeeze %dma_start3A_335 : memref<1x8x128xf32, #tpu.memory_space<vmem>> -> memref<8x128xf32, #tpu.memory_space<vmem>>
    tpu.enqueue_dma source(%dma_start3A_336 : memref<8x128xf32, #tpu.memory_space<vmem>>) target(%dma_start3A_332 : memref<8x128xf32, #tpu.memory_space<hbm>>) target_semaphore(%arg16 : memref<!tpu.dma_semaphore, #tpu.memory_space<semaphore_mem>>)
    %mul3A_337 = arith.constant 8 : i32
    %mul3A_338 = arith.muli %arg0, %mul3A_337 : i32
    %add3A_339 = arith.addi %add3A_316, %mul3A_338 : i32
    %dma_start3A_340 = arith.constant 5 : i32
    %dma_start3A_341 = arith.constant 0 : i32
    %dma_start3A_342 = arith.constant 0 : i32
    %dma_start3A_343 = tpu.memref_slice %arg14[%dma_start3A_340, %dma_start3A_341, %dma_start3A_342] : memref<10x8x128xf32, #tpu.memory_space<vmem>> -> memref<1x8x128xf32, #tpu.memory_space<vmem>>
    %dma_start3A_344 = tpu.memref_squeeze %dma_start3A_343 : memref<1x8x128xf32, #tpu.memory_space<vmem>> -> memref<8x128xf32, #tpu.memory_space<vmem>>
    %dma_start3A_345 = arith.constant 0 : i32
    %dma_start3A_346 = arith.constant 0 : i32
    %dma_start3A_347 = tpu.memref_slice %arg7[%add3A_339, %dma_start3A_345, %dma_start3A_346] : memref<320x8x128xf32, #tpu.memory_space<hbm>> -> memref<1x8x128xf32, #tpu.memory_space<hbm>>
    %dma_start3A_348 = tpu.memref_squeeze %dma_start3A_347 : memref<1x8x128xf32, #tpu.memory_space<hbm>> -> memref<8x128xf32, #tpu.memory_space<hbm>>
    %dma_start3A_349 = arith.constant 0 : i32
    %dma_start3A_350 = arith.constant 0 : i32
    %dma_start3A_351 = tpu.memref_slice %arg7[%add3A_339, %dma_start3A_349, %dma_start3A_350] : memref<320x8x128xf32, #tpu.memory_space<hbm>> -> memref<1x8x128xf32, #tpu.memory_space<hbm>>
    %dma_start3A_352 = tpu.memref_squeeze %dma_start3A_351 : memref<1x8x128xf32, #tpu.memory_space<hbm>> -> memref<8x128xf32, #tpu.memory_space<hbm>>
    %dma_start3A_353 = arith.constant 0 : i32
    %dma_start3A_354 = arith.constant 0 : i32
    %dma_start3A_355 = tpu.memref_slice %arg14[%dma_start3A_340, %dma_start3A_353, %dma_start3A_354] : memref<10x8x128xf32, #tpu.memory_space<vmem>> -> memref<1x8x128xf32, #tpu.memory_space<vmem>>
    %dma_start3A_356 = tpu.memref_squeeze %dma_start3A_355 : memref<1x8x128xf32, #tpu.memory_space<vmem>> -> memref<8x128xf32, #tpu.memory_space<vmem>>
    tpu.enqueue_dma source(%dma_start3A_356 : memref<8x128xf32, #tpu.memory_space<vmem>>) target(%dma_start3A_352 : memref<8x128xf32, #tpu.memory_space<hbm>>) target_semaphore(%arg16 : memref<!tpu.dma_semaphore, #tpu.memory_space<semaphore_mem>>)
    %mul3A_357 = arith.constant 10 : i32
    %mul3A_358 = arith.muli %select_n3A_41, %mul3A_357 : i32
    %add3A_359 = arith.constant 6 : i32
    %add3A_360 = arith.addi %mul3A_358, %add3A_359 : i32
    %mul3A_361 = arith.constant 2 : i32
    %mul3A_362 = arith.muli %add3A_360, %mul3A_361 : i32
    %mul3A_363 = arith.constant 8 : i32
    %mul3A_364 = arith.muli %mul3A_362, %mul3A_363 : i32
    %add3A_365 = arith.addi %mul3A_364, %select_n3A : i32
    %mul3A_366 = arith.constant 8 : i32
    %mul3A_367 = arith.muli %arg0, %mul3A_366 : i32
    %add3A_368 = arith.addi %add3A_365, %mul3A_367 : i32
    %dma_start3A_369 = arith.constant 6 : i32
    %dma_start3A_370 = arith.constant 0 : i32
    %dma_start3A_371 = arith.constant 0 : i32
    %dma_start3A_372 = tpu.memref_slice %arg13[%dma_start3A_369, %dma_start3A_370, %dma_start3A_371] : memref<10x8x128xf32, #tpu.memory_space<vmem>> -> memref<1x8x128xf32, #tpu.memory_space<vmem>>
    %dma_start3A_373 = tpu.memref_squeeze %dma_start3A_372 : memref<1x8x128xf32, #tpu.memory_space<vmem>> -> memref<8x128xf32, #tpu.memory_space<vmem>>
    %dma_start3A_374 = arith.constant 0 : i32
    %dma_start3A_375 = arith.constant 0 : i32
    %dma_start3A_376 = tpu.memref_slice %arg6[%add3A_368, %dma_start3A_374, %dma_start3A_375] : memref<320x8x128xf32, #tpu.memory_space<hbm>> -> memref<1x8x128xf32, #tpu.memory_space<hbm>>
    %dma_start3A_377 = tpu.memref_squeeze %dma_start3A_376 : memref<1x8x128xf32, #tpu.memory_space<hbm>> -> memref<8x128xf32, #tpu.memory_space<hbm>>
    %dma_start3A_378 = arith.constant 0 : i32
    %dma_start3A_379 = arith.constant 0 : i32
    %dma_start3A_380 = tpu.memref_slice %arg6[%add3A_368, %dma_start3A_378, %dma_start3A_379] : memref<320x8x128xf32, #tpu.memory_space<hbm>> -> memref<1x8x128xf32, #tpu.memory_space<hbm>>
    %dma_start3A_381 = tpu.memref_squeeze %dma_start3A_380 : memref<1x8x128xf32, #tpu.memory_space<hbm>> -> memref<8x128xf32, #tpu.memory_space<hbm>>
    %dma_start3A_382 = arith.constant 0 : i32
    %dma_start3A_383 = arith.constant 0 : i32
    %dma_start3A_384 = tpu.memref_slice %arg13[%dma_start3A_369, %dma_start3A_382, %dma_start3A_383] : memref<10x8x128xf32, #tpu.memory_space<vmem>> -> memref<1x8x128xf32, #tpu.memory_space<vmem>>
    %dma_start3A_385 = tpu.memref_squeeze %dma_start3A_384 : memref<1x8x128xf32, #tpu.memory_space<vmem>> -> memref<8x128xf32, #tpu.memory_space<vmem>>
    tpu.enqueue_dma source(%dma_start3A_385 : memref<8x128xf32, #tpu.memory_space<vmem>>) target(%dma_start3A_381 : memref<8x128xf32, #tpu.memory_space<hbm>>) target_semaphore(%arg16 : memref<!tpu.dma_semaphore, #tpu.memory_space<semaphore_mem>>)
    %mul3A_386 = arith.constant 8 : i32
    %mul3A_387 = arith.muli %arg0, %mul3A_386 : i32
    %add3A_388 = arith.addi %add3A_365, %mul3A_387 : i32
    %dma_start3A_389 = arith.constant 6 : i32
    %dma_start3A_390 = arith.constant 0 : i32
    %dma_start3A_391 = arith.constant 0 : i32
    %dma_start3A_392 = tpu.memref_slice %arg14[%dma_start3A_389, %dma_start3A_390, %dma_start3A_391] : memref<10x8x128xf32, #tpu.memory_space<vmem>> -> memref<1x8x128xf32, #tpu.memory_space<vmem>>
    %dma_start3A_393 = tpu.memref_squeeze %dma_start3A_392 : memref<1x8x128xf32, #tpu.memory_space<vmem>> -> memref<8x128xf32, #tpu.memory_space<vmem>>
    %dma_start3A_394 = arith.constant 0 : i32
    %dma_start3A_395 = arith.constant 0 : i32
    %dma_start3A_396 = tpu.memref_slice %arg7[%add3A_388, %dma_start3A_394, %dma_start3A_395] : memref<320x8x128xf32, #tpu.memory_space<hbm>> -> memref<1x8x128xf32, #tpu.memory_space<hbm>>
    %dma_start3A_397 = tpu.memref_squeeze %dma_start3A_396 : memref<1x8x128xf32, #tpu.memory_space<hbm>> -> memref<8x128xf32, #tpu.memory_space<hbm>>
    %dma_start3A_398 = arith.constant 0 : i32
    %dma_start3A_399 = arith.constant 0 : i32
    %dma_start3A_400 = tpu.memref_slice %arg7[%add3A_388, %dma_start3A_398, %dma_start3A_399] : memref<320x8x128xf32, #tpu.memory_space<hbm>> -> memref<1x8x128xf32, #tpu.memory_space<hbm>>
    %dma_start3A_401 = tpu.memref_squeeze %dma_start3A_400 : memref<1x8x128xf32, #tpu.memory_space<hbm>> -> memref<8x128xf32, #tpu.memory_space<hbm>>
    %dma_start3A_402 = arith.constant 0 : i32
    %dma_start3A_403 = arith.constant 0 : i32
    %dma_start3A_404 = tpu.memref_slice %arg14[%dma_start3A_389, %dma_start3A_402, %dma_start3A_403] : memref<10x8x128xf32, #tpu.memory_space<vmem>> -> memref<1x8x128xf32, #tpu.memory_space<vmem>>
    %dma_start3A_405 = tpu.memref_squeeze %dma_start3A_404 : memref<1x8x128xf32, #tpu.memory_space<vmem>> -> memref<8x128xf32, #tpu.memory_space<vmem>>
    tpu.enqueue_dma source(%dma_start3A_405 : memref<8x128xf32, #tpu.memory_space<vmem>>) target(%dma_start3A_401 : memref<8x128xf32, #tpu.memory_space<hbm>>) target_semaphore(%arg16 : memref<!tpu.dma_semaphore, #tpu.memory_space<semaphore_mem>>)
    %mul3A_406 = arith.constant 10 : i32
    %mul3A_407 = arith.muli %select_n3A_41, %mul3A_406 : i32
    %add3A_408 = arith.constant 7 : i32
    %add3A_409 = arith.addi %mul3A_407, %add3A_408 : i32
    %mul3A_410 = arith.constant 2 : i32
    %mul3A_411 = arith.muli %add3A_409, %mul3A_410 : i32
    %mul3A_412 = arith.constant 8 : i32
    %mul3A_413 = arith.muli %mul3A_411, %mul3A_412 : i32
    %add3A_414 = arith.addi %mul3A_413, %select_n3A : i32
    %mul3A_415 = arith.constant 8 : i32
    %mul3A_416 = arith.muli %arg0, %mul3A_415 : i32
    %add3A_417 = arith.addi %add3A_414, %mul3A_416 : i32
    %dma_start3A_418 = arith.constant 7 : i32
    %dma_start3A_419 = arith.constant 0 : i32
    %dma_start3A_420 = arith.constant 0 : i32
    %dma_start3A_421 = tpu.memref_slice %arg13[%dma_start3A_418, %dma_start3A_419, %dma_start3A_420] : memref<10x8x128xf32, #tpu.memory_space<vmem>> -> memref<1x8x128xf32, #tpu.memory_space<vmem>>
    %dma_start3A_422 = tpu.memref_squeeze %dma_start3A_421 : memref<1x8x128xf32, #tpu.memory_space<vmem>> -> memref<8x128xf32, #tpu.memory_space<vmem>>
    %dma_start3A_423 = arith.constant 0 : i32
    %dma_start3A_424 = arith.constant 0 : i32
    %dma_start3A_425 = tpu.memref_slice %arg6[%add3A_417, %dma_start3A_423, %dma_start3A_424] : memref<320x8x128xf32, #tpu.memory_space<hbm>> -> memref<1x8x128xf32, #tpu.memory_space<hbm>>
    %dma_start3A_426 = tpu.memref_squeeze %dma_start3A_425 : memref<1x8x128xf32, #tpu.memory_space<hbm>> -> memref<8x128xf32, #tpu.memory_space<hbm>>
    %dma_start3A_427 = arith.constant 0 : i32
    %dma_start3A_428 = arith.constant 0 : i32
    %dma_start3A_429 = tpu.memref_slice %arg6[%add3A_417, %dma_start3A_427, %dma_start3A_428] : memref<320x8x128xf32, #tpu.memory_space<hbm>> -> memref<1x8x128xf32, #tpu.memory_space<hbm>>
    %dma_start3A_430 = tpu.memref_squeeze %dma_start3A_429 : memref<1x8x128xf32, #tpu.memory_space<hbm>> -> memref<8x128xf32, #tpu.memory_space<hbm>>
    %dma_start3A_431 = arith.constant 0 : i32
    %dma_start3A_432 = arith.constant 0 : i32
    %dma_start3A_433 = tpu.memref_slice %arg13[%dma_start3A_418, %dma_start3A_431, %dma_start3A_432] : memref<10x8x128xf32, #tpu.memory_space<vmem>> -> memref<1x8x128xf32, #tpu.memory_space<vmem>>
    %dma_start3A_434 = tpu.memref_squeeze %dma_start3A_433 : memref<1x8x128xf32, #tpu.memory_space<vmem>> -> memref<8x128xf32, #tpu.memory_space<vmem>>
    tpu.enqueue_dma source(%dma_start3A_434 : memref<8x128xf32, #tpu.memory_space<vmem>>) target(%dma_start3A_430 : memref<8x128xf32, #tpu.memory_space<hbm>>) target_semaphore(%arg16 : memref<!tpu.dma_semaphore, #tpu.memory_space<semaphore_mem>>)
    %mul3A_435 = arith.constant 8 : i32
    %mul3A_436 = arith.muli %arg0, %mul3A_435 : i32
    %add3A_437 = arith.addi %add3A_414, %mul3A_436 : i32
    %dma_start3A_438 = arith.constant 7 : i32
    %dma_start3A_439 = arith.constant 0 : i32
    %dma_start3A_440 = arith.constant 0 : i32
    %dma_start3A_441 = tpu.memref_slice %arg14[%dma_start3A_438, %dma_start3A_439, %dma_start3A_440] : memref<10x8x128xf32, #tpu.memory_space<vmem>> -> memref<1x8x128xf32, #tpu.memory_space<vmem>>
    %dma_start3A_442 = tpu.memref_squeeze %dma_start3A_441 : memref<1x8x128xf32, #tpu.memory_space<vmem>> -> memref<8x128xf32, #tpu.memory_space<vmem>>
    %dma_start3A_443 = arith.constant 0 : i32
    %dma_start3A_444 = arith.constant 0 : i32
    %dma_start3A_445 = tpu.memref_slice %arg7[%add3A_437, %dma_start3A_443, %dma_start3A_444] : memref<320x8x128xf32, #tpu.memory_space<hbm>> -> memref<1x8x128xf32, #tpu.memory_space<hbm>>
    %dma_start3A_446 = tpu.memref_squeeze %dma_start3A_445 : memref<1x8x128xf32, #tpu.memory_space<hbm>> -> memref<8x128xf32, #tpu.memory_space<hbm>>
    %dma_start3A_447 = arith.constant 0 : i32
    %dma_start3A_448 = arith.constant 0 : i32
    %dma_start3A_449 = tpu.memref_slice %arg7[%add3A_437, %dma_start3A_447, %dma_start3A_448] : memref<320x8x128xf32, #tpu.memory_space<hbm>> -> memref<1x8x128xf32, #tpu.memory_space<hbm>>
    %dma_start3A_450 = tpu.memref_squeeze %dma_start3A_449 : memref<1x8x128xf32, #tpu.memory_space<hbm>> -> memref<8x128xf32, #tpu.memory_space<hbm>>
    %dma_start3A_451 = arith.constant 0 : i32
    %dma_start3A_452 = arith.constant 0 : i32
    %dma_start3A_453 = tpu.memref_slice %arg14[%dma_start3A_438, %dma_start3A_451, %dma_start3A_452] : memref<10x8x128xf32, #tpu.memory_space<vmem>> -> memref<1x8x128xf32, #tpu.memory_space<vmem>>
    %dma_start3A_454 = tpu.memref_squeeze %dma_start3A_453 : memref<1x8x128xf32, #tpu.memory_space<vmem>> -> memref<8x128xf32, #tpu.memory_space<vmem>>
    tpu.enqueue_dma source(%dma_start3A_454 : memref<8x128xf32, #tpu.memory_space<vmem>>) target(%dma_start3A_450 : memref<8x128xf32, #tpu.memory_space<hbm>>) target_semaphore(%arg16 : memref<!tpu.dma_semaphore, #tpu.memory_space<semaphore_mem>>)
    %mul3A_455 = arith.constant 10 : i32
    %mul3A_456 = arith.muli %select_n3A_41, %mul3A_455 : i32
    %add3A_457 = arith.constant 8 : i32
    %add3A_458 = arith.addi %mul3A_456, %add3A_457 : i32
    %mul3A_459 = arith.constant 2 : i32
    %mul3A_460 = arith.muli %add3A_458, %mul3A_459 : i32
    %mul3A_461 = arith.constant 8 : i32
    %mul3A_462 = arith.muli %mul3A_460, %mul3A_461 : i32
    %add3A_463 = arith.addi %mul3A_462, %select_n3A : i32
    %mul3A_464 = arith.constant 8 : i32
    %mul3A_465 = arith.muli %arg0, %mul3A_464 : i32
    %add3A_466 = arith.addi %add3A_463, %mul3A_465 : i32
    %dma_start3A_467 = arith.constant 8 : i32
    %dma_start3A_468 = arith.constant 0 : i32
    %dma_start3A_469 = arith.constant 0 : i32
    %dma_start3A_470 = tpu.memref_slice %arg13[%dma_start3A_467, %dma_start3A_468, %dma_start3A_469] : memref<10x8x128xf32, #tpu.memory_space<vmem>> -> memref<1x8x128xf32, #tpu.memory_space<vmem>>
    %dma_start3A_471 = tpu.memref_squeeze %dma_start3A_470 : memref<1x8x128xf32, #tpu.memory_space<vmem>> -> memref<8x128xf32, #tpu.memory_space<vmem>>
    %dma_start3A_472 = arith.constant 0 : i32
    %dma_start3A_473 = arith.constant 0 : i32
    %dma_start3A_474 = tpu.memref_slice %arg6[%add3A_466, %dma_start3A_472, %dma_start3A_473] : memref<320x8x128xf32, #tpu.memory_space<hbm>> -> memref<1x8x128xf32, #tpu.memory_space<hbm>>
    %dma_start3A_475 = tpu.memref_squeeze %dma_start3A_474 : memref<1x8x128xf32, #tpu.memory_space<hbm>> -> memref<8x128xf32, #tpu.memory_space<hbm>>
    %dma_start3A_476 = arith.constant 0 : i32
    %dma_start3A_477 = arith.constant 0 : i32
    %dma_start3A_478 = tpu.memref_slice %arg6[%add3A_466, %dma_start3A_476, %dma_start3A_477] : memref<320x8x128xf32, #tpu.memory_space<hbm>> -> memref<1x8x128xf32, #tpu.memory_space<hbm>>
    %dma_start3A_479 = tpu.memref_squeeze %dma_start3A_478 : memref<1x8x128xf32, #tpu.memory_space<hbm>> -> memref<8x128xf32, #tpu.memory_space<hbm>>
    %dma_start3A_480 = arith.constant 0 : i32
    %dma_start3A_481 = arith.constant 0 : i32
    %dma_start3A_482 = tpu.memref_slice %arg13[%dma_start3A_467, %dma_start3A_480, %dma_start3A_481] : memref<10x8x128xf32, #tpu.memory_space<vmem>> -> memref<1x8x128xf32, #tpu.memory_space<vmem>>
    %dma_start3A_483 = tpu.memref_squeeze %dma_start3A_482 : memref<1x8x128xf32, #tpu.memory_space<vmem>> -> memref<8x128xf32, #tpu.memory_space<vmem>>
    tpu.enqueue_dma source(%dma_start3A_483 : memref<8x128xf32, #tpu.memory_space<vmem>>) target(%dma_start3A_479 : memref<8x128xf32, #tpu.memory_space<hbm>>) target_semaphore(%arg16 : memref<!tpu.dma_semaphore, #tpu.memory_space<semaphore_mem>>)
    %mul3A_484 = arith.constant 8 : i32
    %mul3A_485 = arith.muli %arg0, %mul3A_484 : i32
    %add3A_486 = arith.addi %add3A_463, %mul3A_485 : i32
    %dma_start3A_487 = arith.constant 8 : i32
    %dma_start3A_488 = arith.constant 0 : i32
    %dma_start3A_489 = arith.constant 0 : i32
    %dma_start3A_490 = tpu.memref_slice %arg14[%dma_start3A_487, %dma_start3A_488, %dma_start3A_489] : memref<10x8x128xf32, #tpu.memory_space<vmem>> -> memref<1x8x128xf32, #tpu.memory_space<vmem>>
    %dma_start3A_491 = tpu.memref_squeeze %dma_start3A_490 : memref<1x8x128xf32, #tpu.memory_space<vmem>> -> memref<8x128xf32, #tpu.memory_space<vmem>>
    %dma_start3A_492 = arith.constant 0 : i32
    %dma_start3A_493 = arith.constant 0 : i32
    %dma_start3A_494 = tpu.memref_slice %arg7[%add3A_486, %dma_start3A_492, %dma_start3A_493] : memref<320x8x128xf32, #tpu.memory_space<hbm>> -> memref<1x8x128xf32, #tpu.memory_space<hbm>>
    %dma_start3A_495 = tpu.memref_squeeze %dma_start3A_494 : memref<1x8x128xf32, #tpu.memory_space<hbm>> -> memref<8x128xf32, #tpu.memory_space<hbm>>
    %dma_start3A_496 = arith.constant 0 : i32
    %dma_start3A_497 = arith.constant 0 : i32
    %dma_start3A_498 = tpu.memref_slice %arg7[%add3A_486, %dma_start3A_496, %dma_start3A_497] : memref<320x8x128xf32, #tpu.memory_space<hbm>> -> memref<1x8x128xf32, #tpu.memory_space<hbm>>
    %dma_start3A_499 = tpu.memref_squeeze %dma_start3A_498 : memref<1x8x128xf32, #tpu.memory_space<hbm>> -> memref<8x128xf32, #tpu.memory_space<hbm>>
    %dma_start3A_500 = arith.constant 0 : i32
    %dma_start3A_501 = arith.constant 0 : i32
    %dma_start3A_502 = tpu.memref_slice %arg14[%dma_start3A_487, %dma_start3A_500, %dma_start3A_501] : memref<10x8x128xf32, #tpu.memory_space<vmem>> -> memref<1x8x128xf32, #tpu.memory_space<vmem>>
    %dma_start3A_503 = tpu.memref_squeeze %dma_start3A_502 : memref<1x8x128xf32, #tpu.memory_space<vmem>> -> memref<8x128xf32, #tpu.memory_space<vmem>>
    tpu.enqueue_dma source(%dma_start3A_503 : memref<8x128xf32, #tpu.memory_space<vmem>>) target(%dma_start3A_499 : memref<8x128xf32, #tpu.memory_space<hbm>>) target_semaphore(%arg16 : memref<!tpu.dma_semaphore, #tpu.memory_space<semaphore_mem>>)
    %mul3A_504 = arith.constant 10 : i32
    %mul3A_505 = arith.muli %select_n3A_41, %mul3A_504 : i32
    %add3A_506 = arith.constant 9 : i32
    %add3A_507 = arith.addi %mul3A_505, %add3A_506 : i32
    %mul3A_508 = arith.constant 2 : i32
    %mul3A_509 = arith.muli %add3A_507, %mul3A_508 : i32
    %mul3A_510 = arith.constant 8 : i32
    %mul3A_511 = arith.muli %mul3A_509, %mul3A_510 : i32
    %add3A_512 = arith.addi %mul3A_511, %select_n3A : i32
    %mul3A_513 = arith.constant 8 : i32
    %mul3A_514 = arith.muli %arg0, %mul3A_513 : i32
    %add3A_515 = arith.addi %add3A_512, %mul3A_514 : i32
    %dma_start3A_516 = arith.constant 9 : i32
    %dma_start3A_517 = arith.constant 0 : i32
    %dma_start3A_518 = arith.constant 0 : i32
    %dma_start3A_519 = tpu.memref_slice %arg13[%dma_start3A_516, %dma_start3A_517, %dma_start3A_518] : memref<10x8x128xf32, #tpu.memory_space<vmem>> -> memref<1x8x128xf32, #tpu.memory_space<vmem>>
    %dma_start3A_520 = tpu.memref_squeeze %dma_start3A_519 : memref<1x8x128xf32, #tpu.memory_space<vmem>> -> memref<8x128xf32, #tpu.memory_space<vmem>>
    %dma_start3A_521 = arith.constant 0 : i32
    %dma_start3A_522 = arith.constant 0 : i32
    %dma_start3A_523 = tpu.memref_slice %arg6[%add3A_515, %dma_start3A_521, %dma_start3A_522] : memref<320x8x128xf32, #tpu.memory_space<hbm>> -> memref<1x8x128xf32, #tpu.memory_space<hbm>>
    %dma_start3A_524 = tpu.memref_squeeze %dma_start3A_523 : memref<1x8x128xf32, #tpu.memory_space<hbm>> -> memref<8x128xf32, #tpu.memory_space<hbm>>
    %dma_start3A_525 = arith.constant 0 : i32
    %dma_start3A_526 = arith.constant 0 : i32
    %dma_start3A_527 = tpu.memref_slice %arg6[%add3A_515, %dma_start3A_525, %dma_start3A_526] : memref<320x8x128xf32, #tpu.memory_space<hbm>> -> memref<1x8x128xf32, #tpu.memory_space<hbm>>
    %dma_start3A_528 = tpu.memref_squeeze %dma_start3A_527 : memref<1x8x128xf32, #tpu.memory_space<hbm>> -> memref<8x128xf32, #tpu.memory_space<hbm>>
    %dma_start3A_529 = arith.constant 0 : i32
    %dma_start3A_530 = arith.constant 0 : i32
    %dma_start3A_531 = tpu.memref_slice %arg13[%dma_start3A_516, %dma_start3A_529, %dma_start3A_530] : memref<10x8x128xf32, #tpu.memory_space<vmem>> -> memref<1x8x128xf32, #tpu.memory_space<vmem>>
    %dma_start3A_532 = tpu.memref_squeeze %dma_start3A_531 : memref<1x8x128xf32, #tpu.memory_space<vmem>> -> memref<8x128xf32, #tpu.memory_space<vmem>>
    tpu.enqueue_dma source(%dma_start3A_532 : memref<8x128xf32, #tpu.memory_space<vmem>>) target(%dma_start3A_528 : memref<8x128xf32, #tpu.memory_space<hbm>>) target_semaphore(%arg16 : memref<!tpu.dma_semaphore, #tpu.memory_space<semaphore_mem>>)
    %mul3A_533 = arith.constant 8 : i32
    %mul3A_534 = arith.muli %arg0, %mul3A_533 : i32
    %add3A_535 = arith.addi %add3A_512, %mul3A_534 : i32
    %dma_start3A_536 = arith.constant 9 : i32
    %dma_start3A_537 = arith.constant 0 : i32
    %dma_start3A_538 = arith.constant 0 : i32
    %dma_start3A_539 = tpu.memref_slice %arg14[%dma_start3A_536, %dma_start3A_537, %dma_start3A_538] : memref<10x8x128xf32, #tpu.memory_space<vmem>> -> memref<1x8x128xf32, #tpu.memory_space<vmem>>
    %dma_start3A_540 = tpu.memref_squeeze %dma_start3A_539 : memref<1x8x128xf32, #tpu.memory_space<vmem>> -> memref<8x128xf32, #tpu.memory_space<vmem>>
    %dma_start3A_541 = arith.constant 0 : i32
    %dma_start3A_542 = arith.constant 0 : i32
    %dma_start3A_543 = tpu.memref_slice %arg7[%add3A_535, %dma_start3A_541, %dma_start3A_542] : memref<320x8x128xf32, #tpu.memory_space<hbm>> -> memref<1x8x128xf32, #tpu.memory_space<hbm>>
    %dma_start3A_544 = tpu.memref_squeeze %dma_start3A_543 : memref<1x8x128xf32, #tpu.memory_space<hbm>> -> memref<8x128xf32, #tpu.memory_space<hbm>>
    %dma_start3A_545 = arith.constant 0 : i32
    %dma_start3A_546 = arith.constant 0 : i32
    %dma_start3A_547 = tpu.memref_slice %arg7[%add3A_535, %dma_start3A_545, %dma_start3A_546] : memref<320x8x128xf32, #tpu.memory_space<hbm>> -> memref<1x8x128xf32, #tpu.memory_space<hbm>>
    %dma_start3A_548 = tpu.memref_squeeze %dma_start3A_547 : memref<1x8x128xf32, #tpu.memory_space<hbm>> -> memref<8x128xf32, #tpu.memory_space<hbm>>
    %dma_start3A_549 = arith.constant 0 : i32
    %dma_start3A_550 = arith.constant 0 : i32
    %dma_start3A_551 = tpu.memref_slice %arg14[%dma_start3A_536, %dma_start3A_549, %dma_start3A_550] : memref<10x8x128xf32, #tpu.memory_space<vmem>> -> memref<1x8x128xf32, #tpu.memory_space<vmem>>
    %dma_start3A_552 = tpu.memref_squeeze %dma_start3A_551 : memref<1x8x128xf32, #tpu.memory_space<vmem>> -> memref<8x128xf32, #tpu.memory_space<vmem>>
    tpu.enqueue_dma source(%dma_start3A_552 : memref<8x128xf32, #tpu.memory_space<vmem>>) target(%dma_start3A_548 : memref<8x128xf32, #tpu.memory_space<hbm>>) target_semaphore(%arg16 : memref<!tpu.dma_semaphore, #tpu.memory_space<semaphore_mem>>)
    %dma_wait3A_553 = arith.constant 0 : i32
    %dma_wait3A_554 = arith.constant 0 : i32
    %dma_wait3A_555 = arith.constant 0 : i32
    %dma_wait3A_556 = tpu.memref_slice %arg13[%dma_wait3A_553, %dma_wait3A_554, %dma_wait3A_555] : memref<10x8x128xf32, #tpu.memory_space<vmem>> -> memref<1x8x128xf32, #tpu.memory_space<vmem>>
    %dma_wait3A_557 = tpu.memref_squeeze %dma_wait3A_556 : memref<1x8x128xf32, #tpu.memory_space<vmem>> -> memref<8x128xf32, #tpu.memory_space<vmem>>
    %dma_wait3A_558 = arith.constant 0 : i32
    %dma_wait3A_559 = arith.constant 0 : i32
    %dma_wait3A_560 = tpu.memref_slice %arg6[%add3A_74, %dma_wait3A_558, %dma_wait3A_559] : memref<320x8x128xf32, #tpu.memory_space<hbm>> -> memref<1x8x128xf32, #tpu.memory_space<hbm>>
    %dma_wait3A_561 = tpu.memref_squeeze %dma_wait3A_560 : memref<1x8x128xf32, #tpu.memory_space<hbm>> -> memref<8x128xf32, #tpu.memory_space<hbm>>
    %dma_wait3A_562 = arith.constant 0 : i32
    %dma_wait3A_563 = arith.constant 0 : i32
    %dma_wait3A_564 = tpu.memref_slice %arg6[%add3A_74, %dma_wait3A_562, %dma_wait3A_563] : memref<320x8x128xf32, #tpu.memory_space<hbm>> -> memref<1x8x128xf32, #tpu.memory_space<hbm>>
    %dma_wait3A_565 = tpu.memref_squeeze %dma_wait3A_564 : memref<1x8x128xf32, #tpu.memory_space<hbm>> -> memref<8x128xf32, #tpu.memory_space<hbm>>
    %dma_wait3A_566 = arith.constant 0 : i32
    %dma_wait3A_567 = arith.constant 0 : i32
    %dma_wait3A_568 = tpu.memref_slice %arg13[%dma_wait3A_553, %dma_wait3A_566, %dma_wait3A_567] : memref<10x8x128xf32, #tpu.memory_space<vmem>> -> memref<1x8x128xf32, #tpu.memory_space<vmem>>
    %dma_wait3A_569 = tpu.memref_squeeze %dma_wait3A_568 : memref<1x8x128xf32, #tpu.memory_space<vmem>> -> memref<8x128xf32, #tpu.memory_space<vmem>>
    tpu.wait_dma2 semaphore(%arg16 : memref<!tpu.dma_semaphore, #tpu.memory_space<semaphore_mem>>) src(%dma_wait3A_569 : memref<8x128xf32, #tpu.memory_space<vmem>>) dst(%dma_wait3A_565 : memref<8x128xf32, #tpu.memory_space<hbm>>)
    %dma_wait3A_570 = arith.constant 0 : i32
    %dma_wait3A_571 = arith.constant 0 : i32
    %dma_wait3A_572 = arith.constant 0 : i32
    %dma_wait3A_573 = tpu.memref_slice %arg14[%dma_wait3A_570, %dma_wait3A_571, %dma_wait3A_572] : memref<10x8x128xf32, #tpu.memory_space<vmem>> -> memref<1x8x128xf32, #tpu.memory_space<vmem>>
    %dma_wait3A_574 = tpu.memref_squeeze %dma_wait3A_573 : memref<1x8x128xf32, #tpu.memory_space<vmem>> -> memref<8x128xf32, #tpu.memory_space<vmem>>
    %dma_wait3A_575 = arith.constant 0 : i32
    %dma_wait3A_576 = arith.constant 0 : i32
    %dma_wait3A_577 = tpu.memref_slice %arg7[%add3A_94, %dma_wait3A_575, %dma_wait3A_576] : memref<320x8x128xf32, #tpu.memory_space<hbm>> -> memref<1x8x128xf32, #tpu.memory_space<hbm>>
    %dma_wait3A_578 = tpu.memref_squeeze %dma_wait3A_577 : memref<1x8x128xf32, #tpu.memory_space<hbm>> -> memref<8x128xf32, #tpu.memory_space<hbm>>
    %dma_wait3A_579 = arith.constant 0 : i32
    %dma_wait3A_580 = arith.constant 0 : i32
    %dma_wait3A_581 = tpu.memref_slice %arg7[%add3A_94, %dma_wait3A_579, %dma_wait3A_580] : memref<320x8x128xf32, #tpu.memory_space<hbm>> -> memref<1x8x128xf32, #tpu.memory_space<hbm>>
    %dma_wait3A_582 = tpu.memref_squeeze %dma_wait3A_581 : memref<1x8x128xf32, #tpu.memory_space<hbm>> -> memref<8x128xf32, #tpu.memory_space<hbm>>
    %dma_wait3A_583 = arith.constant 0 : i32
    %dma_wait3A_584 = arith.constant 0 : i32
    %dma_wait3A_585 = tpu.memref_slice %arg14[%dma_wait3A_570, %dma_wait3A_583, %dma_wait3A_584] : memref<10x8x128xf32, #tpu.memory_space<vmem>> -> memref<1x8x128xf32, #tpu.memory_space<vmem>>
    %dma_wait3A_586 = tpu.memref_squeeze %dma_wait3A_585 : memref<1x8x128xf32, #tpu.memory_space<vmem>> -> memref<8x128xf32, #tpu.memory_space<vmem>>
    tpu.wait_dma2 semaphore(%arg16 : memref<!tpu.dma_semaphore, #tpu.memory_space<semaphore_mem>>) src(%dma_wait3A_586 : memref<8x128xf32, #tpu.memory_space<vmem>>) dst(%dma_wait3A_582 : memref<8x128xf32, #tpu.memory_space<hbm>>)
    %dma_wait3A_587 = arith.constant 1 : i32
    %dma_wait3A_588 = arith.constant 0 : i32
    %dma_wait3A_589 = arith.constant 0 : i32
    %dma_wait3A_590 = tpu.memref_slice %arg13[%dma_wait3A_587, %dma_wait3A_588, %dma_wait3A_589] : memref<10x8x128xf32, #tpu.memory_space<vmem>> -> memref<1x8x128xf32, #tpu.memory_space<vmem>>
    %dma_wait3A_591 = tpu.memref_squeeze %dma_wait3A_590 : memref<1x8x128xf32, #tpu.memory_space<vmem>> -> memref<8x128xf32, #tpu.memory_space<vmem>>
    %dma_wait3A_592 = arith.constant 0 : i32
    %dma_wait3A_593 = arith.constant 0 : i32
    %dma_wait3A_594 = tpu.memref_slice %arg6[%add3A_123, %dma_wait3A_592, %dma_wait3A_593] : memref<320x8x128xf32, #tpu.memory_space<hbm>> -> memref<1x8x128xf32, #tpu.memory_space<hbm>>
    %dma_wait3A_595 = tpu.memref_squeeze %dma_wait3A_594 : memref<1x8x128xf32, #tpu.memory_space<hbm>> -> memref<8x128xf32, #tpu.memory_space<hbm>>
    %dma_wait3A_596 = arith.constant 0 : i32
    %dma_wait3A_597 = arith.constant 0 : i32
    %dma_wait3A_598 = tpu.memref_slice %arg6[%add3A_123, %dma_wait3A_596, %dma_wait3A_597] : memref<320x8x128xf32, #tpu.memory_space<hbm>> -> memref<1x8x128xf32, #tpu.memory_space<hbm>>
    %dma_wait3A_599 = tpu.memref_squeeze %dma_wait3A_598 : memref<1x8x128xf32, #tpu.memory_space<hbm>> -> memref<8x128xf32, #tpu.memory_space<hbm>>
    %dma_wait3A_600 = arith.constant 0 : i32
    %dma_wait3A_601 = arith.constant 0 : i32
    %dma_wait3A_602 = tpu.memref_slice %arg13[%dma_wait3A_587, %dma_wait3A_600, %dma_wait3A_601] : memref<10x8x128xf32, #tpu.memory_space<vmem>> -> memref<1x8x128xf32, #tpu.memory_space<vmem>>
    %dma_wait3A_603 = tpu.memref_squeeze %dma_wait3A_602 : memref<1x8x128xf32, #tpu.memory_space<vmem>> -> memref<8x128xf32, #tpu.memory_space<vmem>>
    tpu.wait_dma2 semaphore(%arg16 : memref<!tpu.dma_semaphore, #tpu.memory_space<semaphore_mem>>) src(%dma_wait3A_603 : memref<8x128xf32, #tpu.memory_space<vmem>>) dst(%dma_wait3A_599 : memref<8x128xf32, #tpu.memory_space<hbm>>)
    %dma_wait3A_604 = arith.constant 1 : i32
    %dma_wait3A_605 = arith.constant 0 : i32
    %dma_wait3A_606 = arith.constant 0 : i32
    %dma_wait3A_607 = tpu.memref_slice %arg14[%dma_wait3A_604, %dma_wait3A_605, %dma_wait3A_606] : memref<10x8x128xf32, #tpu.memory_space<vmem>> -> memref<1x8x128xf32, #tpu.memory_space<vmem>>
    %dma_wait3A_608 = tpu.memref_squeeze %dma_wait3A_607 : memref<1x8x128xf32, #tpu.memory_space<vmem>> -> memref<8x128xf32, #tpu.memory_space<vmem>>
    %dma_wait3A_609 = arith.constant 0 : i32
    %dma_wait3A_610 = arith.constant 0 : i32
    %dma_wait3A_611 = tpu.memref_slice %arg7[%add3A_143, %dma_wait3A_609, %dma_wait3A_610] : memref<320x8x128xf32, #tpu.memory_space<hbm>> -> memref<1x8x128xf32, #tpu.memory_space<hbm>>
    %dma_wait3A_612 = tpu.memref_squeeze %dma_wait3A_611 : memref<1x8x128xf32, #tpu.memory_space<hbm>> -> memref<8x128xf32, #tpu.memory_space<hbm>>
    %dma_wait3A_613 = arith.constant 0 : i32
    %dma_wait3A_614 = arith.constant 0 : i32
    %dma_wait3A_615 = tpu.memref_slice %arg7[%add3A_143, %dma_wait3A_613, %dma_wait3A_614] : memref<320x8x128xf32, #tpu.memory_space<hbm>> -> memref<1x8x128xf32, #tpu.memory_space<hbm>>
    %dma_wait3A_616 = tpu.memref_squeeze %dma_wait3A_615 : memref<1x8x128xf32, #tpu.memory_space<hbm>> -> memref<8x128xf32, #tpu.memory_space<hbm>>
    %dma_wait3A_617 = arith.constant 0 : i32
    %dma_wait3A_618 = arith.constant 0 : i32
    %dma_wait3A_619 = tpu.memref_slice %arg14[%dma_wait3A_604, %dma_wait3A_617, %dma_wait3A_618] : memref<10x8x128xf32, #tpu.memory_space<vmem>> -> memref<1x8x128xf32, #tpu.memory_space<vmem>>
    %dma_wait3A_620 = tpu.memref_squeeze %dma_wait3A_619 : memref<1x8x128xf32, #tpu.memory_space<vmem>> -> memref<8x128xf32, #tpu.memory_space<vmem>>
    tpu.wait_dma2 semaphore(%arg16 : memref<!tpu.dma_semaphore, #tpu.memory_space<semaphore_mem>>) src(%dma_wait3A_620 : memref<8x128xf32, #tpu.memory_space<vmem>>) dst(%dma_wait3A_616 : memref<8x128xf32, #tpu.memory_space<hbm>>)
    %dma_wait3A_621 = arith.constant 2 : i32
    %dma_wait3A_622 = arith.constant 0 : i32
    %dma_wait3A_623 = arith.constant 0 : i32
    %dma_wait3A_624 = tpu.memref_slice %arg13[%dma_wait3A_621, %dma_wait3A_622, %dma_wait3A_623] : memref<10x8x128xf32, #tpu.memory_space<vmem>> -> memref<1x8x128xf32, #tpu.memory_space<vmem>>
    %dma_wait3A_625 = tpu.memref_squeeze %dma_wait3A_624 : memref<1x8x128xf32, #tpu.memory_space<vmem>> -> memref<8x128xf32, #tpu.memory_space<vmem>>
    %dma_wait3A_626 = arith.constant 0 : i32
    %dma_wait3A_627 = arith.constant 0 : i32
    %dma_wait3A_628 = tpu.memref_slice %arg6[%add3A_172, %dma_wait3A_626, %dma_wait3A_627] : memref<320x8x128xf32, #tpu.memory_space<hbm>> -> memref<1x8x128xf32, #tpu.memory_space<hbm>>
    %dma_wait3A_629 = tpu.memref_squeeze %dma_wait3A_628 : memref<1x8x128xf32, #tpu.memory_space<hbm>> -> memref<8x128xf32, #tpu.memory_space<hbm>>
    %dma_wait3A_630 = arith.constant 0 : i32
    %dma_wait3A_631 = arith.constant 0 : i32
    %dma_wait3A_632 = tpu.memref_slice %arg6[%add3A_172, %dma_wait3A_630, %dma_wait3A_631] : memref<320x8x128xf32, #tpu.memory_space<hbm>> -> memref<1x8x128xf32, #tpu.memory_space<hbm>>
    %dma_wait3A_633 = tpu.memref_squeeze %dma_wait3A_632 : memref<1x8x128xf32, #tpu.memory_space<hbm>> -> memref<8x128xf32, #tpu.memory_space<hbm>>
    %dma_wait3A_634 = arith.constant 0 : i32
    %dma_wait3A_635 = arith.constant 0 : i32
    %dma_wait3A_636 = tpu.memref_slice %arg13[%dma_wait3A_621, %dma_wait3A_634, %dma_wait3A_635] : memref<10x8x128xf32, #tpu.memory_space<vmem>> -> memref<1x8x128xf32, #tpu.memory_space<vmem>>
    %dma_wait3A_637 = tpu.memref_squeeze %dma_wait3A_636 : memref<1x8x128xf32, #tpu.memory_space<vmem>> -> memref<8x128xf32, #tpu.memory_space<vmem>>
    tpu.wait_dma2 semaphore(%arg16 : memref<!tpu.dma_semaphore, #tpu.memory_space<semaphore_mem>>) src(%dma_wait3A_637 : memref<8x128xf32, #tpu.memory_space<vmem>>) dst(%dma_wait3A_633 : memref<8x128xf32, #tpu.memory_space<hbm>>)
    %dma_wait3A_638 = arith.constant 2 : i32
    %dma_wait3A_639 = arith.constant 0 : i32
    %dma_wait3A_640 = arith.constant 0 : i32
    %dma_wait3A_641 = tpu.memref_slice %arg14[%dma_wait3A_638, %dma_wait3A_639, %dma_wait3A_640] : memref<10x8x128xf32, #tpu.memory_space<vmem>> -> memref<1x8x128xf32, #tpu.memory_space<vmem>>
    %dma_wait3A_642 = tpu.memref_squeeze %dma_wait3A_641 : memref<1x8x128xf32, #tpu.memory_space<vmem>> -> memref<8x128xf32, #tpu.memory_space<vmem>>
    %dma_wait3A_643 = arith.constant 0 : i32
    %dma_wait3A_644 = arith.constant 0 : i32
    %dma_wait3A_645 = tpu.memref_slice %arg7[%add3A_192, %dma_wait3A_643, %dma_wait3A_644] : memref<320x8x128xf32, #tpu.memory_space<hbm>> -> memref<1x8x128xf32, #tpu.memory_space<hbm>>
    %dma_wait3A_646 = tpu.memref_squeeze %dma_wait3A_645 : memref<1x8x128xf32, #tpu.memory_space<hbm>> -> memref<8x128xf32, #tpu.memory_space<hbm>>
    %dma_wait3A_647 = arith.constant 0 : i32
    %dma_wait3A_648 = arith.constant 0 : i32
    %dma_wait3A_649 = tpu.memref_slice %arg7[%add3A_192, %dma_wait3A_647, %dma_wait3A_648] : memref<320x8x128xf32, #tpu.memory_space<hbm>> -> memref<1x8x128xf32, #tpu.memory_space<hbm>>
    %dma_wait3A_650 = tpu.memref_squeeze %dma_wait3A_649 : memref<1x8x128xf32, #tpu.memory_space<hbm>> -> memref<8x128xf32, #tpu.memory_space<hbm>>
    %dma_wait3A_651 = arith.constant 0 : i32
    %dma_wait3A_652 = arith.constant 0 : i32
    %dma_wait3A_653 = tpu.memref_slice %arg14[%dma_wait3A_638, %dma_wait3A_651, %dma_wait3A_652] : memref<10x8x128xf32, #tpu.memory_space<vmem>> -> memref<1x8x128xf32, #tpu.memory_space<vmem>>
    %dma_wait3A_654 = tpu.memref_squeeze %dma_wait3A_653 : memref<1x8x128xf32, #tpu.memory_space<vmem>> -> memref<8x128xf32, #tpu.memory_space<vmem>>
    tpu.wait_dma2 semaphore(%arg16 : memref<!tpu.dma_semaphore, #tpu.memory_space<semaphore_mem>>) src(%dma_wait3A_654 : memref<8x128xf32, #tpu.memory_space<vmem>>) dst(%dma_wait3A_650 : memref<8x128xf32, #tpu.memory_space<hbm>>)
    %dma_wait3A_655 = arith.constant 3 : i32
    %dma_wait3A_656 = arith.constant 0 : i32
    %dma_wait3A_657 = arith.constant 0 : i32
    %dma_wait3A_658 = tpu.memref_slice %arg13[%dma_wait3A_655, %dma_wait3A_656, %dma_wait3A_657] : memref<10x8x128xf32, #tpu.memory_space<vmem>> -> memref<1x8x128xf32, #tpu.memory_space<vmem>>
    %dma_wait3A_659 = tpu.memref_squeeze %dma_wait3A_658 : memref<1x8x128xf32, #tpu.memory_space<vmem>> -> memref<8x128xf32, #tpu.memory_space<vmem>>
    %dma_wait3A_660 = arith.constant 0 : i32
    %dma_wait3A_661 = arith.constant 0 : i32
    %dma_wait3A_662 = tpu.memref_slice %arg6[%add3A_221, %dma_wait3A_660, %dma_wait3A_661] : memref<320x8x128xf32, #tpu.memory_space<hbm>> -> memref<1x8x128xf32, #tpu.memory_space<hbm>>
    %dma_wait3A_663 = tpu.memref_squeeze %dma_wait3A_662 : memref<1x8x128xf32, #tpu.memory_space<hbm>> -> memref<8x128xf32, #tpu.memory_space<hbm>>
    %dma_wait3A_664 = arith.constant 0 : i32
    %dma_wait3A_665 = arith.constant 0 : i32
    %dma_wait3A_666 = tpu.memref_slice %arg6[%add3A_221, %dma_wait3A_664, %dma_wait3A_665] : memref<320x8x128xf32, #tpu.memory_space<hbm>> -> memref<1x8x128xf32, #tpu.memory_space<hbm>>
    %dma_wait3A_667 = tpu.memref_squeeze %dma_wait3A_666 : memref<1x8x128xf32, #tpu.memory_space<hbm>> -> memref<8x128xf32, #tpu.memory_space<hbm>>
    %dma_wait3A_668 = arith.constant 0 : i32
    %dma_wait3A_669 = arith.constant 0 : i32
    %dma_wait3A_670 = tpu.memref_slice %arg13[%dma_wait3A_655, %dma_wait3A_668, %dma_wait3A_669] : memref<10x8x128xf32, #tpu.memory_space<vmem>> -> memref<1x8x128xf32, #tpu.memory_space<vmem>>
    %dma_wait3A_671 = tpu.memref_squeeze %dma_wait3A_670 : memref<1x8x128xf32, #tpu.memory_space<vmem>> -> memref<8x128xf32, #tpu.memory_space<vmem>>
    tpu.wait_dma2 semaphore(%arg16 : memref<!tpu.dma_semaphore, #tpu.memory_space<semaphore_mem>>) src(%dma_wait3A_671 : memref<8x128xf32, #tpu.memory_space<vmem>>) dst(%dma_wait3A_667 : memref<8x128xf32, #tpu.memory_space<hbm>>)
    %dma_wait3A_672 = arith.constant 3 : i32
    %dma_wait3A_673 = arith.constant 0 : i32
    %dma_wait3A_674 = arith.constant 0 : i32
    %dma_wait3A_675 = tpu.memref_slice %arg14[%dma_wait3A_672, %dma_wait3A_673, %dma_wait3A_674] : memref<10x8x128xf32, #tpu.memory_space<vmem>> -> memref<1x8x128xf32, #tpu.memory_space<vmem>>
    %dma_wait3A_676 = tpu.memref_squeeze %dma_wait3A_675 : memref<1x8x128xf32, #tpu.memory_space<vmem>> -> memref<8x128xf32, #tpu.memory_space<vmem>>
    %dma_wait3A_677 = arith.constant 0 : i32
    %dma_wait3A_678 = arith.constant 0 : i32
    %dma_wait3A_679 = tpu.memref_slice %arg7[%add3A_241, %dma_wait3A_677, %dma_wait3A_678] : memref<320x8x128xf32, #tpu.memory_space<hbm>> -> memref<1x8x128xf32, #tpu.memory_space<hbm>>
    %dma_wait3A_680 = tpu.memref_squeeze %dma_wait3A_679 : memref<1x8x128xf32, #tpu.memory_space<hbm>> -> memref<8x128xf32, #tpu.memory_space<hbm>>
    %dma_wait3A_681 = arith.constant 0 : i32
    %dma_wait3A_682 = arith.constant 0 : i32
    %dma_wait3A_683 = tpu.memref_slice %arg7[%add3A_241, %dma_wait3A_681, %dma_wait3A_682] : memref<320x8x128xf32, #tpu.memory_space<hbm>> -> memref<1x8x128xf32, #tpu.memory_space<hbm>>
    %dma_wait3A_684 = tpu.memref_squeeze %dma_wait3A_683 : memref<1x8x128xf32, #tpu.memory_space<hbm>> -> memref<8x128xf32, #tpu.memory_space<hbm>>
    %dma_wait3A_685 = arith.constant 0 : i32
    %dma_wait3A_686 = arith.constant 0 : i32
    %dma_wait3A_687 = tpu.memref_slice %arg14[%dma_wait3A_672, %dma_wait3A_685, %dma_wait3A_686] : memref<10x8x128xf32, #tpu.memory_space<vmem>> -> memref<1x8x128xf32, #tpu.memory_space<vmem>>
    %dma_wait3A_688 = tpu.memref_squeeze %dma_wait3A_687 : memref<1x8x128xf32, #tpu.memory_space<vmem>> -> memref<8x128xf32, #tpu.memory_space<vmem>>
    tpu.wait_dma2 semaphore(%arg16 : memref<!tpu.dma_semaphore, #tpu.memory_space<semaphore_mem>>) src(%dma_wait3A_688 : memref<8x128xf32, #tpu.memory_space<vmem>>) dst(%dma_wait3A_684 : memref<8x128xf32, #tpu.memory_space<hbm>>)
    %dma_wait3A_689 = arith.constant 4 : i32
    %dma_wait3A_690 = arith.constant 0 : i32
    %dma_wait3A_691 = arith.constant 0 : i32
    %dma_wait3A_692 = tpu.memref_slice %arg13[%dma_wait3A_689, %dma_wait3A_690, %dma_wait3A_691] : memref<10x8x128xf32, #tpu.memory_space<vmem>> -> memref<1x8x128xf32, #tpu.memory_space<vmem>>
    %dma_wait3A_693 = tpu.memref_squeeze %dma_wait3A_692 : memref<1x8x128xf32, #tpu.memory_space<vmem>> -> memref<8x128xf32, #tpu.memory_space<vmem>>
    %dma_wait3A_694 = arith.constant 0 : i32
    %dma_wait3A_695 = arith.constant 0 : i32
    %dma_wait3A_696 = tpu.memref_slice %arg6[%add3A_270, %dma_wait3A_694, %dma_wait3A_695] : memref<320x8x128xf32, #tpu.memory_space<hbm>> -> memref<1x8x128xf32, #tpu.memory_space<hbm>>
    %dma_wait3A_697 = tpu.memref_squeeze %dma_wait3A_696 : memref<1x8x128xf32, #tpu.memory_space<hbm>> -> memref<8x128xf32, #tpu.memory_space<hbm>>
    %dma_wait3A_698 = arith.constant 0 : i32
    %dma_wait3A_699 = arith.constant 0 : i32
    %dma_wait3A_700 = tpu.memref_slice %arg6[%add3A_270, %dma_wait3A_698, %dma_wait3A_699] : memref<320x8x128xf32, #tpu.memory_space<hbm>> -> memref<1x8x128xf32, #tpu.memory_space<hbm>>
    %dma_wait3A_701 = tpu.memref_squeeze %dma_wait3A_700 : memref<1x8x128xf32, #tpu.memory_space<hbm>> -> memref<8x128xf32, #tpu.memory_space<hbm>>
    %dma_wait3A_702 = arith.constant 0 : i32
    %dma_wait3A_703 = arith.constant 0 : i32
    %dma_wait3A_704 = tpu.memref_slice %arg13[%dma_wait3A_689, %dma_wait3A_702, %dma_wait3A_703] : memref<10x8x128xf32, #tpu.memory_space<vmem>> -> memref<1x8x128xf32, #tpu.memory_space<vmem>>
    %dma_wait3A_705 = tpu.memref_squeeze %dma_wait3A_704 : memref<1x8x128xf32, #tpu.memory_space<vmem>> -> memref<8x128xf32, #tpu.memory_space<vmem>>
    tpu.wait_dma2 semaphore(%arg16 : memref<!tpu.dma_semaphore, #tpu.memory_space<semaphore_mem>>) src(%dma_wait3A_705 : memref<8x128xf32, #tpu.memory_space<vmem>>) dst(%dma_wait3A_701 : memref<8x128xf32, #tpu.memory_space<hbm>>)
    %dma_wait3A_706 = arith.constant 4 : i32
    %dma_wait3A_707 = arith.constant 0 : i32
    %dma_wait3A_708 = arith.constant 0 : i32
    %dma_wait3A_709 = tpu.memref_slice %arg14[%dma_wait3A_706, %dma_wait3A_707, %dma_wait3A_708] : memref<10x8x128xf32, #tpu.memory_space<vmem>> -> memref<1x8x128xf32, #tpu.memory_space<vmem>>
    %dma_wait3A_710 = tpu.memref_squeeze %dma_wait3A_709 : memref<1x8x128xf32, #tpu.memory_space<vmem>> -> memref<8x128xf32, #tpu.memory_space<vmem>>
    %dma_wait3A_711 = arith.constant 0 : i32
    %dma_wait3A_712 = arith.constant 0 : i32
    %dma_wait3A_713 = tpu.memref_slice %arg7[%add3A_290, %dma_wait3A_711, %dma_wait3A_712] : memref<320x8x128xf32, #tpu.memory_space<hbm>> -> memref<1x8x128xf32, #tpu.memory_space<hbm>>
    %dma_wait3A_714 = tpu.memref_squeeze %dma_wait3A_713 : memref<1x8x128xf32, #tpu.memory_space<hbm>> -> memref<8x128xf32, #tpu.memory_space<hbm>>
    %dma_wait3A_715 = arith.constant 0 : i32
    %dma_wait3A_716 = arith.constant 0 : i32
    %dma_wait3A_717 = tpu.memref_slice %arg7[%add3A_290, %dma_wait3A_715, %dma_wait3A_716] : memref<320x8x128xf32, #tpu.memory_space<hbm>> -> memref<1x8x128xf32, #tpu.memory_space<hbm>>
    %dma_wait3A_718 = tpu.memref_squeeze %dma_wait3A_717 : memref<1x8x128xf32, #tpu.memory_space<hbm>> -> memref<8x128xf32, #tpu.memory_space<hbm>>
    %dma_wait3A_719 = arith.constant 0 : i32
    %dma_wait3A_720 = arith.constant 0 : i32
    %dma_wait3A_721 = tpu.memref_slice %arg14[%dma_wait3A_706, %dma_wait3A_719, %dma_wait3A_720] : memref<10x8x128xf32, #tpu.memory_space<vmem>> -> memref<1x8x128xf32, #tpu.memory_space<vmem>>
    %dma_wait3A_722 = tpu.memref_squeeze %dma_wait3A_721 : memref<1x8x128xf32, #tpu.memory_space<vmem>> -> memref<8x128xf32, #tpu.memory_space<vmem>>
    tpu.wait_dma2 semaphore(%arg16 : memref<!tpu.dma_semaphore, #tpu.memory_space<semaphore_mem>>) src(%dma_wait3A_722 : memref<8x128xf32, #tpu.memory_space<vmem>>) dst(%dma_wait3A_718 : memref<8x128xf32, #tpu.memory_space<hbm>>)
    %dma_wait3A_723 = arith.constant 5 : i32
    %dma_wait3A_724 = arith.constant 0 : i32
    %dma_wait3A_725 = arith.constant 0 : i32
    %dma_wait3A_726 = tpu.memref_slice %arg13[%dma_wait3A_723, %dma_wait3A_724, %dma_wait3A_725] : memref<10x8x128xf32, #tpu.memory_space<vmem>> -> memref<1x8x128xf32, #tpu.memory_space<vmem>>
    %dma_wait3A_727 = tpu.memref_squeeze %dma_wait3A_726 : memref<1x8x128xf32, #tpu.memory_space<vmem>> -> memref<8x128xf32, #tpu.memory_space<vmem>>
    %dma_wait3A_728 = arith.constant 0 : i32
    %dma_wait3A_729 = arith.constant 0 : i32
    %dma_wait3A_730 = tpu.memref_slice %arg6[%add3A_319, %dma_wait3A_728, %dma_wait3A_729] : memref<320x8x128xf32, #tpu.memory_space<hbm>> -> memref<1x8x128xf32, #tpu.memory_space<hbm>>
    %dma_wait3A_731 = tpu.memref_squeeze %dma_wait3A_730 : memref<1x8x128xf32, #tpu.memory_space<hbm>> -> memref<8x128xf32, #tpu.memory_space<hbm>>
    %dma_wait3A_732 = arith.constant 0 : i32
    %dma_wait3A_733 = arith.constant 0 : i32
    %dma_wait3A_734 = tpu.memref_slice %arg6[%add3A_319, %dma_wait3A_732, %dma_wait3A_733] : memref<320x8x128xf32, #tpu.memory_space<hbm>> -> memref<1x8x128xf32, #tpu.memory_space<hbm>>
    %dma_wait3A_735 = tpu.memref_squeeze %dma_wait3A_734 : memref<1x8x128xf32, #tpu.memory_space<hbm>> -> memref<8x128xf32, #tpu.memory_space<hbm>>
    %dma_wait3A_736 = arith.constant 0 : i32
    %dma_wait3A_737 = arith.constant 0 : i32
    %dma_wait3A_738 = tpu.memref_slice %arg13[%dma_wait3A_723, %dma_wait3A_736, %dma_wait3A_737] : memref<10x8x128xf32, #tpu.memory_space<vmem>> -> memref<1x8x128xf32, #tpu.memory_space<vmem>>
    %dma_wait3A_739 = tpu.memref_squeeze %dma_wait3A_738 : memref<1x8x128xf32, #tpu.memory_space<vmem>> -> memref<8x128xf32, #tpu.memory_space<vmem>>
    tpu.wait_dma2 semaphore(%arg16 : memref<!tpu.dma_semaphore, #tpu.memory_space<semaphore_mem>>) src(%dma_wait3A_739 : memref<8x128xf32, #tpu.memory_space<vmem>>) dst(%dma_wait3A_735 : memref<8x128xf32, #tpu.memory_space<hbm>>)
    %dma_wait3A_740 = arith.constant 5 : i32
    %dma_wait3A_741 = arith.constant 0 : i32
    %dma_wait3A_742 = arith.constant 0 : i32
    %dma_wait3A_743 = tpu.memref_slice %arg14[%dma_wait3A_740, %dma_wait3A_741, %dma_wait3A_742] : memref<10x8x128xf32, #tpu.memory_space<vmem>> -> memref<1x8x128xf32, #tpu.memory_space<vmem>>
    %dma_wait3A_744 = tpu.memref_squeeze %dma_wait3A_743 : memref<1x8x128xf32, #tpu.memory_space<vmem>> -> memref<8x128xf32, #tpu.memory_space<vmem>>
    %dma_wait3A_745 = arith.constant 0 : i32
    %dma_wait3A_746 = arith.constant 0 : i32
    %dma_wait3A_747 = tpu.memref_slice %arg7[%add3A_339, %dma_wait3A_745, %dma_wait3A_746] : memref<320x8x128xf32, #tpu.memory_space<hbm>> -> memref<1x8x128xf32, #tpu.memory_space<hbm>>
    %dma_wait3A_748 = tpu.memref_squeeze %dma_wait3A_747 : memref<1x8x128xf32, #tpu.memory_space<hbm>> -> memref<8x128xf32, #tpu.memory_space<hbm>>
    %dma_wait3A_749 = arith.constant 0 : i32
    %dma_wait3A_750 = arith.constant 0 : i32
    %dma_wait3A_751 = tpu.memref_slice %arg7[%add3A_339, %dma_wait3A_749, %dma_wait3A_750] : memref<320x8x128xf32, #tpu.memory_space<hbm>> -> memref<1x8x128xf32, #tpu.memory_space<hbm>>
    %dma_wait3A_752 = tpu.memref_squeeze %dma_wait3A_751 : memref<1x8x128xf32, #tpu.memory_space<hbm>> -> memref<8x128xf32, #tpu.memory_space<hbm>>
    %dma_wait3A_753 = arith.constant 0 : i32
    %dma_wait3A_754 = arith.constant 0 : i32
    %dma_wait3A_755 = tpu.memref_slice %arg14[%dma_wait3A_740, %dma_wait3A_753, %dma_wait3A_754] : memref<10x8x128xf32, #tpu.memory_space<vmem>> -> memref<1x8x128xf32, #tpu.memory_space<vmem>>
    %dma_wait3A_756 = tpu.memref_squeeze %dma_wait3A_755 : memref<1x8x128xf32, #tpu.memory_space<vmem>> -> memref<8x128xf32, #tpu.memory_space<vmem>>
    tpu.wait_dma2 semaphore(%arg16 : memref<!tpu.dma_semaphore, #tpu.memory_space<semaphore_mem>>) src(%dma_wait3A_756 : memref<8x128xf32, #tpu.memory_space<vmem>>) dst(%dma_wait3A_752 : memref<8x128xf32, #tpu.memory_space<hbm>>)
    %dma_wait3A_757 = arith.constant 6 : i32
    %dma_wait3A_758 = arith.constant 0 : i32
    %dma_wait3A_759 = arith.constant 0 : i32
    %dma_wait3A_760 = tpu.memref_slice %arg13[%dma_wait3A_757, %dma_wait3A_758, %dma_wait3A_759] : memref<10x8x128xf32, #tpu.memory_space<vmem>> -> memref<1x8x128xf32, #tpu.memory_space<vmem>>
    %dma_wait3A_761 = tpu.memref_squeeze %dma_wait3A_760 : memref<1x8x128xf32, #tpu.memory_space<vmem>> -> memref<8x128xf32, #tpu.memory_space<vmem>>
    %dma_wait3A_762 = arith.constant 0 : i32
    %dma_wait3A_763 = arith.constant 0 : i32
    %dma_wait3A_764 = tpu.memref_slice %arg6[%add3A_368, %dma_wait3A_762, %dma_wait3A_763] : memref<320x8x128xf32, #tpu.memory_space<hbm>> -> memref<1x8x128xf32, #tpu.memory_space<hbm>>
    %dma_wait3A_765 = tpu.memref_squeeze %dma_wait3A_764 : memref<1x8x128xf32, #tpu.memory_space<hbm>> -> memref<8x128xf32, #tpu.memory_space<hbm>>
    %dma_wait3A_766 = arith.constant 0 : i32
    %dma_wait3A_767 = arith.constant 0 : i32
    %dma_wait3A_768 = tpu.memref_slice %arg6[%add3A_368, %dma_wait3A_766, %dma_wait3A_767] : memref<320x8x128xf32, #tpu.memory_space<hbm>> -> memref<1x8x128xf32, #tpu.memory_space<hbm>>
    %dma_wait3A_769 = tpu.memref_squeeze %dma_wait3A_768 : memref<1x8x128xf32, #tpu.memory_space<hbm>> -> memref<8x128xf32, #tpu.memory_space<hbm>>
    %dma_wait3A_770 = arith.constant 0 : i32
    %dma_wait3A_771 = arith.constant 0 : i32
    %dma_wait3A_772 = tpu.memref_slice %arg13[%dma_wait3A_757, %dma_wait3A_770, %dma_wait3A_771] : memref<10x8x128xf32, #tpu.memory_space<vmem>> -> memref<1x8x128xf32, #tpu.memory_space<vmem>>
    %dma_wait3A_773 = tpu.memref_squeeze %dma_wait3A_772 : memref<1x8x128xf32, #tpu.memory_space<vmem>> -> memref<8x128xf32, #tpu.memory_space<vmem>>
    tpu.wait_dma2 semaphore(%arg16 : memref<!tpu.dma_semaphore, #tpu.memory_space<semaphore_mem>>) src(%dma_wait3A_773 : memref<8x128xf32, #tpu.memory_space<vmem>>) dst(%dma_wait3A_769 : memref<8x128xf32, #tpu.memory_space<hbm>>)
    %dma_wait3A_774 = arith.constant 6 : i32
    %dma_wait3A_775 = arith.constant 0 : i32
    %dma_wait3A_776 = arith.constant 0 : i32
    %dma_wait3A_777 = tpu.memref_slice %arg14[%dma_wait3A_774, %dma_wait3A_775, %dma_wait3A_776] : memref<10x8x128xf32, #tpu.memory_space<vmem>> -> memref<1x8x128xf32, #tpu.memory_space<vmem>>
    %dma_wait3A_778 = tpu.memref_squeeze %dma_wait3A_777 : memref<1x8x128xf32, #tpu.memory_space<vmem>> -> memref<8x128xf32, #tpu.memory_space<vmem>>
    %dma_wait3A_779 = arith.constant 0 : i32
    %dma_wait3A_780 = arith.constant 0 : i32
    %dma_wait3A_781 = tpu.memref_slice %arg7[%add3A_388, %dma_wait3A_779, %dma_wait3A_780] : memref<320x8x128xf32, #tpu.memory_space<hbm>> -> memref<1x8x128xf32, #tpu.memory_space<hbm>>
    %dma_wait3A_782 = tpu.memref_squeeze %dma_wait3A_781 : memref<1x8x128xf32, #tpu.memory_space<hbm>> -> memref<8x128xf32, #tpu.memory_space<hbm>>
    %dma_wait3A_783 = arith.constant 0 : i32
    %dma_wait3A_784 = arith.constant 0 : i32
    %dma_wait3A_785 = tpu.memref_slice %arg7[%add3A_388, %dma_wait3A_783, %dma_wait3A_784] : memref<320x8x128xf32, #tpu.memory_space<hbm>> -> memref<1x8x128xf32, #tpu.memory_space<hbm>>
    %dma_wait3A_786 = tpu.memref_squeeze %dma_wait3A_785 : memref<1x8x128xf32, #tpu.memory_space<hbm>> -> memref<8x128xf32, #tpu.memory_space<hbm>>
    %dma_wait3A_787 = arith.constant 0 : i32
    %dma_wait3A_788 = arith.constant 0 : i32
    %dma_wait3A_789 = tpu.memref_slice %arg14[%dma_wait3A_774, %dma_wait3A_787, %dma_wait3A_788] : memref<10x8x128xf32, #tpu.memory_space<vmem>> -> memref<1x8x128xf32, #tpu.memory_space<vmem>>
    %dma_wait3A_790 = tpu.memref_squeeze %dma_wait3A_789 : memref<1x8x128xf32, #tpu.memory_space<vmem>> -> memref<8x128xf32, #tpu.memory_space<vmem>>
    tpu.wait_dma2 semaphore(%arg16 : memref<!tpu.dma_semaphore, #tpu.memory_space<semaphore_mem>>) src(%dma_wait3A_790 : memref<8x128xf32, #tpu.memory_space<vmem>>) dst(%dma_wait3A_786 : memref<8x128xf32, #tpu.memory_space<hbm>>)
    %dma_wait3A_791 = arith.constant 7 : i32
    %dma_wait3A_792 = arith.constant 0 : i32
    %dma_wait3A_793 = arith.constant 0 : i32
    %dma_wait3A_794 = tpu.memref_slice %arg13[%dma_wait3A_791, %dma_wait3A_792, %dma_wait3A_793] : memref<10x8x128xf32, #tpu.memory_space<vmem>> -> memref<1x8x128xf32, #tpu.memory_space<vmem>>
    %dma_wait3A_795 = tpu.memref_squeeze %dma_wait3A_794 : memref<1x8x128xf32, #tpu.memory_space<vmem>> -> memref<8x128xf32, #tpu.memory_space<vmem>>
    %dma_wait3A_796 = arith.constant 0 : i32
    %dma_wait3A_797 = arith.constant 0 : i32
    %dma_wait3A_798 = tpu.memref_slice %arg6[%add3A_417, %dma_wait3A_796, %dma_wait3A_797] : memref<320x8x128xf32, #tpu.memory_space<hbm>> -> memref<1x8x128xf32, #tpu.memory_space<hbm>>
    %dma_wait3A_799 = tpu.memref_squeeze %dma_wait3A_798 : memref<1x8x128xf32, #tpu.memory_space<hbm>> -> memref<8x128xf32, #tpu.memory_space<hbm>>
    %dma_wait3A_800 = arith.constant 0 : i32
    %dma_wait3A_801 = arith.constant 0 : i32
    %dma_wait3A_802 = tpu.memref_slice %arg6[%add3A_417, %dma_wait3A_800, %dma_wait3A_801] : memref<320x8x128xf32, #tpu.memory_space<hbm>> -> memref<1x8x128xf32, #tpu.memory_space<hbm>>
    %dma_wait3A_803 = tpu.memref_squeeze %dma_wait3A_802 : memref<1x8x128xf32, #tpu.memory_space<hbm>> -> memref<8x128xf32, #tpu.memory_space<hbm>>
    %dma_wait3A_804 = arith.constant 0 : i32
    %dma_wait3A_805 = arith.constant 0 : i32
    %dma_wait3A_806 = tpu.memref_slice %arg13[%dma_wait3A_791, %dma_wait3A_804, %dma_wait3A_805] : memref<10x8x128xf32, #tpu.memory_space<vmem>> -> memref<1x8x128xf32, #tpu.memory_space<vmem>>
    %dma_wait3A_807 = tpu.memref_squeeze %dma_wait3A_806 : memref<1x8x128xf32, #tpu.memory_space<vmem>> -> memref<8x128xf32, #tpu.memory_space<vmem>>
    tpu.wait_dma2 semaphore(%arg16 : memref<!tpu.dma_semaphore, #tpu.memory_space<semaphore_mem>>) src(%dma_wait3A_807 : memref<8x128xf32, #tpu.memory_space<vmem>>) dst(%dma_wait3A_803 : memref<8x128xf32, #tpu.memory_space<hbm>>)
    %dma_wait3A_808 = arith.constant 7 : i32
    %dma_wait3A_809 = arith.constant 0 : i32
    %dma_wait3A_810 = arith.constant 0 : i32
    %dma_wait3A_811 = tpu.memref_slice %arg14[%dma_wait3A_808, %dma_wait3A_809, %dma_wait3A_810] : memref<10x8x128xf32, #tpu.memory_space<vmem>> -> memref<1x8x128xf32, #tpu.memory_space<vmem>>
    %dma_wait3A_812 = tpu.memref_squeeze %dma_wait3A_811 : memref<1x8x128xf32, #tpu.memory_space<vmem>> -> memref<8x128xf32, #tpu.memory_space<vmem>>
    %dma_wait3A_813 = arith.constant 0 : i32
    %dma_wait3A_814 = arith.constant 0 : i32
    %dma_wait3A_815 = tpu.memref_slice %arg7[%add3A_437, %dma_wait3A_813, %dma_wait3A_814] : memref<320x8x128xf32, #tpu.memory_space<hbm>> -> memref<1x8x128xf32, #tpu.memory_space<hbm>>
    %dma_wait3A_816 = tpu.memref_squeeze %dma_wait3A_815 : memref<1x8x128xf32, #tpu.memory_space<hbm>> -> memref<8x128xf32, #tpu.memory_space<hbm>>
    %dma_wait3A_817 = arith.constant 0 : i32
    %dma_wait3A_818 = arith.constant 0 : i32
    %dma_wait3A_819 = tpu.memref_slice %arg7[%add3A_437, %dma_wait3A_817, %dma_wait3A_818] : memref<320x8x128xf32, #tpu.memory_space<hbm>> -> memref<1x8x128xf32, #tpu.memory_space<hbm>>
    %dma_wait3A_820 = tpu.memref_squeeze %dma_wait3A_819 : memref<1x8x128xf32, #tpu.memory_space<hbm>> -> memref<8x128xf32, #tpu.memory_space<hbm>>
    %dma_wait3A_821 = arith.constant 0 : i32
    %dma_wait3A_822 = arith.constant 0 : i32
    %dma_wait3A_823 = tpu.memref_slice %arg14[%dma_wait3A_808, %dma_wait3A_821, %dma_wait3A_822] : memref<10x8x128xf32, #tpu.memory_space<vmem>> -> memref<1x8x128xf32, #tpu.memory_space<vmem>>
    %dma_wait3A_824 = tpu.memref_squeeze %dma_wait3A_823 : memref<1x8x128xf32, #tpu.memory_space<vmem>> -> memref<8x128xf32, #tpu.memory_space<vmem>>
    tpu.wait_dma2 semaphore(%arg16 : memref<!tpu.dma_semaphore, #tpu.memory_space<semaphore_mem>>) src(%dma_wait3A_824 : memref<8x128xf32, #tpu.memory_space<vmem>>) dst(%dma_wait3A_820 : memref<8x128xf32, #tpu.memory_space<hbm>>)
    %dma_wait3A_825 = arith.constant 8 : i32
    %dma_wait3A_826 = arith.constant 0 : i32
    %dma_wait3A_827 = arith.constant 0 : i32
    %dma_wait3A_828 = tpu.memref_slice %arg13[%dma_wait3A_825, %dma_wait3A_826, %dma_wait3A_827] : memref<10x8x128xf32, #tpu.memory_space<vmem>> -> memref<1x8x128xf32, #tpu.memory_space<vmem>>
    %dma_wait3A_829 = tpu.memref_squeeze %dma_wait3A_828 : memref<1x8x128xf32, #tpu.memory_space<vmem>> -> memref<8x128xf32, #tpu.memory_space<vmem>>
    %dma_wait3A_830 = arith.constant 0 : i32
    %dma_wait3A_831 = arith.constant 0 : i32
    %dma_wait3A_832 = tpu.memref_slice %arg6[%add3A_466, %dma_wait3A_830, %dma_wait3A_831] : memref<320x8x128xf32, #tpu.memory_space<hbm>> -> memref<1x8x128xf32, #tpu.memory_space<hbm>>
    %dma_wait3A_833 = tpu.memref_squeeze %dma_wait3A_832 : memref<1x8x128xf32, #tpu.memory_space<hbm>> -> memref<8x128xf32, #tpu.memory_space<hbm>>
    %dma_wait3A_834 = arith.constant 0 : i32
    %dma_wait3A_835 = arith.constant 0 : i32
    %dma_wait3A_836 = tpu.memref_slice %arg6[%add3A_466, %dma_wait3A_834, %dma_wait3A_835] : memref<320x8x128xf32, #tpu.memory_space<hbm>> -> memref<1x8x128xf32, #tpu.memory_space<hbm>>
    %dma_wait3A_837 = tpu.memref_squeeze %dma_wait3A_836 : memref<1x8x128xf32, #tpu.memory_space<hbm>> -> memref<8x128xf32, #tpu.memory_space<hbm>>
    %dma_wait3A_838 = arith.constant 0 : i32
    %dma_wait3A_839 = arith.constant 0 : i32
    %dma_wait3A_840 = tpu.memref_slice %arg13[%dma_wait3A_825, %dma_wait3A_838, %dma_wait3A_839] : memref<10x8x128xf32, #tpu.memory_space<vmem>> -> memref<1x8x128xf32, #tpu.memory_space<vmem>>
    %dma_wait3A_841 = tpu.memref_squeeze %dma_wait3A_840 : memref<1x8x128xf32, #tpu.memory_space<vmem>> -> memref<8x128xf32, #tpu.memory_space<vmem>>
    tpu.wait_dma2 semaphore(%arg16 : memref<!tpu.dma_semaphore, #tpu.memory_space<semaphore_mem>>) src(%dma_wait3A_841 : memref<8x128xf32, #tpu.memory_space<vmem>>) dst(%dma_wait3A_837 : memref<8x128xf32, #tpu.memory_space<hbm>>)
    %dma_wait3A_842 = arith.constant 8 : i32
    %dma_wait3A_843 = arith.constant 0 : i32
    %dma_wait3A_844 = arith.constant 0 : i32
    %dma_wait3A_845 = tpu.memref_slice %arg14[%dma_wait3A_842, %dma_wait3A_843, %dma_wait3A_844] : memref<10x8x128xf32, #tpu.memory_space<vmem>> -> memref<1x8x128xf32, #tpu.memory_space<vmem>>
    %dma_wait3A_846 = tpu.memref_squeeze %dma_wait3A_845 : memref<1x8x128xf32, #tpu.memory_space<vmem>> -> memref<8x128xf32, #tpu.memory_space<vmem>>
    %dma_wait3A_847 = arith.constant 0 : i32
    %dma_wait3A_848 = arith.constant 0 : i32
    %dma_wait3A_849 = tpu.memref_slice %arg7[%add3A_486, %dma_wait3A_847, %dma_wait3A_848] : memref<320x8x128xf32, #tpu.memory_space<hbm>> -> memref<1x8x128xf32, #tpu.memory_space<hbm>>
    %dma_wait3A_850 = tpu.memref_squeeze %dma_wait3A_849 : memref<1x8x128xf32, #tpu.memory_space<hbm>> -> memref<8x128xf32, #tpu.memory_space<hbm>>
    %dma_wait3A_851 = arith.constant 0 : i32
    %dma_wait3A_852 = arith.constant 0 : i32
    %dma_wait3A_853 = tpu.memref_slice %arg7[%add3A_486, %dma_wait3A_851, %dma_wait3A_852] : memref<320x8x128xf32, #tpu.memory_space<hbm>> -> memref<1x8x128xf32, #tpu.memory_space<hbm>>
    %dma_wait3A_854 = tpu.memref_squeeze %dma_wait3A_853 : memref<1x8x128xf32, #tpu.memory_space<hbm>> -> memref<8x128xf32, #tpu.memory_space<hbm>>
    %dma_wait3A_855 = arith.constant 0 : i32
    %dma_wait3A_856 = arith.constant 0 : i32
    %dma_wait3A_857 = tpu.memref_slice %arg14[%dma_wait3A_842, %dma_wait3A_855, %dma_wait3A_856] : memref<10x8x128xf32, #tpu.memory_space<vmem>> -> memref<1x8x128xf32, #tpu.memory_space<vmem>>
    %dma_wait3A_858 = tpu.memref_squeeze %dma_wait3A_857 : memref<1x8x128xf32, #tpu.memory_space<vmem>> -> memref<8x128xf32, #tpu.memory_space<vmem>>
    tpu.wait_dma2 semaphore(%arg16 : memref<!tpu.dma_semaphore, #tpu.memory_space<semaphore_mem>>) src(%dma_wait3A_858 : memref<8x128xf32, #tpu.memory_space<vmem>>) dst(%dma_wait3A_854 : memref<8x128xf32, #tpu.memory_space<hbm>>)
    %dma_wait3A_859 = arith.constant 9 : i32
    %dma_wait3A_860 = arith.constant 0 : i32
    %dma_wait3A_861 = arith.constant 0 : i32
    %dma_wait3A_862 = tpu.memref_slice %arg13[%dma_wait3A_859, %dma_wait3A_860, %dma_wait3A_861] : memref<10x8x128xf32, #tpu.memory_space<vmem>> -> memref<1x8x128xf32, #tpu.memory_space<vmem>>
    %dma_wait3A_863 = tpu.memref_squeeze %dma_wait3A_862 : memref<1x8x128xf32, #tpu.memory_space<vmem>> -> memref<8x128xf32, #tpu.memory_space<vmem>>
    %dma_wait3A_864 = arith.constant 0 : i32
    %dma_wait3A_865 = arith.constant 0 : i32
    %dma_wait3A_866 = tpu.memref_slice %arg6[%add3A_515, %dma_wait3A_864, %dma_wait3A_865] : memref<320x8x128xf32, #tpu.memory_space<hbm>> -> memref<1x8x128xf32, #tpu.memory_space<hbm>>
    %dma_wait3A_867 = tpu.memref_squeeze %dma_wait3A_866 : memref<1x8x128xf32, #tpu.memory_space<hbm>> -> memref<8x128xf32, #tpu.memory_space<hbm>>
    %dma_wait3A_868 = arith.constant 0 : i32
    %dma_wait3A_869 = arith.constant 0 : i32
    %dma_wait3A_870 = tpu.memref_slice %arg6[%add3A_515, %dma_wait3A_868, %dma_wait3A_869] : memref<320x8x128xf32, #tpu.memory_space<hbm>> -> memref<1x8x128xf32, #tpu.memory_space<hbm>>
    %dma_wait3A_871 = tpu.memref_squeeze %dma_wait3A_870 : memref<1x8x128xf32, #tpu.memory_space<hbm>> -> memref<8x128xf32, #tpu.memory_space<hbm>>
    %dma_wait3A_872 = arith.constant 0 : i32
    %dma_wait3A_873 = arith.constant 0 : i32
    %dma_wait3A_874 = tpu.memref_slice %arg13[%dma_wait3A_859, %dma_wait3A_872, %dma_wait3A_873] : memref<10x8x128xf32, #tpu.memory_space<vmem>> -> memref<1x8x128xf32, #tpu.memory_space<vmem>>
    %dma_wait3A_875 = tpu.memref_squeeze %dma_wait3A_874 : memref<1x8x128xf32, #tpu.memory_space<vmem>> -> memref<8x128xf32, #tpu.memory_space<vmem>>
    tpu.wait_dma2 semaphore(%arg16 : memref<!tpu.dma_semaphore, #tpu.memory_space<semaphore_mem>>) src(%dma_wait3A_875 : memref<8x128xf32, #tpu.memory_space<vmem>>) dst(%dma_wait3A_871 : memref<8x128xf32, #tpu.memory_space<hbm>>)
    %dma_wait3A_876 = arith.constant 9 : i32
    %dma_wait3A_877 = arith.constant 0 : i32
    %dma_wait3A_878 = arith.constant 0 : i32
    %dma_wait3A_879 = tpu.memref_slice %arg14[%dma_wait3A_876, %dma_wait3A_877, %dma_wait3A_878] : memref<10x8x128xf32, #tpu.memory_space<vmem>> -> memref<1x8x128xf32, #tpu.memory_space<vmem>>
    %dma_wait3A_880 = tpu.memref_squeeze %dma_wait3A_879 : memref<1x8x128xf32, #tpu.memory_space<vmem>> -> memref<8x128xf32, #tpu.memory_space<vmem>>
    %dma_wait3A_881 = arith.constant 0 : i32
    %dma_wait3A_882 = arith.constant 0 : i32
    %dma_wait3A_883 = tpu.memref_slice %arg7[%add3A_535, %dma_wait3A_881, %dma_wait3A_882] : memref<320x8x128xf32, #tpu.memory_space<hbm>> -> memref<1x8x128xf32, #tpu.memory_space<hbm>>
    %dma_wait3A_884 = tpu.memref_squeeze %dma_wait3A_883 : memref<1x8x128xf32, #tpu.memory_space<hbm>> -> memref<8x128xf32, #tpu.memory_space<hbm>>
    %dma_wait3A_885 = arith.constant 0 : i32
    %dma_wait3A_886 = arith.constant 0 : i32
    %dma_wait3A_887 = tpu.memref_slice %arg7[%add3A_535, %dma_wait3A_885, %dma_wait3A_886] : memref<320x8x128xf32, #tpu.memory_space<hbm>> -> memref<1x8x128xf32, #tpu.memory_space<hbm>>
    %dma_wait3A_888 = tpu.memref_squeeze %dma_wait3A_887 : memref<1x8x128xf32, #tpu.memory_space<hbm>> -> memref<8x128xf32, #tpu.memory_space<hbm>>
    %dma_wait3A_889 = arith.constant 0 : i32
    %dma_wait3A_890 = arith.constant 0 : i32
    %dma_wait3A_891 = tpu.memref_slice %arg14[%dma_wait3A_876, %dma_wait3A_889, %dma_wait3A_890] : memref<10x8x128xf32, #tpu.memory_space<vmem>> -> memref<1x8x128xf32, #tpu.memory_space<vmem>>
    %dma_wait3A_892 = tpu.memref_squeeze %dma_wait3A_891 : memref<1x8x128xf32, #tpu.memory_space<vmem>> -> memref<8x128xf32, #tpu.memory_space<vmem>>
    tpu.wait_dma2 semaphore(%arg16 : memref<!tpu.dma_semaphore, #tpu.memory_space<semaphore_mem>>) src(%dma_wait3A_892 : memref<8x128xf32, #tpu.memory_space<vmem>>) dst(%dma_wait3A_888 : memref<8x128xf32, #tpu.memory_space<hbm>>)
    return
  }
}

</mosaic_0001>

<sc_bundles>
// kernel: kernel.3.cloned.1.call-start
scs
__scs_entry_jumppad:
0x0: {  	(pc) =	sbr.rel $0x88, $3  }
0x1: {  	(tag) =	ssettag $0x0;
	lr =	simm.s32 $0x1  }
0x2: {  	[smem:$0x3F9F] =	sst lr;
	_ =	strace $0xD0000000  }
0x3: {  	_ = 	snop  }
0x4: {  	_ = 	snop  }
0x5: {  	_ = 	snop  }
0x6: {  	_ = 	snop  }
0x7: {  	_ = 	snop  }
__scs_overlays_trampoline_lowered:
0x8: {  	[smem:$0x3FAE] =	sst s0  }
0x9: {  	[smem:$0x3FAF] =	sst s1  }
0xa: {  	[smem:$0x3FB0] =	sst s2  }
0xb: {  	[smem:$0x3FB1] =	sst s3  }
0xc: {  	[smem:$0x3FB2] =	sst s4  }
0xd: {  	[smem:$0x3FB3] =	sst s5  }
0xe: {  	[smem:$0x3FB4] =	sst s6  }
0xf: {  	[smem:$0x3FB5] =	sst s7  }
0x10: {  	[smem:$0x3FB6] =	sst s8  }
0x11: {  	[smem:$0x3FB7] =	sst s9;
	s0 =	simm.s32 @!p0 $0x0  }
0x12: {  	s1 =	sld [smem:$0x3F9D];
	s0 =	simm.s32 @p0 $0x1  }
0x13: {  	[smem:$0x3FB8] =	sst s0;
	s0 =	simm.s32 @!p1 $0x0  }
0x14: {  	s2 =	sld [smem:$0x3F9C];
	s0 =	simm.s32 @p1 $0x1  }
0x15: {  	[smem:$0x3FB9] =	sst s0;
	s0 =	simm.s32 @!p2 $0x0  }
0x16: {  	s3 =	sld [smem:$0x3FDB];
	s0 =	simm.s32 @p2 $0x1  }
0x17: {  	s4 =	simm.s32 $0x1BF5;
	[smem:$0x3FBB] =	sst s0  }
0x18: {  	s0 =	sld [smem:$0x3F9E];
	_ =	swait.ge [sflag:s4], $0x0  }
0x19: {  	s7 =	sld [smem:$0x3F9F]  }
0x1a: {  	s8 =	sadd.s32 $0xFFFFE003, lr  }
0x1b: {  	s9 =	sadd.s32 $0xFFFFFEF7, lr;
	s5 =	simm.s32 $0xFFFFFFFF;
	p2 =	slt.u32 s8, $0xFFFFF086  }
0x1c: {  	p1 =	slt.u32 s9, $0xF7A;
	s5 =	simm.s32 @!p2 $0x0  }
0x1d: {  	s5 =	simm.s32 @p1 $0x1;
	p0 =	seq.s32 s7, s2  }
0x1e: {  	s7 =	smul.u32 @!p0 $0xF7A, s2;
	p2 =	seq.s32 @!p0 s5, $0x0  }
0x1f: {  	s9 =	smul.u32 $0xF7A, s1;
	s8 =	simm.s32 @!p0 $0x1BF5;
	p2 =	por !p2, p0  }
0x20: {  	[sflag:s8] =	ssyncset.s32 @!p0 $0xFFFFF086;
	s6 =	sadd.s32 @!p0 s3, s7;
	s7 =	simm.s32 @!p0 $0x108  }
0x21: {  	s3 =	sadd.s32 s3, s9;
	s6 =	sadd.s32 @!p0 $0x88, s6;
	s7 =	simm.s32 @p2 $0x1082  }
0x22: {  	[simem:s7], [sflag:s8] =	dma.local @!p0 [hbm:s6], $0xF7A  }
0x23: {  	s9 =	sor.u32 $0xD0000000, s2;
	s6 =	simm.s32 $0x108;
	_ =	swait.ge @!p0 [sflag:s8], $0x0  }
0x24: {  	s3 =	sadd.s32 $0x88, s3;
	s6 =	simm.s32 @!p1 $0x1082;
	[sflag:s4] =	ssyncset.s32 $0xFFFFF086  }
0x25: {  	[simem:s6], [sflag:s4] =	dma.local [hbm:s3], $0xF7A  }
0x26: {  	[smem:$0x3F9F] =	sst s1;
	(tag) =	ssettag s2;
	_ =	strace s9  }
0x27: {  	s1 =	sld [smem:$0x3FAF]  }
0x28: {  	s2 =	sld [smem:$0x3FB0]  }
0x29: {  	s4 =	sld [smem:$0x3FB2]  }
0x2a: {  	p0 =	seq.s32 s5, $0x0;
	s5 =	sld [smem:$0x3FB3]  }
0x2b: {  	s6 =	sld [smem:$0x3FB4]  }
0x2c: {  	s7 =	sld [smem:$0x3FB5]  }
0x2d: {  	s3 =	simm.s32 $0x108;
	s8 =	sld [smem:$0x3FB6]  }
0x2e: {  	s3 =	simm.s32 @!p0 $0x1082;
	s9 =	sld [smem:$0x3FB7]  }
0x2f: {  	lr =	sadd.s32 s0, s3;
	s0 =	sld [smem:$0x3FAE]  }
0x30: {  	s3 =	sld [smem:$0x3FB1]  }
0x31: {  	[smem:$0x3FBA] =	sst s10  }
0x32: {  	s10 =	sld [smem:$0x3FB8];
	_ =	sdelay $0x3  }
0x33: {  	p0 =	seq.s32 s10, $0x1;
	s10 =	sld [smem:$0x3FBA];
	_ =	sdelay $0x3  }
0x34: {  	[smem:$0x3FBA] =	sst s10  }
0x35: {  	s10 =	sld [smem:$0x3FB9];
	_ =	sdelay $0x3  }
0x36: {  	p1 =	seq.s32 s10, $0x1;
	s10 =	sld [smem:$0x3FBA];
	_ =	sdelay $0x3  }
0x37: {  	[smem:$0x3FBA] =	sst s10  }
0x38: {  	s10 =	sld [smem:$0x3FBB]  }
0x39: {  	_ = 	snop;
	(pc) =	sbr.ind lr, $3  }
0x3a: {  	_ = 	snop  }
0x3b: {  	_ = 	snop  }
0x3c: {  	p2 =	seq.s32 s10, $0x1;
	s10 =	sld [smem:$0x3FBA]  }
0x3d: {  	_ =	shalt  }
0x3e: {  	_ =	shalt  }
0x3f: {  	_ =	shalt  }
0x40: {  	_ =	shalt  }
0x41: {  	_ =	shalt  }
0x42: {  	_ =	shalt  }
0x43: {  	_ =	shalt  }
0x44: {  	_ =	shalt  }
0x45: {  	_ =	shalt  }
0x46: {  	_ =	shalt  }
0x47: {  	_ =	shalt  }
0x48: {  	_ =	shalt  }
0x49: {  	_ =	shalt  }
0x4a: {  	_ =	shalt  }
0x4b: {  	_ =	shalt  }
0x4c: {  	_ =	shalt  }
0x4d: {  	_ =	shalt  }
0x4e: {  	_ =	shalt  }
0x4f: {  	_ =	shalt  }
0x50: {  	_ =	shalt  }
0x51: {  	_ =	shalt  }
0x52: {  	_ =	shalt  }
0x53: {  	_ =	shalt  }
0x54: {  	_ =	shalt  }
0x55: {  	_ =	shalt  }
0x56: {  	_ =	shalt  }
0x57: {  	_ =	shalt  }
0x58: {  	_ =	shalt  }
0x59: {  	_ =	shalt  }
0x5a: {  	_ =	shalt  }
0x5b: {  	_ =	shalt  }
0x5c: {  	_ =	shalt  }
0x5d: {  	_ =	shalt  }
0x5e: {  	_ =	shalt  }
0x5f: {  	_ =	shalt  }
0x60: {  	_ =	shalt  }
0x61: {  	_ =	shalt  }
0x62: {  	_ =	shalt  }
0x63: {  	_ =	shalt  }
0x64: {  	_ =	shalt  }
0x65: {  	_ =	shalt  }
0x66: {  	_ =	shalt  }
0x67: {  	_ =	shalt  }
0x68: {  	_ =	shalt  }
0x69: {  	_ =	shalt  }
0x6a: {  	_ =	shalt  }
0x6b: {  	_ =	shalt  }
0x6c: {  	_ =	shalt  }
0x6d: {  	_ =	shalt  }
0x6e: {  	_ =	shalt  }
0x6f: {  	_ =	shalt  }
0x70: {  	_ =	shalt  }
0x71: {  	_ =	shalt  }
0x72: {  	_ =	shalt  }
0x73: {  	_ =	shalt  }
0x74: {  	_ =	shalt  }
0x75: {  	_ =	shalt  }
0x76: {  	_ =	shalt  }
0x77: {  	_ =	shalt  }
0x78: {  	_ =	shalt  }
0x79: {  	_ =	shalt  }
0x7a: {  	_ =	shalt  }
0x7b: {  	_ =	shalt  }
0x7c: {  	_ =	shalt  }
0x7d: {  	_ =	shalt  }
0x7e: {  	_ =	shalt  }
0x7f: {  	_ =	shalt  }
0x80: {  	_ =	shalt  }
0x81: {  	_ =	shalt  }
0x82: {  	_ =	shalt  }
0x83: {  	_ =	shalt  }
0x84: {  	_ =	shalt  }
0x85: {  	_ =	shalt  }
0x86: {  	_ =	shalt  }
0x87: {  	_ =	shalt  }
.Lfunc_end0:
.L_simem_size_0:
called_computation_lowered:
.L_overlay_start_0:
0x88: {  	s2 =	sld [smem:$0x3FD9]  }
0x89: {  	s3 =	sld [smem:$0x3FFE];
	_ =	sdelay $0x1  }
0x8a: {  	s1 =	srdreg.scid  }
0x8b: {  	s0 =	sand.u32 $0x1, s1  }
0x8c: {  	s17 =	sshll.u32 s0, $0xA;
	s2 =	sadd.s32 s3, s2  }
0x8d: {  	s2 =	sadd.s32 s2, s17  }
0x8e: {  	[smem:$0x3FC6] =	sst s2  }
0x8f: {  	_ = 	snop  }
0x90: {  	s2 =	sld [smem:$0x3FC8]  }
0x91: {  	s18 =	sld [smem:$0x3FD0];
	(tm) =	ssettm $0x1  }
0x92: {  	s4 =	sld [smem:$0x3FFB];
	_ =	sdelay $0x3  }
0x93: {  	_ =	strace s4  }
0x94: {  	s4 =	sld [smem:$0x3FFC];
	_ =	sdelay $0x3  }
0x95: {  	_ =	strace s4  }
0x96: {  	s4 =	sld [smem:$0x3FFD];
	_ =	sdelay $0x3  }
0x97: {  	_ =	strace s4  }
0x98: {  	_ =	strace $0x8FFFFFFF  }
0x99: {  	s19 =	sld [smem:$0x3FDB];
	_ =	sdelay $0x1  }
0x9a: {  	s5 =	simm.s32 $_scs_section_size  }
0x9b: {  	s6 =	simm.s32 $_size__tile_overlayer_lowered;
	s7 =	simm.s32 $_tile_overlayer_lowered  }
0x9c: {  	s22 =	simm.s32 $0x1BFF;
	s21 =	sshll.u32 s7, $0x1;
	s4 =	sadd.s32 s5, s19  }
0x9d: {  	s8 =	simm.s32 $0x0;
	s20 =	sshll.u32 s6, $0x1;
	s6 =	sadd.s32 s21, s4  }
0x9e: {  	[timem:s8], [sflag:s22] =	dma.local [hbm:s6], s20  }
0x9f: {  	_ =	swait.ge [sflag:s22], s20  }
0xa0: {  	s5 =	ssub.s32 $0x0, s20;
	[sflag:s22] =	ssyncset.done $0x0  }
0xa1: {  	[sflag:s22] =	ssyncadd.s32 s5;
	_ =	sdelay $0x1  }
0xa2: {  	s23 =	simm.s32 $0x1B8B  }
0xa3: {  	_ =	swait.ge [sflag:s23], $0x1  }
0xa4: {  	[sflag:s23] =	ssyncset.done $0x0  }
0xa5: {  	s25 =	simm.s32 $0x1B8E;
	s24 =	sld [smem:$0x3FFE];
	[sflag:s23] =	ssyncadd.s32 $0xFFFFFFFF  }
0xa6: {  	s26 =	simm.s32 $execute0_lowered;
	[smem:$0x3FD2] =	sst s25  }
0xa7: {  	s6 =	sshll.u32 s26, $0x1;
	_ =	strace $0x80000046;
	[dreg:$0x1] =	wrdreg $0xFFFFFFFF  }
0xa8: {  	s28 =	simm.s32 $_size_execute0_lowered;
	s4 =	sadd.s32 s4, s6;
	[dreg:$0x0] =	wrdreg $0x0  }
0xa9: {  	s6 =	sshll.u32 s28, $0x1;
	[dreg:$0x2] =	wrdreg s4  }
0xaa: {  	[dreg:$0x3] =	wrdreg s6  }
0xab: {  	[dreg:$0x4] =	wrdreg $0xC0  }
0xac: {  	_ =	task [dreg:s8], $0x5FFFF  }
0xad: {  	[dreg:$0x1] =	wrdreg $0xFFFFFFFF  }
0xae: {  	[dreg:$0x0] =	wrdreg $0x60  }
0xaf: {  	[dreg:$0x2] =	wrdreg s24  }
0xb0: {  	[dreg:$0x3] =	wrdreg s2  }
0xb1: {  	[dreg:$0x4] =	wrdreg s18  }
0xb2: {  	[dreg:$0x5] =	wrdreg $0x9  }
0xb3: {  	_ =	task.clear_ibuf [dreg:s8], $0x6FFFF;
	_ =	strace $0x90000046  }
0xb4: {  	s29 =	simm.s32 $0x9;
	_ =	strace $0x80000048  }
0xb5: {  	_ =	swait.ge [sflag:s29], $0x1  }
0xb6: {  	[sflag:s29] =	ssyncadd.s32 $0xFFFFFFFF  }
0xb7: {  	_ =	strace $0x90000048  }
0xb8: {  	_ =	sfence  }
0xb9: {  	s30 =	sld [smem:$0x0];
	_ =	sdelay $0x2  }
0xba: {  	s31 =	sshll.u32 s1, $0xD;
	s1 =	sshrl.u32 s1, $0x2  }
0xbb: {  	s3 =	sand.u32 $0x4000, s31;
	s1 =	sadd.s32 s1, s30  }
0xbc: {  	s0 =	sor.u32 s3, s0;
	s1 =	sshll.u32 s1, $0x11  }
0xbd: {  	s0 =	sor.u32 s1, s0  }
0xbe: {  	s0 =	sadd.s32 $0x8F2B, s0  }
0xbf: {  	[sflag:s0] =	ssyncadd.remote.s32 $0x1  }
0xc0: {  	_ =	sfence.sel $0xFFFF  }
0xc1: {  	[dreg:$0x0] =	wrdreg $0xFFFFFFFF;
	(pc) =	sbr.abs _section_cstart, $3  }
0xc2: {  	[dreg:$0x1] =	wrdreg $0xFFFFFFFF  }
0xc3: {  	_ =	task.clear_ibuf [dreg:s8], $0x2FFFF;
	_ =	strace $0x9FFFFFFF  }
0xc4: {  	(tm) =	ssettm $0x7FFFFFFF  }
0xc5: {  	_ =	shalt  }
tec
execute0_lowered:
.L_overlay_start_1:
0x0: {  	(tag) =	ssettag $0x1  }
0x1: {  	s0 =	stileid.u32  }
0x2: {  	s6 =	sand.u32 $0x1, s0  }
0x3: {  	s3 =	smul.u32 $0xA0, s6  }
0x4: {  	s7 =	srdreg.scid;
	s5 =	sshrl.u32 s0, $0x1  }
0x5: {  	s2 =	rddreg [dreg:$0x0];
	s7 =	sand.u32 $0x1, s7;
	s3 =	sor.u32 s5, s3  }
0x6: {  	s4 =	rddreg [dreg:$0x2];
	s8 =	sshll.u32 s7, $0xA;
	s3 =	sshll.u32 s3, $0x7  }
0x7: {  	s1 =	simm.s32 $0x0;
	s18 =	rddreg [dreg:$0x1];
	s3 =	sor.u32 s3, s8  }
0x8: {  	[smem:$0x7FF] =	sst s1;
	s9 =	ssub.s32 $0x2, s7;
	s11 =	sor.u32 $0x800, s3  }
0x9: {  	s10 =	sshrl.u32 s9, $0x1;
	s8 =	sadd.s32 $0x1E9A00, s2;
	s19 =	sadd.s32 s4, s11  }
0xa: {  	s20 =	sadd.s32 $0x1000, s3;
	s11 =	sadd.s32 s8, s11;
	[dreg:$0x4] =	wrdreg s19  }
0xb: {  	s9 =	ssub.s32 s9, s10;
	s21 =	sadd.s32 s4, s20;
	[dreg:$0x5] =	wrdreg s11  }
0xc: {  	s22 =	sadd.s32 $0x1800, s3;
	s10 =	sadd.s32 s8, s20;
	[dreg:$0x6] =	wrdreg s21  }
0xd: {  	s24 =	sadd.s32 $0x2000, s3;
	s23 =	sadd.s32 s4, s22;
	[dreg:$0x7] =	wrdreg s10  }
0xe: {  	s26 =	sadd.s32 $0x2800, s3;
	s25 =	sadd.s32 s4, s24;
	[dreg:$0x8] =	wrdreg s23  }
0xf: {  	s12 =	sadd.s32 $0x3000, s3;
	s28 =	sadd.s32 s4, s26;
	[dreg:$0xa] =	wrdreg s25  }
0x10: {  	s14 =	sadd.s32 $0x3800, s3;
	s13 =	sadd.s32 s4, s12;
	[dreg:$0xc] =	wrdreg s28  }
0x11: {  	s16 =	sadd.s32 $0x4000, s3;
	s15 =	sadd.s32 s4, s14;
	[dreg:$0xe] =	wrdreg s13  }
0x12: {  	s17 =	sadd.s32 s4, s16;
	[dreg:$0x10] =	wrdreg s15  }
0x13: {  	p0 =	sne.s32 s0, $0x0;
	s20 =	sadd.s32 s8, s3;
	[dreg:$0x12] =	wrdreg s17  }
0x14: {  	s6 =	smul.u32 $0xA, s6;
	s11 =	sadd.s32 s8, s22;
	[dreg:$0x15] =	wrdreg s20  }
0x15: {  	s5 =	smul.u32 $0x140, s5;
	s10 =	sadd.s32 s8, s24;
	[dreg:$0x9] =	wrdreg s11  }
0x16: {  	s9 =	smax.u32 s9, $0x1;
	s19 =	sadd.s32 s4, s3;
	[dreg:$0xb] =	wrdreg s10  }
0x17: {  	s3 =	sadd.s32 $0x4800, s3;
	s11 =	sadd.s32 s8, s26;
	[dreg:$0x14] =	wrdreg s19  }
0x18: {  	s22 =	smul.u32 $0x7A1400, s7;
	s10 =	sadd.s32 s8, s12;
	[dreg:$0xd] =	wrdreg s11  }
0x19: {  	s25 =	sadd.s32 $0x1400, s2;
	s4 =	sadd.s32 s4, s3;
	[dreg:$0xf] =	wrdreg s10  }
0x1a: {  	s7 =	sshll.u32 s7, $0x9;
	s3 =	sadd.s32 s8, s3;
	[dreg:$0x16] =	wrdreg s4  }
0x1b: {  	s11 =	sadd.s32 s8, s14;
	s10 =	sadd.s32 s8, s16;
	[dreg:$0x17] =	wrdreg s3  }
0x1c: {  	s8 =	sadd.s32 s5, s2;
	s21 =	sshrl.u32 s22, $0x3;
	[dreg:$0x11] =	wrdreg s11  }
0x1d: {  	s2 =	sadd.s32 $0x800, s2;
	[dreg:$0x13] =	wrdreg s10;
	s23 =	sadd.s32 s18, s21  }
0x1e: {  	s18 =	sor.u32 $0x8000, s7;
	_ =	strace $0x80000047;
	[dreg:$0x18] =	wrdreg s2  }
0x1f: {  	s19 =	sor.u32 $0x8040, s7;
	s20 =	sor.u32 $0x8080, s7;
	[smem:$0x7F4] =	sst s18  }
0x20: {  	s24 =	sadd.s32 s25, s21;
	s21 =	sor.u32 $0x80C0, s7;
	[smem:$0x7F5] =	sst s19  }
0x21: {  	s11 =	sadd.s32 $0x3D0A00, s22;
	s2 =	sadd.s32 $0xF4000, s23;
	[smem:$0x7F6] =	sst s20  }
0x22: {  	s29 =	sadd.s32 $0x1E800, s24;
	s30 =	sadd.s32 $0x3D050, s24;
	[smem:$0x7F7] =	sst s21  }
0x23: {  	s31 =	sadd.s32 $0x5B8A0, s24;
	s17 =	sadd.s32 $0x7A0F0, s24;
	[smem:$0x7FD] =	sst s9  }
0x24: {  	s3 =	sadd.s32 $0xB7190, s24;
	s26 =	sadd.s32 $0x1E840, s24;
	[dreg:$0x19] =	wrdreg s2  }
0x25: {  	s4 =	sadd.s32 $0xD59E0, s24;
	s28 =	sadd.s32 $0x3D090, s24;
	[dreg:$0x1a] =	wrdreg s26  }
0x26: {  	s5 =	sadd.s32 $0xF4230, s24;
	s12 =	sadd.s32 $0x5B8E0, s24;
	[dreg:$0x1b] =	wrdreg s28  }
0x27: {  	s13 =	sadd.s32 $0x7A130, s24;
	s14 =	sadd.s32 $0x98980, s24;
	[dreg:$0x1c] =	wrdreg s12  }
0x28: {  	s15 =	sadd.s32 $0xB71D0, s24;
	s16 =	sadd.s32 $0xD5A20, s24;
	[dreg:$0x1d] =	wrdreg s13  }
0x29: {  	s10 =	sadd.s32 $0xF4270, s24;
	s23 =	sor.u32 $0x8100, s7;
	[dreg:$0x1e] =	wrdreg s14  }
0x2a: {  	s18 =	simm.s32 $0x8400;
	s20 =	simm.s32 $0x2;
	[smem:$0x7F2] =	sst s16  }
0x2b: {  	s19 =	simm.s32 $0x0;
	s2 =	sadd.s32 $0x98940, s24;
	[smem:$0x7F3] =	sst s10  }
0x2c: {  	[smem:$0x7F8] =	sst s23;
	s24 =	sor.u32 $0x8140, s7;
	s28 =	sadd.s32 $0xA00, s8  }
0x2d: {  	[dreg:$0x1f] =	wrdreg s15;
	s8 =	sadd.s32 $0x1E8500, s22;
	s10 =	sadd.s32 $0x2DC780, s22  }
0x2e: {  	s26 =	sor.u32 $0x8180, s7;
	s12 =	sadd.s32 $0x4C4C80, s22;
	[smem:$0x7F9] =	sst s24  }
0x2f: {  	s7 =	sor.u32 $0x81C0, s7;
	s13 =	sadd.s32 $0x5B8F00, s22;
	[smem:$0x7FA] =	sst s26  }
0x30: {  	v0 =	vlaneseq.u32;
	v1 =	vimm.f32 $1.000000000e+00;
	s14 =	sadd.s32 $0x6AD180, s22;
	s15 =	simm.s32 $0x3;
	[smem:$0x7FB] =	sst s7  }
0x31: {  	v0 =	vmul.u32 $0x14, v0;
	v1 =	vand.u32 $0x7FFFFFFF, v1;
	s16 =	simm.s32 $0x1;
	[smem:$0x7FC] =	sst s28;
	s7 =	sadd.s32 $0xF4280, s22  }
.LBB2_1:
.Ltmp0:
0x32: {  	(pc) =	sbr.rel .LBB2_2-.Ltmp0, $2  }
0x33: {  	_ =	sdelay $0x2  }
0x34: {  	[smem:$0x7F1] =	sst s19;
	s9 =	simm.s32 $0x0  }
.LBB2_22:
0x35: {  	s9 =	sadd.s32 $0x1, s9  }
0x36: {  	p1 =	sne.s32 s9, $0x10  }
.Ltmp1:
0x37: {  	_ = 	snop;
	(pc) =	sbr.rel @!p1 .LBB2_23-.Ltmp1, $1  }
0x38: {  	_ =	sdelay $0x3  }
.LBB2_2:
0x39: {  	s19 =	sshll.u32 s9, $0x4  }
0x3a: {  	s19 =	sor.u32 s0, s19  }
0x3b: {  	p1 =	sgt.u32 s19, $0xF3  }
.Ltmp2:
0x3c: {  	_ = 	snop;
	(pc) =	sbr.rel @p1 .LBB2_20-.Ltmp2, $1  }
0x3d: {  	_ =	sdelay $0x3  }
0x3e: {  	s21 =	sshll.u32 s19, $0xF  }
0x3f: {  	s21 =	sadd.s32 s22, s21  }
0x40: {  	s19 =	sshll.u32 s19, $0xC;
	s23 =	rddreg [dreg:$0x1];
	s21 =	sshrl.u32 s21, $0x3  }
0x41: {  	s26 =	sadd.s32 s22, s19;
	s23 =	sadd.s32 s23, s21;
	s21 =	simm.s32 $0x0  }
0x42: {  	[tilespmem:s21], [sflag:$0x3] =	stream.linear.gather [hbm4b:s23+s21], $0x8000, $0x38;
	[tilespmem:$0x12E00] =	vst v63  }
0x43: {  	s23 =	sshrl.u32 s26, $0x3;
	_ =	swait.ge [sflag:s15], $0x8000  }
0x44: {  	s24 =	simm.s32 $0x10;
	s23 =	sadd.s32 s25, s23;
	[sflag:s15] =	ssyncset.done $0x0  }
0x45: {  	s26 =	simm.s32 $0x400;
	s28 =	sadd.s32 $0x0, s23;
	[sflag:s15] =	ssyncadd.s32 $0xFFFF8000  }
.LBB2_4:
0x46: {  	[hbm4b:s28+s1] =	stream.linear.scatter [tilespmem:s21], [sflag:$0x1], $0x80, $0x38;
	[tilespmem:$0x12E00] =	vst v63  }
0x47: {  	s28 =	smov.u32 s24;
	s21 =	smov.u32 s26;
	p1 =	sne.s32 s24, $0x1F0  }
.Ltmp3:
0x48: {  	s24 =	sadd.s32 $0x10, s24;
	(pc) =	sbr.rel @p1 .LBB2_4-.Ltmp3, $2  }
0x49: {  	_ =	sdelay $0x2  }
0x4a: {  	s26 =	sadd.s32 $0x400, s26;
	s28 =	sadd.s32 s28, s23  }
0x4b: {  	[hbm4b:s28+s1] =	stream.linear.scatter [tilespmem:s21], [sflag:$0x1], $0x80, $0x38;
	[tilespmem:$0x12E00] =	vst v63  }
0x4c: {  	s26 =	sadd.s32 s19, s7  }
0x4d: {  	s21 =	sshrl.u32 s26, $0x3  }
0x4e: {  	s23 =	simm.s32 $0x80;
	s21 =	sadd.s32 s25, s21  }
0x4f: {  	s24 =	simm.s32 $0x10;
	s26 =	simm.s32 $0x480;
	s28 =	sadd.s32 $0x0, s21  }
.LBB2_6:
0x50: {  	[hbm4b:s28+s1] =	stream.linear.scatter [tilespmem:s23], [sflag:$0x1], $0x80, $0x38;
	[tilespmem:$0x12E00] =	vst v63  }
0x51: {  	s28 =	smov.u32 s24;
	s23 =	smov.u32 s26;
	p1 =	sne.s32 s24, $0x1F0  }
.Ltmp4:
0x52: {  	s24 =	sadd.s32 $0x10, s24;
	(pc) =	sbr.rel @p1 .LBB2_6-.Ltmp4, $2  }
0x53: {  	_ =	sdelay $0x2  }
0x54: {  	s26 =	sadd.s32 $0x400, s26;
	s28 =	sadd.s32 s28, s21  }
0x55: {  	[hbm4b:s28+s1] =	stream.linear.scatter [tilespmem:s23], [sflag:$0x1], $0x80, $0x38;
	[tilespmem:$0x12E00] =	vst v63  }
0x56: {  	s21 =	sadd.s32 s19, s8  }
0x57: {  	s21 =	sshrl.u32 s21, $0x3  }
0x58: {  	s23 =	simm.s32 $0x100;
	s21 =	sadd.s32 s25, s21  }
0x59: {  	s24 =	simm.s32 $0x10;
	s26 =	simm.s32 $0x500;
	s28 =	sadd.s32 $0x0, s21  }
.LBB2_8:
0x5a: {  	[hbm4b:s28+s1] =	stream.linear.scatter [tilespmem:s23], [sflag:$0x1], $0x80, $0x38;
	[tilespmem:$0x12E00] =	vst v63  }
0x5b: {  	s28 =	smov.u32 s24;
	s23 =	smov.u32 s26;
	p1 =	sne.s32 s24, $0x1F0  }
.Ltmp5:
0x5c: {  	s24 =	sadd.s32 $0x10, s24;
	(pc) =	sbr.rel @p1 .LBB2_8-.Ltmp5, $2  }
0x5d: {  	_ =	sdelay $0x2  }
0x5e: {  	s26 =	sadd.s32 $0x400, s26;
	s28 =	sadd.s32 s28, s21  }
0x5f: {  	[hbm4b:s28+s1] =	stream.linear.scatter [tilespmem:s23], [sflag:$0x1], $0x80, $0x38;
	[tilespmem:$0x12E00] =	vst v63  }
0x60: {  	s21 =	sadd.s32 s19, s10  }
0x61: {  	s21 =	sshrl.u32 s21, $0x3  }
0x62: {  	s23 =	simm.s32 $0x180;
	s21 =	sadd.s32 s25, s21  }
0x63: {  	s24 =	simm.s32 $0x10;
	s26 =	simm.s32 $0x580;
	s28 =	sadd.s32 $0x0, s21  }
.LBB2_10:
0x64: {  	[hbm4b:s28+s1] =	stream.linear.scatter [tilespmem:s23], [sflag:$0x1], $0x80, $0x38;
	[tilespmem:$0x12E00] =	vst v63  }
0x65: {  	s28 =	smov.u32 s24;
	s23 =	smov.u32 s26;
	p1 =	sne.s32 s24, $0x1F0  }
.Ltmp6:
0x66: {  	s24 =	sadd.s32 $0x10, s24;
	(pc) =	sbr.rel @p1 .LBB2_10-.Ltmp6, $2  }
0x67: {  	_ =	sdelay $0x2  }
0x68: {  	s26 =	sadd.s32 $0x400, s26;
	s28 =	sadd.s32 s28, s21  }
0x69: {  	[hbm4b:s28+s1] =	stream.linear.scatter [tilespmem:s23], [sflag:$0x1], $0x80, $0x38;
	[tilespmem:$0x12E00] =	vst v63  }
0x6a: {  	s21 =	sadd.s32 s19, s11  }
0x6b: {  	s21 =	sshrl.u32 s21, $0x3  }
0x6c: {  	s23 =	simm.s32 $0x200;
	s21 =	sadd.s32 s25, s21  }
0x6d: {  	s24 =	simm.s32 $0x10;
	s26 =	simm.s32 $0x600;
	s28 =	sadd.s32 $0x0, s21  }
.LBB2_12:
0x6e: {  	[hbm4b:s28+s1] =	stream.linear.scatter [tilespmem:s23], [sflag:$0x1], $0x80, $0x38;
	[tilespmem:$0x12E00] =	vst v63  }
0x6f: {  	s28 =	smov.u32 s24;
	s23 =	smov.u32 s26;
	p1 =	sne.s32 s24, $0x1F0  }
.Ltmp7:
0x70: {  	s24 =	sadd.s32 $0x10, s24;
	(pc) =	sbr.rel @p1 .LBB2_12-.Ltmp7, $2  }
0x71: {  	_ =	sdelay $0x2  }
0x72: {  	s26 =	sadd.s32 $0x400, s26;
	s28 =	sadd.s32 s28, s21  }
0x73: {  	[hbm4b:s28+s1] =	stream.linear.scatter [tilespmem:s23], [sflag:$0x1], $0x80, $0x38;
	[tilespmem:$0x12E00] =	vst v63  }
0x74: {  	s21 =	sadd.s32 s19, s12  }
0x75: {  	s21 =	sshrl.u32 s21, $0x3  }
0x76: {  	s23 =	simm.s32 $0x280;
	s21 =	sadd.s32 s25, s21  }
0x77: {  	s24 =	simm.s32 $0x10;
	s26 =	simm.s32 $0x680;
	s28 =	sadd.s32 $0x0, s21  }
.LBB2_14:
0x78: {  	[hbm4b:s28+s1] =	stream.linear.scatter [tilespmem:s23], [sflag:$0x1], $0x80, $0x38;
	[tilespmem:$0x12E00] =	vst v63  }
0x79: {  	s28 =	smov.u32 s24;
	s23 =	smov.u32 s26;
	p1 =	sne.s32 s24, $0x1F0  }
.Ltmp8:
0x7a: {  	s24 =	sadd.s32 $0x10, s24;
	(pc) =	sbr.rel @p1 .LBB2_14-.Ltmp8, $2  }
0x7b: {  	_ =	sdelay $0x2  }
0x7c: {  	s26 =	sadd.s32 $0x400, s26;
	s28 =	sadd.s32 s28, s21  }
0x7d: {  	[hbm4b:s28+s1] =	stream.linear.scatter [tilespmem:s23], [sflag:$0x1], $0x80, $0x38;
	[tilespmem:$0x12E00] =	vst v63  }
0x7e: {  	s21 =	sadd.s32 s19, s13  }
0x7f: {  	s21 =	sshrl.u32 s21, $0x3  }
0x80: {  	s23 =	simm.s32 $0x300;
	s21 =	sadd.s32 s25, s21  }
0x81: {  	s24 =	simm.s32 $0x10;
	s26 =	simm.s32 $0x700;
	s28 =	sadd.s32 $0x0, s21  }
.LBB2_16:
0x82: {  	[hbm4b:s28+s1] =	stream.linear.scatter [tilespmem:s23], [sflag:$0x1], $0x80, $0x38;
	[tilespmem:$0x12E00] =	vst v63  }
0x83: {  	s28 =	smov.u32 s24;
	s23 =	smov.u32 s26;
	p1 =	sne.s32 s24, $0x1F0  }
.Ltmp9:
0x84: {  	s24 =	sadd.s32 $0x10, s24;
	(pc) =	sbr.rel @p1 .LBB2_16-.Ltmp9, $2  }
0x85: {  	_ =	sdelay $0x2  }
0x86: {  	s26 =	sadd.s32 $0x400, s26;
	s28 =	sadd.s32 s28, s21  }
0x87: {  	[hbm4b:s28+s1] =	stream.linear.scatter [tilespmem:s23], [sflag:$0x1], $0x80, $0x38;
	[tilespmem:$0x12E00] =	vst v63  }
0x88: {  	s19 =	sadd.s32 s19, s14  }
0x89: {  	s19 =	sshrl.u32 s19, $0x3  }
0x8a: {  	s21 =	simm.s32 $0x380;
	s19 =	sadd.s32 s25, s19  }
0x8b: {  	s23 =	simm.s32 $0x10;
	s24 =	simm.s32 $0x780;
	s26 =	sadd.s32 $0x0, s19  }
.LBB2_18:
0x8c: {  	[hbm4b:s26+s1] =	stream.linear.scatter [tilespmem:s21], [sflag:$0x1], $0x80, $0x38;
	[tilespmem:$0x12E00] =	vst v63  }
0x8d: {  	s26 =	smov.u32 s23;
	s21 =	smov.u32 s24;
	p1 =	sne.s32 s23, $0x1F0  }
.Ltmp10:
0x8e: {  	s23 =	sadd.s32 $0x10, s23;
	(pc) =	sbr.rel @p1 .LBB2_18-.Ltmp10, $2  }
0x8f: {  	_ =	sdelay $0x2  }
0x90: {  	s24 =	sadd.s32 $0x400, s24;
	s26 =	sadd.s32 s26, s19  }
0x91: {  	[hbm4b:s26+s1] =	stream.linear.scatter [tilespmem:s21], [sflag:$0x1], $0x80, $0x38;
	[tilespmem:$0x12E00] =	vst v63  }
0x92: {  	_ =	swait.ge [sflag:s16], $0x1000  }
0x93: {  	[sflag:s16] =	ssyncset.done $0x0  }
0x94: {  	[sflag:s16] =	ssyncadd.s32 $0xFFFFF000  }
0x95: {  	_ =	swait.ge [sflag:s16], $0x1000  }
0x96: {  	[sflag:s16] =	ssyncset.done $0x0  }
0x97: {  	[sflag:s16] =	ssyncadd.s32 $0xFFFFF000  }
0x98: {  	_ =	swait.ge [sflag:s16], $0x1000  }
0x99: {  	[sflag:s16] =	ssyncset.done $0x0  }
0x9a: {  	[sflag:s16] =	ssyncadd.s32 $0xFFFFF000  }
0x9b: {  	_ =	swait.ge [sflag:s16], $0x1000  }
0x9c: {  	[sflag:s16] =	ssyncset.done $0x0  }
0x9d: {  	[sflag:s16] =	ssyncadd.s32 $0xFFFFF000  }
0x9e: {  	_ =	swait.ge [sflag:s16], $0x1000  }
0x9f: {  	[sflag:s16] =	ssyncset.done $0x0  }
0xa0: {  	[sflag:s16] =	ssyncadd.s32 $0xFFFFF000  }
0xa1: {  	_ =	swait.ge [sflag:s16], $0x1000  }
0xa2: {  	[sflag:s16] =	ssyncset.done $0x0  }
0xa3: {  	[sflag:s16] =	ssyncadd.s32 $0xFFFFF000  }
0xa4: {  	_ =	swait.ge [sflag:s16], $0x1000  }
.Ltmp11:
0xa5: {  	[sflag:s16] =	ssyncset.done $0x0;
	(pc) =	sbr.rel .LBB2_22-.Ltmp11, $4  }
0xa6: {  	[sflag:s16] =	ssyncadd.s32 $0xFFFFF000  }
0xa7: {  	_ =	swait.ge [sflag:s16], $0x1000  }
0xa8: {  	[sflag:s16] =	ssyncset.done $0x0  }
0xa9: {  	[sflag:s16] =	ssyncadd.s32 $0xFFFFF000  }
.LBB2_20:
0xaa: {  	p1 =	sne.s32 s19, $0xF4  }
.Ltmp12:
0xab: {  	_ = 	snop;
	(pc) =	sbr.rel @p1 .LBB2_22-.Ltmp12, $1  }
0xac: {  	_ =	sdelay $0x3  }
0xad: {  	s19 =	rddreg [dreg:$0x19]  }
0xae: {  	[tilespmem:s1], [sflag:$0x3] =	stream.linear.gather [hbm4b:s19+s1], $0x1000, $0x38;
	[tilespmem:$0x12E00] =	vst v63  }
0xaf: {  	_ =	swait.ge [sflag:s15], $0x1000  }
0xb0: {  	[sflag:s15] =	ssyncset.done $0x0  }
0xb1: {  	[sflag:s15] =	ssyncadd.s32 $0xFFFFF000  }
0xb2: {  	[hbm4b:s29+s1] =	stream.linear.scatter [tilespmem:s1], [sflag:$0x1], $0x80, $0x38;
	[tilespmem:$0x12E00] =	vst v63  }
0xb3: {  	s24 =	sadd.s32 $0x10, s29;
	s21 =	simm.s32 $0x400  }
0xb4: {  	[hbm4b:s24+s1] =	stream.linear.scatter [tilespmem:s21], [sflag:$0x1], $0x80, $0x38;
	[tilespmem:$0x12E00] =	vst v63  }
0xb5: {  	s26 =	sadd.s32 $0x20, s29;
	s28 =	simm.s32 $0x800  }
0xb6: {  	[hbm4b:s26+s1] =	stream.linear.scatter [tilespmem:s28], [sflag:$0x1], $0x80, $0x38;
	[tilespmem:$0x12E00] =	vst v63  }
0xb7: {  	s23 =	simm.s32 $0xC00;
	s21 =	sadd.s32 $0x30, s29  }
0xb8: {  	[hbm4b:s21+s1] =	stream.linear.scatter [tilespmem:s23], [sflag:$0x1], $0x80, $0x38;
	[tilespmem:$0x12E00] =	vst v63  }
0xb9: {  	s24 =	simm.s32 $0x80  }
0xba: {  	[hbm4b:s30+s1] =	stream.linear.scatter [tilespmem:s24], [sflag:$0x1], $0x80, $0x38;
	[tilespmem:$0x12E00] =	vst v63  }
0xbb: {  	s26 =	sadd.s32 $0x10, s30;
	s28 =	simm.s32 $0x480  }
0xbc: {  	[hbm4b:s26+s1] =	stream.linear.scatter [tilespmem:s28], [sflag:$0x1], $0x80, $0x38;
	[tilespmem:$0x12E00] =	vst v63  }
0xbd: {  	s23 =	sadd.s32 $0x20, s30;
	s24 =	simm.s32 $0x880  }
0xbe: {  	[hbm4b:s23+s1] =	stream.linear.scatter [tilespmem:s24], [sflag:$0x1], $0x80, $0x38;
	[tilespmem:$0x12E00] =	vst v63  }
0xbf: {  	s26 =	sadd.s32 $0x30, s30;
	s28 =	simm.s32 $0xC80  }
0xc0: {  	[hbm4b:s26+s1] =	stream.linear.scatter [tilespmem:s28], [sflag:$0x1], $0x80, $0x38;
	[tilespmem:$0x12E00] =	vst v63  }
0xc1: {  	s21 =	simm.s32 $0x100  }
0xc2: {  	[hbm4b:s31+s1] =	stream.linear.scatter [tilespmem:s21], [sflag:$0x1], $0x80, $0x38;
	[tilespmem:$0x12E00] =	vst v63  }
0xc3: {  	s23 =	sadd.s32 $0x10, s31;
	s24 =	simm.s32 $0x500  }
0xc4: {  	[hbm4b:s23+s1] =	stream.linear.scatter [tilespmem:s24], [sflag:$0x1], $0x80, $0x38;
	[tilespmem:$0x12E00] =	vst v63  }
0xc5: {  	s26 =	sadd.s32 $0x20, s31;
	s28 =	simm.s32 $0x900  }
0xc6: {  	[hbm4b:s26+s1] =	stream.linear.scatter [tilespmem:s28], [sflag:$0x1], $0x80, $0x38;
	[tilespmem:$0x12E00] =	vst v63  }
0xc7: {  	s21 =	sadd.s32 $0x30, s31;
	s23 =	simm.s32 $0xD00  }
0xc8: {  	[hbm4b:s21+s1] =	stream.linear.scatter [tilespmem:s23], [sflag:$0x1], $0x80, $0x38;
	[tilespmem:$0x12E00] =	vst v63  }
0xc9: {  	s24 =	simm.s32 $0x180  }
0xca: {  	[hbm4b:s17+s1] =	stream.linear.scatter [tilespmem:s24], [sflag:$0x1], $0x80, $0x38;
	[tilespmem:$0x12E00] =	vst v63  }
0xcb: {  	s26 =	sadd.s32 $0x10, s17;
	s28 =	simm.s32 $0x580  }
0xcc: {  	[hbm4b:s26+s1] =	stream.linear.scatter [tilespmem:s28], [sflag:$0x1], $0x80, $0x38;
	[tilespmem:$0x12E00] =	vst v63  }
0xcd: {  	s23 =	sadd.s32 $0x20, s17;
	s24 =	simm.s32 $0x980  }
0xce: {  	[hbm4b:s23+s1] =	stream.linear.scatter [tilespmem:s24], [sflag:$0x1], $0x80, $0x38;
	[tilespmem:$0x12E00] =	vst v63  }
0xcf: {  	s26 =	sadd.s32 $0x30, s17;
	s28 =	simm.s32 $0xD80  }
0xd0: {  	[hbm4b:s26+s1] =	stream.linear.scatter [tilespmem:s28], [sflag:$0x1], $0x80, $0x38;
	[tilespmem:$0x12E00] =	vst v63  }
0xd1: {  	s21 =	simm.s32 $0x200  }
0xd2: {  	[hbm4b:s2+s1] =	stream.linear.scatter [tilespmem:s21], [sflag:$0x1], $0x80, $0x38;
	[tilespmem:$0x12E00] =	vst v63  }
0xd3: {  	s23 =	sadd.s32 $0x10, s2;
	s24 =	simm.s32 $0x600  }
0xd4: {  	[hbm4b:s23+s1] =	stream.linear.scatter [tilespmem:s24], [sflag:$0x1], $0x80, $0x38;
	[tilespmem:$0x12E00] =	vst v63  }
0xd5: {  	s26 =	sadd.s32 $0x20, s2;
	s28 =	simm.s32 $0xA00  }
0xd6: {  	[hbm4b:s26+s1] =	stream.linear.scatter [tilespmem:s28], [sflag:$0x1], $0x80, $0x38;
	[tilespmem:$0x12E00] =	vst v63  }
0xd7: {  	s21 =	sadd.s32 $0x30, s2;
	s23 =	simm.s32 $0xE00  }
0xd8: {  	[hbm4b:s21+s1] =	stream.linear.scatter [tilespmem:s23], [sflag:$0x1], $0x80, $0x38;
	[tilespmem:$0x12E00] =	vst v63  }
0xd9: {  	s24 =	simm.s32 $0x280  }
0xda: {  	[hbm4b:s3+s1] =	stream.linear.scatter [tilespmem:s24], [sflag:$0x1], $0x80, $0x38;
	[tilespmem:$0x12E00] =	vst v63  }
0xdb: {  	s26 =	sadd.s32 $0x10, s3;
	s28 =	simm.s32 $0x680  }
0xdc: {  	[hbm4b:s26+s1] =	stream.linear.scatter [tilespmem:s28], [sflag:$0x1], $0x80, $0x38;
	[tilespmem:$0x12E00] =	vst v63  }
0xdd: {  	s23 =	sadd.s32 $0x20, s3;
	s24 =	simm.s32 $0xA80  }
0xde: {  	[hbm4b:s23+s1] =	stream.linear.scatter [tilespmem:s24], [sflag:$0x1], $0x80, $0x38;
	[tilespmem:$0x12E00] =	vst v63  }
0xdf: {  	s26 =	sadd.s32 $0x30, s3;
	s28 =	simm.s32 $0xE80  }
0xe0: {  	[hbm4b:s26+s1] =	stream.linear.scatter [tilespmem:s28], [sflag:$0x1], $0x80, $0x38;
	[tilespmem:$0x12E00] =	vst v63  }
0xe1: {  	s21 =	simm.s32 $0x300  }
0xe2: {  	[hbm4b:s4+s1] =	stream.linear.scatter [tilespmem:s21], [sflag:$0x1], $0x80, $0x38;
	[tilespmem:$0x12E00] =	vst v63  }
0xe3: {  	s23 =	sadd.s32 $0x10, s4;
	s24 =	simm.s32 $0x700  }
0xe4: {  	[hbm4b:s23+s1] =	stream.linear.scatter [tilespmem:s24], [sflag:$0x1], $0x80, $0x38;
	[tilespmem:$0x12E00] =	vst v63  }
0xe5: {  	s26 =	sadd.s32 $0x20, s4;
	s28 =	simm.s32 $0xB00  }
0xe6: {  	[hbm4b:s26+s1] =	stream.linear.scatter [tilespmem:s28], [sflag:$0x1], $0x80, $0x38;
	[tilespmem:$0x12E00] =	vst v63  }
0xe7: {  	s21 =	sadd.s32 $0x30, s4;
	s23 =	simm.s32 $0xF00  }
0xe8: {  	[hbm4b:s21+s1] =	stream.linear.scatter [tilespmem:s23], [sflag:$0x1], $0x80, $0x38;
	[tilespmem:$0x12E00] =	vst v63  }
0xe9: {  	s24 =	simm.s32 $0x380  }
0xea: {  	[hbm4b:s5+s1] =	stream.linear.scatter [tilespmem:s24], [sflag:$0x1], $0x80, $0x38;
	[tilespmem:$0x12E00] =	vst v63  }
0xeb: {  	s26 =	sadd.s32 $0x10, s5;
	s28 =	simm.s32 $0x780  }
0xec: {  	[hbm4b:s26+s1] =	stream.linear.scatter [tilespmem:s28], [sflag:$0x1], $0x80, $0x38;
	[tilespmem:$0x12E00] =	vst v63  }
0xed: {  	s23 =	sadd.s32 $0x20, s5;
	s24 =	simm.s32 $0xB80  }
0xee: {  	[hbm4b:s23+s1] =	stream.linear.scatter [tilespmem:s24], [sflag:$0x1], $0x80, $0x38;
	[tilespmem:$0x12E00] =	vst v63  }
0xef: {  	s26 =	sadd.s32 $0x30, s5;
	s28 =	simm.s32 $0xF80  }
0xf0: {  	[hbm4b:s26+s1] =	stream.linear.scatter [tilespmem:s28], [sflag:$0x1], $0x80, $0x38;
	[tilespmem:$0x12E00] =	vst v63  }
0xf1: {  	_ =	swait.ge [sflag:s16], $0x200  }
0xf2: {  	[sflag:s16] =	ssyncset.done $0x0  }
0xf3: {  	[sflag:s16] =	ssyncadd.s32 $0xFFFFFE00  }
0xf4: {  	_ =	swait.ge [sflag:s16], $0x200  }
0xf5: {  	[sflag:s16] =	ssyncset.done $0x0  }
0xf6: {  	[sflag:s16] =	ssyncadd.s32 $0xFFFFFE00  }
0xf7: {  	_ =	swait.ge [sflag:s16], $0x200  }
0xf8: {  	[sflag:s16] =	ssyncset.done $0x0  }
0xf9: {  	[sflag:s16] =	ssyncadd.s32 $0xFFFFFE00  }
0xfa: {  	_ =	swait.ge [sflag:s16], $0x200  }
0xfb: {  	[sflag:s16] =	ssyncset.done $0x0  }
0xfc: {  	[sflag:s16] =	ssyncadd.s32 $0xFFFFFE00  }
0xfd: {  	_ =	swait.ge [sflag:s16], $0x200  }
0xfe: {  	[sflag:s16] =	ssyncset.done $0x0  }
0xff: {  	[sflag:s16] =	ssyncadd.s32 $0xFFFFFE00  }
0x100: {  	_ =	swait.ge [sflag:s16], $0x200  }
0x101: {  	[sflag:s16] =	ssyncset.done $0x0  }
0x102: {  	[sflag:s16] =	ssyncadd.s32 $0xFFFFFE00  }
0x103: {  	_ =	swait.ge [sflag:s16], $0x200  }
.Ltmp13:
0x104: {  	[sflag:s16] =	ssyncset.done $0x0;
	(pc) =	sbr.rel .LBB2_22-.Ltmp13, $4  }
0x105: {  	[sflag:s16] =	ssyncadd.s32 $0xFFFFFE00  }
0x106: {  	_ =	swait.ge [sflag:s16], $0x200  }
0x107: {  	[sflag:s16] =	ssyncset.done $0x0  }
0x108: {  	[sflag:s16] =	ssyncadd.s32 $0xFFFFFE00  }
.LBB2_23:
0x109: {  	s9 =	simm.s32 @!p0 $0x0;
	s19 =	simm.s32 @!p0 $0x8000;
	s21 =	rddreg [dreg:$0x18]  }
0x10a: {  	[tilespmem:s19], [sflag:$0x3] =	stream.linear.gather @!p0 [hbm4b:s21+s9], $0x400, $0x38;
	[tilespmem:$0x12E00] =	vst v63  }
0x10b: {  	s19 =	simm.s32 @!p0 $0x3  }
0x10c: {  	_ =	swait.ge @!p0 [sflag:s19], $0x400  }
0x10d: {  	s21 =	sld [smem:$0x7F4]  }
0x10e: {  	[sflag:s19] =	ssyncset.done @!p0 $0x0  }
0x10f: {  	[sflag:s19] =	ssyncadd.s32 @!p0 $0xFFFFFC00;
	s19 =	rddreg [dreg:$0x1a]  }
0x110: {  	[hbm4b:s19+s9] =	stream.linear.scatter @!p0 [tilespmem:s21], [sflag:$0x1], $0x40, $0x38;
	[tilespmem:$0x12E00] =	vst v63  }
0x111: {  	s21 =	sld [smem:$0x7F5];
	_ =	sdelay $0x1  }
0x112: {  	s19 =	rddreg [dreg:$0x1b]  }
0x113: {  	[hbm4b:s19+s9] =	stream.linear.scatter @!p0 [tilespmem:s21], [sflag:$0x1], $0x40, $0x38;
	[tilespmem:$0x12E00] =	vst v63  }
0x114: {  	s21 =	sld [smem:$0x7F6];
	_ =	sdelay $0x1  }
0x115: {  	s19 =	rddreg [dreg:$0x1c]  }
0x116: {  	[hbm4b:s19+s9] =	stream.linear.scatter @!p0 [tilespmem:s21], [sflag:$0x1], $0x40, $0x38;
	[tilespmem:$0x12E00] =	vst v63  }
0x117: {  	s21 =	sld [smem:$0x7F7];
	_ =	sdelay $0x1  }
0x118: {  	s19 =	rddreg [dreg:$0x1d]  }
0x119: {  	[hbm4b:s19+s9] =	stream.linear.scatter @!p0 [tilespmem:s21], [sflag:$0x1], $0x40, $0x38;
	[tilespmem:$0x12E00] =	vst v63  }
0x11a: {  	s21 =	sld [smem:$0x7F8];
	_ =	sdelay $0x1  }
0x11b: {  	s19 =	rddreg [dreg:$0x1e]  }
0x11c: {  	[hbm4b:s19+s9] =	stream.linear.scatter @!p0 [tilespmem:s21], [sflag:$0x1], $0x40, $0x38;
	[tilespmem:$0x12E00] =	vst v63  }
0x11d: {  	s21 =	sld [smem:$0x7F9];
	_ =	sdelay $0x1  }
0x11e: {  	s19 =	rddreg [dreg:$0x1f]  }
0x11f: {  	[hbm4b:s19+s9] =	stream.linear.scatter @!p0 [tilespmem:s21], [sflag:$0x1], $0x40, $0x38;
	[tilespmem:$0x12E00] =	vst v63  }
0x120: {  	s19 =	sld [smem:$0x7F2]  }
0x121: {  	s21 =	sld [smem:$0x7FA];
	_ =	sdelay $0x2  }
0x122: {  	[hbm4b:s19+s9] =	stream.linear.scatter @!p0 [tilespmem:s21], [sflag:$0x1], $0x40, $0x38;
	[tilespmem:$0x12E00] =	vst v63  }
0x123: {  	s19 =	sld [smem:$0x7F3]  }
0x124: {  	s21 =	sld [smem:$0x7FB];
	_ =	sdelay $0x2  }
0x125: {  	[hbm4b:s19+s9] =	stream.linear.scatter @!p0 [tilespmem:s21], [sflag:$0x1], $0x40, $0x38;
	[tilespmem:$0x12E00] =	vst v63  }
0x126: {  	s9 =	simm.s32 @!p0 $0x1  }
0x127: {  	_ =	swait.ge @!p0 [sflag:s9], $0x40  }
0x128: {  	[sflag:s9] =	ssyncset.done @!p0 $0x0  }
0x129: {  	[sflag:s9] =	ssyncadd.s32 @!p0 $0xFFFFFFC0  }
0x12a: {  	_ =	swait.ge @!p0 [sflag:s9], $0x40  }
0x12b: {  	[sflag:s9] =	ssyncset.done @!p0 $0x0  }
0x12c: {  	[sflag:s9] =	ssyncadd.s32 @!p0 $0xFFFFFFC0  }
0x12d: {  	_ =	swait.ge @!p0 [sflag:s9], $0x40  }
0x12e: {  	[sflag:s9] =	ssyncset.done @!p0 $0x0  }
0x12f: {  	[sflag:s9] =	ssyncadd.s32 @!p0 $0xFFFFFFC0  }
0x130: {  	_ =	swait.ge @!p0 [sflag:s9], $0x40  }
0x131: {  	[sflag:s9] =	ssyncset.done @!p0 $0x0  }
0x132: {  	[sflag:s9] =	ssyncadd.s32 @!p0 $0xFFFFFFC0  }
0x133: {  	_ =	swait.ge @!p0 [sflag:s9], $0x40  }
0x134: {  	[sflag:s9] =	ssyncset.done @!p0 $0x0  }
0x135: {  	[sflag:s9] =	ssyncadd.s32 @!p0 $0xFFFFFFC0  }
0x136: {  	_ =	swait.ge @!p0 [sflag:s9], $0x40  }
0x137: {  	[sflag:s9] =	ssyncset.done @!p0 $0x0  }
0x138: {  	[sflag:s9] =	ssyncadd.s32 @!p0 $0xFFFFFFC0  }
0x139: {  	_ =	swait.ge @!p0 [sflag:s9], $0x40  }
0x13a: {  	[sflag:s9] =	ssyncset.done @!p0 $0x0  }
0x13b: {  	[sflag:s9] =	ssyncadd.s32 @!p0 $0xFFFFFFC0  }
0x13c: {  	s26 =	simm.s32 $0x0;
	_ =	swait.ge @!p0 [sflag:s9], $0x40  }
0x13d: {  	s28 =	sand.u32 $0x7, s26;
	[sflag:s9] =	ssyncset.done @!p0 $0x0  }
0x13e: {  	s21 =	smul.u32 $0x140, s28;
	[sflag:s9] =	ssyncadd.s32 @!p0 $0xFFFFFFC0  }
0x13f: {  	s23 =	sadd.s32 $0x0, s6;
	[bflag:$0x0] =	sbarrier.arrive $0xFFFF  }
0x140: {  	s21 =	sadd.s32 s21, s23;
	s23 =	sld [smem:$0x7FC];
	_ =	sdelay $0x1  }
0x141: {  	v2 =	vadd.s32 s21, v0  }
0x142: {  	[tilespmem:s18], [sflag:$0x3] =	stream.linear.gather [hbm4b:s23+s26], $0xA00, $0x38;
	[tilespmem:$0x12E00] =	vst v63  }
0x143: {  	_ =	swait.ge [sflag:s15], $0xA00  }
0x144: {  	[sflag:s15] =	ssyncset.done $0x0  }
0x145: {  	s24 =	simm.s32 $0x0;
	[sflag:s15] =	ssyncadd.s32 $0xFFFFF600  }
0x146: {  	s19 =	simm.s32 $0x1;
	s9 =	sand.u32 $0x7, s24;
	v2 =	vld.idx.msk [tilespmem:v2+s18+$0x0], $0xffff  }
0x147: {  	s9 =	smul.u32 $0xF4280, s9;
	s26 =	sand.u32 $0x7, s19  }
0x148: {  	s21 =	smul.u32 $0x140, s26  }
0x149: {  	s28 =	sadd.s32 $0x0, s6  }
0x14a: {  	s24 =	sadd.s32 s22, s9;
	s23 =	sadd.s32 s21, s28  }
0x14b: {  	v3 =	vadd.s32 s24, v2;
	v2 =	vadd.s32 s23, v0;
	_ =	sdelay $0x1  }
0x14c: {  	s9 =	simm.s32 $0x8E00;
	s21 =	simm.s32 $0x2  }
0x14d: {  	s24 =	sand.u32 $0x7, s21;
	s23 =	simm.s32 $0x3;
	[tilespmem:s9+$0x0] =	vst v3  }
.LBB2_24:
0x14e: {  	s26 =	sshrl.u32 s21, $0x6;
	s24 =	smul.u32 $0x140, s24  }
0x14f: {  	p1 =	sne.s32 s23, $0x27F;
	v3 =	vld.idx.msk [tilespmem:v2+s18+$0x0], $0xffff;
	s28 =	sshrl.u32 s19, $0x3;
	s26 =	sadd.s32 s6, s26  }
0x150: {  	s19 =	smov.u32 s21;
	s24 =	sadd.s32 s24, s26;
	s26 =	sand.u32 $0x7, s28  }
0x151: {  	s21 =	smov.u32 s23;
	v2 =	vadd.s32 s24, v0;
	s24 =	smul.u32 $0xF4280, s26  }
.Ltmp14:
0x152: {  	(pc) =	sbr.rel @p1 .LBB2_24-.Ltmp14, $4  }
0x153: {  	_ = 	snop  }
0x154: {  	s24 =	sadd.s32 s22, s24  }
0x155: {  	s9 =	sadd.s32 $0x10, s9;
	v3 =	vadd.s32 s24, v3  }
0x156: {  	s23 =	sadd.s32 $0x1, s23;
	s24 =	sand.u32 $0x7, s21;
	[tilespmem:s9+$0x0] =	vst v3  }
0x157: {  	_ =	sdelay $0x2  }
0x158: {  	s23 =	sshrl.u32 s21, $0x6;
	s24 =	smul.u32 $0x140, s24  }
0x159: {  	v2 =	vld.idx.msk [tilespmem:v2+s18+$0x0], $0xffff;
	s19 =	sshrl.u32 s19, $0x3;
	s23 =	sadd.s32 s6, s23  }
0x15a: {  	s19 =	sand.u32 $0x7, s19;
	s23 =	sadd.s32 s24, s23  }
0x15b: {  	s19 =	smul.u32 $0xF4280, s19;
	v3 =	vadd.s32 s23, v0;
	_ =	sdelay $0x1  }
0x15c: {  	s19 =	sadd.s32 s22, s19  }
0x15d: {  	s9 =	sadd.s32 $0x10, s9;
	v2 =	vadd.s32 s19, v2  }
0x15e: {  	[tilespmem:s9+$0x0] =	vst v2  }
0x15f: {  	s21 =	sshrl.u32 s21, $0x3;
	v2 =	vld.idx.msk [tilespmem:v3+s18+$0x0], $0xffff  }
0x160: {  	s19 =	sand.u32 $0x7, s21  }
0x161: {  	s19 =	smul.u32 $0xF4280, s19;
	_ =	sdelay $0x1  }
0x162: {  	s19 =	sadd.s32 s22, s19  }
0x163: {  	s9 =	sadd.s32 $0x10, s9;
	v2 =	vadd.s32 s19, v2  }
0x164: {  	s26 =	simm.s32 $0xB600;
	s24 =	simm.s32 $0x8E00;
	s23 =	simm.s32 $0x2800;
	[tilespmem:s9+$0x0] =	vst v2  }
0x165: {  	[tilespmem:s26], [sflag:$0x2] =	stream.indirect.gather [hbm4b:s25+s23], $0x1, s24, s23, $0xb8;
	[tilespmem:$0x12E00] =	vst v63  }
0x166: {  	_ =	swait.ge [sflag:s20], $0x2800  }
0x167: {  	[sflag:s20] =	ssyncset.done $0x0  }
0x168: {  	s9 =	simm.s32 $0x0;
	[sflag:s20] =	ssyncadd.s32 $0xFFFFD800  }
0x169: {  	v2 =	vld [tilespmem:s9+$0xB600];
	_ =	sdelay $0x4  }
0x16a: {  	v3 =	vand.u32 $0x7FFFFFFF, v2  }
0x16b: {  	v3 =	vmul.f32 $-2.000000000e+00, v3;
	_ =	sdelay $0x1  }
0x16c: {  	v3 =	vmul.f32 $1.442695020e+00, v3;
	_ =	sdelay $0x1  }
0x16d: {  	(erf) = vpow2.f32 v3;
	_ =	sdelay $0x2  }
0x16e: {  	s24 =	simm.s32 $0x10  }
0x16f: {  	v3 =	vld [tilespmem:s24+$0xB600];
	_ =	sdelay $0x4  }
0x170: {  	v5 =	vand.u32 $0x7FFFFFFF, v3;
	v4 =	vpop (erf)  }
0x171: {  	v5 =	vmul.f32 $-2.000000000e+00, v5;
	v6 =	vadd.f32 $1.000000000e+00, v4;
	_ =	sdelay $0x1  }
0x172: {  	v5 =	vmul.f32 $1.442695020e+00, v5;
	(erf) = vrcp.f32 v6;
	_ =	sdelay $0x1  }
0x173: {  	(erf) = vpow2.f32 v5;
	_ =	sdelay $0x3  }
0x174: {  	s26 =	simm.s32 $0x20  }
0x175: {  	v5 =	vld [tilespmem:s26+$0xB600]  }
0x176: {  	v4 =	vsub.f32 $1.000000000e+00, v4  }
0x177: {  	vm0 =	vlt.f32 v2, $0.0e+00;
	vm1 =	vgt.f32 v2, $0.0e+00;
	v6 =	vand.u32 $0x80000000, v2;
	v7 =	vpop (erf)  }
0x178: {  	vm0 =	vmor vm1, vm0;
	v6 =	vor.u32 v6, v1;
	v4 =	vmul.f32 v7, v4  }
0x179: {  	v2 =	vsel vm0, v6, v2;
	v7 =	vpop (erf)  }
0x17a: {  	v8 =	vmul.f32 v4, v2;
	v2 =	vand.u32 $0x7FFFFFFF, v5;
	v4 =	vadd.f32 $1.000000000e+00, v7  }
0x17b: {  	v2 =	vmul.f32 $-2.000000000e+00, v2  }
0x17c: {  	v10 =	vmul.f32 v8, v8;
	(erf) = vrcp.f32 v4  }
0x17d: {  	v2 =	vmul.f32 $1.442695020e+00, v2  }
0x17e: {  	v4 =	vmul.f32 $-8.916972720e-05, v10  }
0x17f: {  	(erf) = vpow2.f32 v2  }
0x180: {  	v2 =	vadd.f32 $1.905911950e-03, v4;
	_ =	sdelay $0x1  }
0x181: {  	s21 =	simm.s32 $0x30;
	v2 =	vmul.f32 v2, v10  }
0x182: {  	v9 =	vand.u32 $0x80000000, v3;
	v6 =	vld [tilespmem:s21+$0xB600];
	v4 =	vmul.f32 $3.929650700e-04, v10  }
0x183: {  	vm12 =	vlt.f32 v3, $0.0e+00;
	v7 =	vsub.f32 $1.000000000e+00, v7;
	v2 =	vadd.f32 $-2.578785460e-02, v2  }
0x184: {  	vm13 =	vgt.f32 v3, $0.0e+00;
	v9 =	vor.u32 v9, v1;
	v4 =	vadd.f32 $-7.267320520e-03, v4;
	v11 =	vpop (erf)  }
0x185: {  	vm0 =	vmor vm13, vm12;
	v2 =	vmul.f32 v2, v10;
	v7 =	vmul.f32 v11, v7  }
0x186: {  	v3 =	vsel vm0, v9, v3;
	v4 =	vmul.f32 v4, v10  }
0x187: {  	v9 =	vadd.f32 $2.353221330e-01, v2;
	v12 =	vpop (erf);
	v2 =	vmul.f32 v7, v3;
	v3 =	vand.u32 $0x7FFFFFFF, v6  }
0x188: {  	v7 =	vadd.f32 $1.000000000e+00, v12;
	v3 =	vmul.f32 $-2.000000000e+00, v3  }
0x189: {  	v11 =	vadd.f32 $8.207128940e-02, v4;
	v9 =	vmul.f32 v9, v10;
	v4 =	vmul.f32 v2, v2  }
0x18a: {  	(erf) = vrcp.f32 v7;
	v3 =	vmul.f32 $1.442695020e+00, v3  }
0x18b: {  	v7 =	vadd.f32 $-1.335260750e+00, v9;
	v9 =	vmul.f32 v11, v10;
	v11 =	vmul.f32 $-8.916972720e-05, v4  }
0x18c: {  	v13 =	vmul.f32 $3.929650700e-04, v4  }
0x18d: {  	(erf) = vpow2.f32 v3;
	v7 =	vmul.f32 v7, v10;
	v3 =	vadd.f32 $1.905911950e-03, v11  }
0x18e: {  	v9 =	vadd.f32 $-5.992355940e-01, v9  }
0x18f: {  	v11 =	vadd.f32 $-7.267320520e-03, v13;
	v7 =	vadd.f32 $4.058712010e+00, v7;
	v3 =	vmul.f32 v3, v4  }
0x190: {  	s23 =	simm.s32 $0x40;
	vm14 =	vlt.f32 v5, $0.0e+00;
	vm15 =	vgt.f32 v5, $0.0e+00;
	v9 =	vmul.f32 v9, v10  }
0x191: {  	v11 =	vmul.f32 v11, v4;
	v13 =	vmul.f32 v7, v10;
	v3 =	vadd.f32 $-2.578785460e-02, v3;
	v7 =	vld [tilespmem:s23+$0xB600]  }
0x192: {  	v12 =	vsub.f32 $1.000000000e+00, v12;
	v14 =	vadd.f32 $2.550158260e+00, v9;
	v9 =	vand.u32 $0x80000000, v5  }
0x193: {  	v11 =	vadd.f32 $8.207128940e-02, v11;
	v9 =	vor.u32 v9, v1;
	v15 =	vpop (erf);
	v3 =	vmul.f32 v3, v4  }
0x194: {  	vm0 =	vmor vm15, vm14;
	v13 =	vadd.f32 $-4.934802060e+00, v13;
	v12 =	vmul.f32 v15, v12  }
0x195: {  	v5 =	vsel vm0, v9, v5;
	v11 =	vmul.f32 v11, v4;
	v15 =	vadd.f32 $2.353221330e-01, v3  }
0x196: {  	v9 =	vpop (erf);
	v3 =	vmul.f32 v12, v5;
	v12 =	vmul.f32 v14, v10;
	v5 =	vand.u32 $0x7FFFFFFF, v7  }
0x197: {  	v14 =	vadd.f32 $1.000000000e+00, v9;
	v15 =	vmul.f32 v15, v4;
	v16 =	vmul.f32 $-2.000000000e+00, v5  }
0x198: {  	v13 =	vmul.f32 v13, v10;
	v5 =	vmul.f32 v3, v3;
	v12 =	vadd.f32 $-5.167712210e+00, v12  }
0x199: {  	(erf) = vrcp.f32 v14;
	v14 =	vadd.f32 $-1.335260750e+00, v15;
	v16 =	vmul.f32 $1.442695020e+00, v16  }
0x19a: {  	v15 =	vmul.f32 $-8.916972720e-05, v5;
	v10 =	vmul.f32 v12, v10  }
0x19b: {  	v11 =	vadd.f32 $-5.992355940e-01, v11;
	v12 =	vmul.f32 $3.929650700e-04, v5;
	v14 =	vmul.f32 v14, v4  }
0x19c: {  	(erf) = vpow2.f32 v16;
	v15 =	vadd.f32 $1.905911950e-03, v15  }
0x19d: {  	v11 =	vmul.f32 v11, v4;
	v12 =	vadd.f32 $-7.267320520e-03, v12;
	v14 =	vadd.f32 $4.058712010e+00, v14  }
0x19e: {  	v13 =	vadd.f32 $1.000000000e+00, v13;
	v63 =	vadd.f32 $3.141592740e+00, v10;
	v15 =	vmul.f32 v15, v5  }
0x19f: {  	v11 =	vadd.f32 $2.550158260e+00, v11;
	v10 =	vmul.f32 v12, v5;
	v12 =	vmul.f32 v14, v4  }
0x1a0: {  	s28 =	simm.s32 $0x180;
	s19 =	simm.s32 $0x50;
	[tilespmem:s9+$0xDE00] =	vst v13;
	v8 =	vmul.f32 v63, v8;
	v14 =	vand.u32 $0x80000000, v6;
	v13 =	vadd.f32 $-2.578785460e-02, v15  }
.LBB2_26:
0x1a1: {  	p1 =	sne.s32 s28, $0x9FC0;
	v15 =	vld [tilespmem:s19+$0xB600];
	vm0 =	vlt.f32 v6, $0.0e+00;
	v9 =	vsub.f32 $1.000000000e+00, v9;
	v12 =	vadd.f32 $-4.934802060e+00, v12  }
0x1a2: {  	v14 =	vor.u32 v14, v1;
	vm1 =	vgt.f32 v6, $0.0e+00;
	v16 =	vpop (erf);
	v13 =	vmul.f32 v13, v5;
	[tilespmem:s9+$0x10600] =	vst v8;
	s9 =	smov.u32 s24;
	s24 =	smov.u32 s26;
	s26 =	smov.u32 s21  }
0x1a3: {  	vm0 =	vmor vm1, vm0;
	s21 =	smov.u32 s23;
	s23 =	smov.u32 s19;
	v8 =	vmul.f32 v16, v9;
	v12 =	vmul.f32 v12, v4  }
0x1a4: {  	v10 =	vadd.f32 $8.207128940e-02, v10;
	v14 =	vsel vm0, v14, v6;
	v6 =	vmovc v7;
	v13 =	vadd.f32 $2.353221330e-01, v13  }
0x1a5: {  	v11 =	vmul.f32 v11, v4;
	v9 =	vpop (erf);
	v16 =	vmul.f32 v8, v14;
	v8 =	vadd.f32 $1.000000000e+00, v12  }
0x1a6: {  	v12 =	vand.u32 $0x7FFFFFFF, v15;
	v14 =	vadd.f32 $1.000000000e+00, v9;
	v13 =	vmul.f32 v13, v5;
	v7 =	vmovc v15  }
0x1a7: {  	v11 =	vadd.f32 $-5.167712210e+00, v11;
	v12 =	vmul.f32 $-2.000000000e+00, v12;
	v15 =	vmul.f32 v16, v16;
	[tilespmem:s9+$0xDE00] =	vst v8  }
0x1a8: {  	v10 =	vmul.f32 v10, v5;
	(erf) = vrcp.f32 v14;
	v8 =	vadd.f32 $-1.335260750e+00, v13  }
0x1a9: {  	v12 =	vmul.f32 $1.442695020e+00, v12;
	v13 =	vmul.f32 $-8.916972720e-05, v15  }
0x1aa: {  	v10 =	vadd.f32 $-5.992355940e-01, v10;
	v14 =	vmul.f32 $3.929650700e-04, v15;
	v8 =	vmul.f32 v8, v5  }
.Ltmp15:
0x1ab: {  	v11 =	vmul.f32 v11, v4;
	v4 =	vmovc v5;
	v5 =	vmovc v15;
	(erf) = vpow2.f32 v12;
	v12 =	vadd.f32 $1.905911950e-03, v13;
	(pc) =	sbr.rel @p1 .LBB2_26-.Ltmp15, $4  }
0x1ac: {  	v13 =	vadd.f32 $-7.267320520e-03, v14;
	v14 =	vmul.f32 v10, v4;
	v8 =	vadd.f32 $4.058712010e+00, v8  }
0x1ad: {  	v17 =	vadd.f32 $3.141592740e+00, v11;
	v15 =	vmul.f32 v12, v5  }
0x1ae: {  	v10 =	vmul.f32 v13, v5;
	v11 =	vadd.f32 $2.550158260e+00, v14;
	v12 =	vmul.f32 v8, v4  }
0x1af: {  	s19 =	sshra.s32 s28, $0x2;
	s28 =	sadd.s32 $0x40, s28;
	v14 =	vand.u32 $0x80000000, v6;
	v8 =	vmul.f32 v17, v2;
	v2 =	vmovc v3;
	v3 =	vmovc v16;
	v13 =	vadd.f32 $-2.578785460e-02, v15  }
0x1b0: {  	v15 =	vld [tilespmem:s19+$0xB600];
	_ =	sdelay $0x4  }
0x1b1: {  	v16 =	vpop (erf);
	v17 =	vand.u32 $0x7FFFFFFF, v15  }
0x1b2: {  	v18 =	vpop (erf);
	v17 =	vmul.f32 $-2.000000000e+00, v17  }
0x1b3: {  	v19 =	vadd.f32 $1.000000000e+00, v18  }
0x1b4: {  	v17 =	vmul.f32 $1.442695020e+00, v17  }
0x1b5: {  	(erf) = vrcp.f32 v19  }
0x1b6: {  	(erf) = vpow2.f32 v17;
	_ =	sdelay $0x4  }
0x1b7: {  	vm0 =	vlt.f32 v6, $0.0e+00  }
0x1b8: {  	v9 =	vsub.f32 $1.000000000e+00, v9;
	vm1 =	vgt.f32 v6, $0.0e+00;
	v14 =	vor.u32 v14, v1  }
0x1b9: {  	v12 =	vadd.f32 $-4.934802060e+00, v12;
	v29 =	vmul.f32 v11, v4;
	v10 =	vadd.f32 $8.207128940e-02, v10  }
0x1ba: {  	vm12 =	vlt.f32 v7, $0.0e+00;
	vm13 =	vgt.f32 v7, $0.0e+00;
	v34 =	vand.u32 $0x80000000, v7;
	v25 =	vpop (erf)  }
0x1bb: {  	vm0 =	vmor vm1, vm0;
	v13 =	vmul.f32 v13, v5;
	v9 =	vmul.f32 v16, v9;
	v26 =	vpop (erf)  }
0x1bc: {  	v27 =	vsel vm0, v14, v6;
	v10 =	vmul.f32 v10, v5;
	v28 =	vadd.f32 $1.000000000e+00, v26  }
0x1bd: {  	vm0 =	vmor vm13, vm12;
	v13 =	vadd.f32 $2.353221330e-01, v13;
	v6 =	vmul.f32 v9, v27  }
0x1be: {  	v9 =	vadd.f32 $-5.167712210e+00, v29;
	v10 =	vadd.f32 $-5.992355940e-01, v10;
	(erf) = vrcp.f32 v28  }
0x1bf: {  	v31 =	vmul.f32 v13, v5;
	v33 =	vsub.f32 $1.000000000e+00, v18;
	v18 =	vor.u32 v34, v1  }
0x1c0: {  	vm14 =	vlt.f32 v15, $0.0e+00;
	vm15 =	vgt.f32 v15, $0.0e+00;
	v43 =	vand.u32 $0x80000000, v15  }
0x1c1: {  	v32 =	vmul.f32 v6, v6;
	v10 =	vmul.f32 v10, v5;
	v39 =	vadd.f32 $-1.335260750e+00, v31  }
0x1c2: {  	v36 =	vsel vm0, v18, v7;
	v38 =	vmul.f32 v9, v4;
	vm0 =	vmor vm15, vm14  }
0x1c3: {  	v16 =	vor.u32 v43, v1;
	v10 =	vadd.f32 $2.550158260e+00, v10;
	v9 =	vmul.f32 v39, v5  }
0x1c4: {  	v30 =	vmul.f32 v12, v4;
	v15 =	vsel vm0, v16, v15  }
0x1c5: {  	v35 =	vmul.f32 $-8.916972720e-05, v32;
	v10 =	vmul.f32 v10, v5;
	v9 =	vadd.f32 $4.058712010e+00, v9  }
0x1c6: {  	v37 =	vmul.f32 $3.929650700e-04, v32;
	v14 =	vmul.f32 v25, v33;
	v40 =	vsub.f32 $1.000000000e+00, v26  }
0x1c7: {  	v4 =	vadd.f32 $3.141592740e+00, v38;
	v10 =	vadd.f32 $-5.167712210e+00, v10;
	v9 =	vmul.f32 v9, v5;
	v42 =	vpop (erf)  }
0x1c8: {  	v44 =	vadd.f32 $-7.267320520e-03, v37;
	v7 =	vmul.f32 v14, v36;
	v12 =	vmul.f32 v42, v40  }
0x1c9: {  	v2 =	vmul.f32 v4, v2;
	v10 =	vmul.f32 v10, v5;
	v9 =	vadd.f32 $-4.934802060e+00, v9  }
0x1ca: {  	v45 =	vmul.f32 v7, v7;
	v12 =	vmul.f32 v12, v15  }
0x1cb: {  	v46 =	vmul.f32 v44, v32;
	v10 =	vadd.f32 $3.141592740e+00, v10;
	v51 =	vmul.f32 v9, v5  }
0x1cc: {  	v41 =	vadd.f32 $1.905911950e-03, v35;
	v47 =	vmul.f32 $-8.916972720e-05, v45;
	v48 =	vmul.f32 v12, v12  }
0x1cd: {  	v11 =	vadd.f32 $1.000000000e+00, v30;
	v3 =	vmul.f32 v10, v3;
	v52 =	vmul.f32 $3.929650700e-04, v45  }
0x1ce: {  	v14 =	vmul.f32 v41, v32;
	v49 =	vadd.f32 $1.905911950e-03, v47;
	v50 =	vmul.f32 $-8.916972720e-05, v48  }
0x1cf: {  	v5 =	vadd.f32 $1.000000000e+00, v51;
	v9 =	vadd.f32 $-7.267320520e-03, v52;
	v53 =	vmul.f32 $3.929650700e-04, v48  }
0x1d0: {  	v14 =	vadd.f32 $-2.578785460e-02, v14;
	v4 =	vmul.f32 v49, v45;
	v17 =	vadd.f32 $1.905911950e-03, v50  }
0x1d1: {  	v9 =	vmul.f32 v9, v45;
	v15 =	vadd.f32 $8.207128940e-02, v46;
	v10 =	vadd.f32 $-7.267320520e-03, v53  }
0x1d2: {  	v14 =	vmul.f32 v14, v32;
	v4 =	vadd.f32 $-2.578785460e-02, v4;
	v17 =	vmul.f32 v17, v48  }
0x1d3: {  	v9 =	vadd.f32 $8.207128940e-02, v9;
	v15 =	vmul.f32 v15, v32;
	v10 =	vmul.f32 v10, v48  }
0x1d4: {  	v14 =	vadd.f32 $2.353221330e-01, v14;
	v4 =	vmul.f32 v4, v45;
	v17 =	vadd.f32 $-2.578785460e-02, v17  }
0x1d5: {  	v9 =	vmul.f32 v9, v45;
	v15 =	vadd.f32 $-5.992355940e-01, v15;
	v10 =	vadd.f32 $8.207128940e-02, v10  }
0x1d6: {  	v14 =	vmul.f32 v14, v32;
	v4 =	vadd.f32 $2.353221330e-01, v4;
	v17 =	vmul.f32 v17, v48  }
0x1d7: {  	v9 =	vadd.f32 $-5.992355940e-01, v9;
	v15 =	vmul.f32 v15, v32;
	v10 =	vmul.f32 v10, v48  }
0x1d8: {  	v14 =	vadd.f32 $-1.335260750e+00, v14;
	v4 =	vmul.f32 v4, v45;
	v17 =	vadd.f32 $2.353221330e-01, v17  }
0x1d9: {  	v9 =	vmul.f32 v9, v45;
	v15 =	vadd.f32 $2.550158260e+00, v15;
	v10 =	vadd.f32 $-5.992355940e-01, v10  }
0x1da: {  	v14 =	vmul.f32 v14, v32;
	v4 =	vadd.f32 $-1.335260750e+00, v4;
	v17 =	vmul.f32 v17, v48  }
0x1db: {  	v9 =	vadd.f32 $2.550158260e+00, v9;
	v15 =	vmul.f32 v15, v32;
	v10 =	vmul.f32 v10, v48  }
0x1dc: {  	v14 =	vadd.f32 $4.058712010e+00, v14;
	v4 =	vmul.f32 v4, v45;
	v17 =	vadd.f32 $-1.335260750e+00, v17  }
0x1dd: {  	v9 =	vmul.f32 v9, v45;
	v15 =	vadd.f32 $-5.167712210e+00, v15;
	v10 =	vadd.f32 $2.550158260e+00, v10  }
0x1de: {  	v14 =	vmul.f32 v14, v32;
	v4 =	vadd.f32 $4.058712010e+00, v4;
	v17 =	vmul.f32 v17, v48  }
0x1df: {  	v9 =	vadd.f32 $-5.167712210e+00, v9;
	v54 =	vmul.f32 v15, v32;
	v10 =	vmul.f32 v10, v48  }
0x1e0: {  	[tilespmem:s9+$0x10600] =	vst v8;
	v14 =	vadd.f32 $-4.934802060e+00, v14;
	v4 =	vmul.f32 v4, v45;
	v17 =	vadd.f32 $4.058712010e+00, v17  }
0x1e1: {  	[tilespmem:s24+$0x10600] =	vst v2;
	v57 =	vmul.f32 v9, v45;
	v2 =	vadd.f32 $3.141592740e+00, v54;
	v58 =	vadd.f32 $-5.167712210e+00, v10  }
0x1e2: {  	[tilespmem:s24+$0xDE00] =	vst v11;
	v55 =	vmul.f32 v14, v32;
	v4 =	vadd.f32 $-4.934802060e+00, v4;
	v56 =	vmul.f32 v17, v48  }
0x1e3: {  	[tilespmem:s26+$0x10600] =	vst v3;
	v3 =	vadd.f32 $3.141592740e+00, v57;
	v2 =	vmul.f32 v2, v6;
	v61 =	vmul.f32 v58, v48  }
0x1e4: {  	[tilespmem:s26+$0xDE00] =	vst v5;
	v59 =	vadd.f32 $1.000000000e+00, v55;
	v4 =	vmul.f32 v4, v45;
	v60 =	vadd.f32 $-4.934802060e+00, v56  }
0x1e5: {  	[tilespmem:s21+$0x10600] =	vst v2;
	v2 =	vmul.f32 v3, v7;
	v3 =	vadd.f32 $3.141592740e+00, v61  }
0x1e6: {  	[tilespmem:s21+$0xDE00] =	vst v59;
	v4 =	vadd.f32 $1.000000000e+00, v4;
	v62 =	vmul.f32 v60, v48  }
0x1e7: {  	[tilespmem:s23+$0x10600] =	vst v2;
	v2 =	vmul.f32 v3, v12  }
0x1e8: {  	[tilespmem:s23+$0xDE00] =	vst v4;
	v63 =	vadd.f32 $1.000000000e+00, v62  }
0x1e9: {  	[tilespmem:s19+$0x10600] =	vst v2  }
0x1ea: {  	s21 =	simm.s32 $0xDE00;
	[tilespmem:s19+$0xDE00] =	vst v63;
	s19 =	rddreg [dreg:$0x14]  }
0x1eb: {  	[hbm4b:s19+s1] =	stream.linear.scatter [tilespmem:s21], [sflag:$0x2], $0x400, $0x38;
	[tilespmem:$0x12E00] =	vst v63  }
0x1ec: {  	s24 =	simm.s32 $0x10600;
	s23 =	rddreg [dreg:$0x15]  }
0x1ed: {  	[hbm4b:s23+s1] =	stream.linear.scatter [tilespmem:s24], [sflag:$0x2], $0x400, $0x38;
	[tilespmem:$0x12E00] =	vst v63  }
0x1ee: {  	s28 =	simm.s32 $0xE200;
	s26 =	rddreg [dreg:$0x4]  }
0x1ef: {  	[hbm4b:s26+s1] =	stream.linear.scatter [tilespmem:s28], [sflag:$0x2], $0x400, $0x38;
	[tilespmem:$0x12E00] =	vst v63  }
0x1f0: {  	s19 =	rddreg [dreg:$0x5];
	s21 =	simm.s32 $0x10A00  }
0x1f1: {  	[hbm4b:s19+s1] =	stream.linear.scatter [tilespmem:s21], [sflag:$0x2], $0x400, $0x38;
	[tilespmem:$0x12E00] =	vst v63  }
0x1f2: {  	s23 =	rddreg [dreg:$0x6];
	s24 =	simm.s32 $0xE600  }
0x1f3: {  	[hbm4b:s23+s1] =	stream.linear.scatter [tilespmem:s24], [sflag:$0x2], $0x400, $0x38;
	[tilespmem:$0x12E00] =	vst v63  }
0x1f4: {  	s26 =	rddreg [dreg:$0x7];
	s28 =	simm.s32 $0x10E00  }
0x1f5: {  	[hbm4b:s26+s1] =	stream.linear.scatter [tilespmem:s28], [sflag:$0x2], $0x400, $0x38;
	[tilespmem:$0x12E00] =	vst v63  }
0x1f6: {  	s19 =	rddreg [dreg:$0x8];
	s21 =	simm.s32 $0xEA00  }
0x1f7: {  	[hbm4b:s19+s1] =	stream.linear.scatter [tilespmem:s21], [sflag:$0x2], $0x400, $0x38;
	[tilespmem:$0x12E00] =	vst v63  }
0x1f8: {  	s23 =	rddreg [dreg:$0x9];
	s24 =	simm.s32 $0x11200  }
0x1f9: {  	[hbm4b:s23+s1] =	stream.linear.scatter [tilespmem:s24], [sflag:$0x2], $0x400, $0x38;
	[tilespmem:$0x12E00] =	vst v63  }
0x1fa: {  	s26 =	rddreg [dreg:$0xa];
	s28 =	simm.s32 $0xEE00  }
0x1fb: {  	[hbm4b:s26+s1] =	stream.linear.scatter [tilespmem:s28], [sflag:$0x2], $0x400, $0x38;
	[tilespmem:$0x12E00] =	vst v63  }
0x1fc: {  	s19 =	rddreg [dreg:$0xb];
	s21 =	simm.s32 $0x11600  }
0x1fd: {  	[hbm4b:s19+s1] =	stream.linear.scatter [tilespmem:s21], [sflag:$0x2], $0x400, $0x38;
	[tilespmem:$0x12E00] =	vst v63  }
0x1fe: {  	s23 =	rddreg [dreg:$0xc];
	s24 =	simm.s32 $0xF200  }
0x1ff: {  	[hbm4b:s23+s1] =	stream.linear.scatter [tilespmem:s24], [sflag:$0x2], $0x400, $0x38;
	[tilespmem:$0x12E00] =	vst v63  }
0x200: {  	s26 =	rddreg [dreg:$0xd];
	s28 =	simm.s32 $0x11A00  }
0x201: {  	[hbm4b:s26+s1] =	stream.linear.scatter [tilespmem:s28], [sflag:$0x2], $0x400, $0x38;
	[tilespmem:$0x12E00] =	vst v63  }
0x202: {  	s19 =	rddreg [dreg:$0xe];
	s21 =	simm.s32 $0xF600  }
0x203: {  	[hbm4b:s19+s1] =	stream.linear.scatter [tilespmem:s21], [sflag:$0x2], $0x400, $0x38;
	[tilespmem:$0x12E00] =	vst v63  }
0x204: {  	s23 =	rddreg [dreg:$0xf];
	s24 =	simm.s32 $0x11E00  }
0x205: {  	[hbm4b:s23+s1] =	stream.linear.scatter [tilespmem:s24], [sflag:$0x2], $0x400, $0x38;
	[tilespmem:$0x12E00] =	vst v63  }
0x206: {  	s26 =	rddreg [dreg:$0x10];
	s28 =	simm.s32 $0xFA00  }
0x207: {  	[hbm4b:s26+s1] =	stream.linear.scatter [tilespmem:s28], [sflag:$0x2], $0x400, $0x38;
	[tilespmem:$0x12E00] =	vst v63  }
0x208: {  	s19 =	rddreg [dreg:$0x11];
	s21 =	simm.s32 $0x12200  }
0x209: {  	[hbm4b:s19+s1] =	stream.linear.scatter [tilespmem:s21], [sflag:$0x2], $0x400, $0x38;
	[tilespmem:$0x12E00] =	vst v63  }
0x20a: {  	s23 =	rddreg [dreg:$0x12];
	s24 =	simm.s32 $0xFE00  }
0x20b: {  	[hbm4b:s23+s1] =	stream.linear.scatter [tilespmem:s24], [sflag:$0x2], $0x400, $0x38;
	[tilespmem:$0x12E00] =	vst v63  }
0x20c: {  	s26 =	rddreg [dreg:$0x13];
	s28 =	simm.s32 $0x12600  }
0x20d: {  	[hbm4b:s26+s1] =	stream.linear.scatter [tilespmem:s28], [sflag:$0x2], $0x400, $0x38;
	[tilespmem:$0x12E00] =	vst v63  }
0x20e: {  	s19 =	rddreg [dreg:$0x16];
	s21 =	simm.s32 $0x10200  }
0x20f: {  	[hbm4b:s19+s1] =	stream.linear.scatter [tilespmem:s21], [sflag:$0x2], $0x400, $0x38;
	[tilespmem:$0x12E00] =	vst v63  }
0x210: {  	s23 =	rddreg [dreg:$0x17];
	s24 =	simm.s32 $0x12A00  }
0x211: {  	[hbm4b:s23+s1] =	stream.linear.scatter [tilespmem:s24], [sflag:$0x2], $0x400, $0x38;
	[tilespmem:$0x12E00] =	vst v63  }
0x212: {  	_ =	swait.ge [sflag:s20], $0x400  }
0x213: {  	[sflag:s20] =	ssyncset.done $0x0  }
0x214: {  	[sflag:s20] =	ssyncadd.s32 $0xFFFFFC00  }
0x215: {  	_ =	swait.ge [sflag:s20], $0x400  }
0x216: {  	[sflag:s20] =	ssyncset.done $0x0  }
0x217: {  	[sflag:s20] =	ssyncadd.s32 $0xFFFFFC00  }
0x218: {  	_ =	swait.ge [sflag:s20], $0x400  }
0x219: {  	[sflag:s20] =	ssyncset.done $0x0  }
0x21a: {  	[sflag:s20] =	ssyncadd.s32 $0xFFFFFC00  }
0x21b: {  	_ =	swait.ge [sflag:s20], $0x400  }
0x21c: {  	[sflag:s20] =	ssyncset.done $0x0  }
0x21d: {  	[sflag:s20] =	ssyncadd.s32 $0xFFFFFC00  }
0x21e: {  	_ =	swait.ge [sflag:s20], $0x400  }
0x21f: {  	[sflag:s20] =	ssyncset.done $0x0  }
0x220: {  	[sflag:s20] =	ssyncadd.s32 $0xFFFFFC00  }
0x221: {  	_ =	swait.ge [sflag:s20], $0x400  }
0x222: {  	[sflag:s20] =	ssyncset.done $0x0  }
0x223: {  	[sflag:s20] =	ssyncadd.s32 $0xFFFFFC00  }
0x224: {  	_ =	swait.ge [sflag:s20], $0x400  }
0x225: {  	[sflag:s20] =	ssyncset.done $0x0  }
0x226: {  	[sflag:s20] =	ssyncadd.s32 $0xFFFFFC00  }
0x227: {  	_ =	swait.ge [sflag:s20], $0x400  }
0x228: {  	[sflag:s20] =	ssyncset.done $0x0  }
0x229: {  	[sflag:s20] =	ssyncadd.s32 $0xFFFFFC00  }
0x22a: {  	_ =	swait.ge [sflag:s20], $0x400  }
0x22b: {  	[sflag:s20] =	ssyncset.done $0x0  }
0x22c: {  	[sflag:s20] =	ssyncadd.s32 $0xFFFFFC00  }
0x22d: {  	_ =	swait.ge [sflag:s20], $0x400  }
0x22e: {  	[sflag:s20] =	ssyncset.done $0x0  }
0x22f: {  	[sflag:s20] =	ssyncadd.s32 $0xFFFFFC00  }
0x230: {  	_ =	swait.ge [sflag:s20], $0x400  }
0x231: {  	[sflag:s20] =	ssyncset.done $0x0  }
0x232: {  	[sflag:s20] =	ssyncadd.s32 $0xFFFFFC00  }
0x233: {  	_ =	swait.ge [sflag:s20], $0x400  }
0x234: {  	[sflag:s20] =	ssyncset.done $0x0  }
0x235: {  	[sflag:s20] =	ssyncadd.s32 $0xFFFFFC00  }
0x236: {  	_ =	swait.ge [sflag:s20], $0x400  }
0x237: {  	[sflag:s20] =	ssyncset.done $0x0  }
0x238: {  	[sflag:s20] =	ssyncadd.s32 $0xFFFFFC00  }
0x239: {  	_ =	swait.ge [sflag:s20], $0x400  }
0x23a: {  	[sflag:s20] =	ssyncset.done $0x0  }
0x23b: {  	[sflag:s20] =	ssyncadd.s32 $0xFFFFFC00  }
0x23c: {  	_ =	swait.ge [sflag:s20], $0x400  }
0x23d: {  	[sflag:s20] =	ssyncset.done $0x0  }
0x23e: {  	[sflag:s20] =	ssyncadd.s32 $0xFFFFFC00  }
0x23f: {  	_ =	swait.ge [sflag:s20], $0x400  }
0x240: {  	[sflag:s20] =	ssyncset.done $0x0  }
0x241: {  	[sflag:s20] =	ssyncadd.s32 $0xFFFFFC00  }
0x242: {  	_ =	swait.ge [sflag:s20], $0x400  }
0x243: {  	[sflag:s20] =	ssyncset.done $0x0  }
0x244: {  	[sflag:s20] =	ssyncadd.s32 $0xFFFFFC00  }
0x245: {  	_ =	swait.ge [sflag:s20], $0x400  }
0x246: {  	[sflag:s20] =	ssyncset.done $0x0  }
0x247: {  	[sflag:s20] =	ssyncadd.s32 $0xFFFFFC00  }
0x248: {  	_ =	swait.ge [sflag:s20], $0x400  }
0x249: {  	[sflag:s20] =	ssyncset.done $0x0  }
0x24a: {  	[sflag:s20] =	ssyncadd.s32 $0xFFFFFC00  }
0x24b: {  	_ =	swait.ge [sflag:s20], $0x400  }
0x24c: {  	s26 =	sld [smem:$0x7F1]  }
0x24d: {  	s28 =	sld [smem:$0x7FD];
	_ =	sdelay $0x1  }
0x24e: {  	s19 =	sadd.s32 $0x1, s26  }
0x24f: {  	p1 =	sne.s32 s19, s28  }
.Ltmp16:
0x250: {  	_ = 	snop;
	(pc) =	sbr.rel @p1 .LBB2_1-.Ltmp16, $3  }
0x251: {  	_ =	sdelay $0x1  }
0x252: {  	[sflag:s20] =	ssyncset.done $0x0  }
0x253: {  	[sflag:s20] =	ssyncadd.s32 $0xFFFFFC00  }
0x254: {  	_ =	sfence.sel $0x180000  }
0x255: {  	[bflag:$0x0] =	sbarrier.arrive $0xFFFF  }
0x256: {  	_ =	strace $0x90000047  }
0x257: {  	[bflag:$0x2] =	sbarrier.arrive $0xFFFF  }
0x258: {  	s0 =	rddreg [dreg:$0x3]  }
0x259: {  	s0 =	sadd.s32 @!p0 $0x100000, s0  }
0x25a: {  	[sflag:s0] =	ssyncadd.tile.s32 @!p0 $0x1;
	_ =	shalt  }
.Lfunc_end2:
_tile_overlayer_lowered:
.L_overlay_start_2:
0x25b: {  	(tag) =	ssettag $0x2  }
0x25c: {  	s0 =	rddreg [dreg:$0x0];
	s2 =	stileid.u32  }
0x25d: {  	s1 =	rddreg [dreg:$0x1];
	p0 =	sne.s32 s2, $0x0  }
0x25e: {  	s3 =	rddreg [dreg:$0x2];
	[bflag:$0x3] =	sbarrier.arrive $0xFFFF;
	s2 =	simm.s32 @!p0 $0x1C03  }
0x25f: {  	[timem:s3], [sflag:s2] =	dma.local @!p0 [hbm:s0], s1  }
0x260: {  	s0 =	simm.s32 @!p0 $0x3  }
0x261: {  	_ =	swait.ge @!p0 [sflag:s0], s1  }
0x262: {  	s1 =	ssub.s32 @!p0 $0x0, s1;
	[sflag:s0] =	ssyncset.done @!p0 $0x0  }
0x263: {  	[sflag:s0] =	ssyncadd.s32 @!p0 s1  }
0x264: {  	[bflag:$0x3] =	sbarrier.arrive $0xFFFF  }
0x265: {  	_ =	shalt  }

</sc_bundles>
